<compile_context>
chip_gen: v7x
topology: tpu7x:2x2x1
jax: 0.10.2.dev20260603
libtpu: 0.0.44.dev20260713+nightly
codegen_flags: <defaults>
</compile_context>

<pallas_src>
import functools

import jax
import jax.numpy as jnp
from jax import lax
from jax.experimental import pallas as pl
from jax.experimental.pallas import tpu as pltpu
from jax.experimental.pallas import tpu_sc as plsc

N = 10000
E = 320000
G = 128
D = 128
D2 = 256
EPS = 1e-5

NC = 2
NS = 16
K = 125
EPT = E // (NC * NS)
NCHUNK = EPT // K
NPAD = 10240
RPS = NPAD // NS


def _sc_agg_body(h_hbm, src_hbm, dst_hbm, zrows_hbm, parts_hbm,
                 src_v, dst_v, rows_v, agg_sh):
    c = lax.axis_index("c")
    s = lax.axis_index("s")
    wid = c * NS + s
    pltpu.sync_copy(zrows_hbm, agg_sh.at[pl.ds(s * RPS, RPS)])
    base = wid * NCHUNK
    pltpu.sync_copy(src_hbm.at[pl.ds(base, NCHUNK)], src_v)
    pltpu.sync_copy(dst_hbm.at[pl.ds(base, NCHUNK)], dst_v)
    plsc.subcore_barrier()

    def chunk(j, carry):
        pltpu.sync_copy(h_hbm.at[src_v.at[j]], rows_v)
        pltpu.sync_copy(rows_v, agg_sh.at[dst_v.at[j]], add=True)
        return carry

    lax.fori_loop(0, NCHUNK, chunk, 0)
    plsc.subcore_barrier()
    pltpu.sync_copy(agg_sh.at[pl.ds(s * RPS, RPS)],
                    parts_hbm.at[c, pl.ds(s * RPS, RPS)])


def _sc_agg(h, src2d, dst2d, zrows):
    mesh = plsc.VectorSubcoreMesh(core_axis_name="c", subcore_axis_name="s")
    return pl.kernel(
        _sc_agg_body,
        out_type=jax.ShapeDtypeStruct((NC, NPAD, D), jnp.float32),
        mesh=mesh,
        scratch_types=[
            pltpu.VMEM((NCHUNK, K), jnp.int32),
            pltpu.VMEM((NCHUNK, K), jnp.int32),
            pltpu.VMEM((K, D), jnp.float32),
            pltpu.VMEM_SHARED((NPAD, D), jnp.float32),
        ],
    )(h, src2d, dst2d, zrows)


BLK = 1000
NG = N // BLK
TPB = BLK // 8
HALF = NG // 2


def _fold8(a):
    x = a[0:4] + a[4:8]
    x = x[0:2] + x[2:4]
    return x[0:1] + x[1:2]


def _acc_half(val_ref, acc_ref, base, fn):
    part = acc_ref[base:base + 8, :]

    def body(t, p):
        return p + fn(val_ref[pl.ds(t * 8, 8), :])

    acc_ref[base:base + 8, :] = lax.fori_loop(0, TPB, body, part)


def _acc_stats(val_ref, acc_ref, i, fn=lambda x: x):
    @pl.when(i == 0)
    def _():
        acc_ref[...] = jnp.zeros_like(acc_ref)

    @pl.when(i < HALF)
    def _():
        _acc_half(val_ref, acc_ref, 0, fn)

    @pl.when(i >= HALF)
    def _():
        _acc_half(val_ref, acc_ref, 8, fn)


def _mean_from_acc(acc_ref):
    return (_fold8(acc_ref[0:8, :]) + _fold8(acc_ref[8:16, :])) * jnp.float32(1.0 / N)


def _t1_body(x_ref, p_ref, w_ref, b_ref, z_ref, acc_ref):
    i = pl.program_id(0)
    u = x_ref[...] + p_ref[0] + p_ref[1]
    z = jnp.dot(u, w_ref[...], preferred_element_type=jnp.float32) + b_ref[...]
    z_ref[...] = z
    _acc_stats(z_ref, acc_ref, i)


def _t1(x, parts, w, b):
    return pl.pallas_call(
        _t1_body,
        grid=(NG,),
        in_specs=[
            pl.BlockSpec((BLK, D), lambda i: (i, 0)),
            pl.BlockSpec((NC, BLK, D), lambda i: (0, i, 0)),
            pl.BlockSpec((D, D2), lambda i: (0, 0)),
            pl.BlockSpec((1, D2), lambda i: (0, 0)),
        ],
        out_specs=[
            pl.BlockSpec((BLK, D2), lambda i: (i, 0)),
            pl.BlockSpec((16, D2), lambda i: (0, 0)),
        ],
        out_shape=[
            jax.ShapeDtypeStruct((N, D2), jnp.float32),
            jax.ShapeDtypeStruct((16, D2), jnp.float32),
        ],
    )(x, parts, w, b)


def _sq_body(z_ref, acc_ref, sq_ref):
    i = pl.program_id(0)
    mu = _mean_from_acc(acc_ref)
    _acc_stats(z_ref, sq_ref, i, fn=lambda x: (x - mu) * (x - mu))


def _sq(z, acc, dim):
    return pl.pallas_call(
        _sq_body,
        grid=(NG,),
        in_specs=[
            pl.BlockSpec((BLK, dim), lambda i: (i, 0)),
            pl.BlockSpec((16, dim), lambda i: (0, 0)),
        ],
        out_specs=pl.BlockSpec((16, dim), lambda i: (0, 0)),
        out_shape=jax.ShapeDtypeStruct((16, dim), jnp.float32),
    )(z, acc)


def _bn_apply(v, acc_ref, sq_ref, g_ref, bb_ref):
    mu = _mean_from_acc(acc_ref)
    var = (_fold8(sq_ref[0:8, :]) + _fold8(sq_ref[8:16, :])) * jnp.float32(1.0 / N)
    return (v - mu) / jnp.sqrt(var + EPS) * g_ref[...] + bb_ref[...]


def _t2_body(z_ref, acc_ref, sq_ref, g_ref, bb_ref, w_ref, b_ref,
             t_ref, acct_ref):
    i = pl.program_id(0)
    h = jax.nn.relu(_bn_apply(z_ref[...], acc_ref, sq_ref, g_ref, bb_ref))
    t = jnp.dot(h, w_ref[...], preferred_element_type=jnp.float32) + b_ref[...]
    t_ref[...] = t
    _acc_stats(t_ref, acct_ref, i)


def _t2(z, acc, sq, g, bb, w, b):
    return pl.pallas_call(
        _t2_body,
        grid=(NG,),
        in_specs=[
            pl.BlockSpec((BLK, D2), lambda i: (i, 0)),
            pl.BlockSpec((16, D2), lambda i: (0, 0)),
            pl.BlockSpec((16, D2), lambda i: (0, 0)),
            pl.BlockSpec((1, D2), lambda i: (0, 0)),
            pl.BlockSpec((1, D2), lambda i: (0, 0)),
            pl.BlockSpec((D2, D), lambda i: (0, 0)),
            pl.BlockSpec((1, D), lambda i: (0, 0)),
        ],
        out_specs=[
            pl.BlockSpec((BLK, D), lambda i: (i, 0)),
            pl.BlockSpec((16, D), lambda i: (0, 0)),
        ],
        out_shape=[
            jax.ShapeDtypeStruct((N, D), jnp.float32),
            jax.ShapeDtypeStruct((16, D), jnp.float32),
        ],
    )(z, acc, sq, g, bb, w, b)


def _t3a_body(t_ref, acc_ref, sq_ref, g_ref, bb_ref, emb_ref, u_ref):
    h = jax.nn.relu(_bn_apply(t_ref[...], acc_ref, sq_ref, g_ref, bb_ref))
    u_ref[...] = h + emb_ref[...]


def _t3a(t, acc, sq, g, bb, emb):
    return pl.pallas_call(
        _t3a_body,
        grid=(NG,),
        in_specs=[
            pl.BlockSpec((BLK, D), lambda i: (i, 0)),
            pl.BlockSpec((16, D), lambda i: (0, 0)),
            pl.BlockSpec((16, D), lambda i: (0, 0)),
            pl.BlockSpec((1, D), lambda i: (0, 0)),
            pl.BlockSpec((1, D), lambda i: (0, 0)),
            pl.BlockSpec((1, D), lambda i: (0, 0)),
        ],
        out_specs=pl.BlockSpec((BLK, D), lambda i: (i, 0)),
        out_shape=jax.ShapeDtypeStruct((N, D), jnp.float32),
    )(t, acc, sq, g, bb, emb)


def _onehot(batch_ref):
    iota = lax.broadcasted_iota(jnp.int32, (BLK, G), 1)
    return (batch_ref[...] == iota).astype(jnp.float32)


def _t3b_body(t_ref, acc_ref, sq_ref, g_ref, bb_ref, batch_ref,
              h_ref, pooled_ref):
    i = pl.program_id(0)
    h = jax.nn.relu(_bn_apply(t_ref[...], acc_ref, sq_ref, g_ref, bb_ref))
    h_ref[...] = h

    @pl.when(i == 0)
    def _():
        pooled_ref[...] = jnp.zeros_like(pooled_ref)

    def body(j, carry):
        g = batch_ref[j, 0]
        pooled_ref[pl.ds(g, 1), :] += h_ref[pl.ds(j, 1), :]
        return carry

    lax.fori_loop(0, BLK, body, 0)


def _t3b(t, acc, sq, g, bb, batch2d):
    return pl.pallas_call(
        _t3b_body,
        grid=(NG,),
        in_specs=[
            pl.BlockSpec((BLK, D), lambda i: (i, 0)),
            pl.BlockSpec((16, D), lambda i: (0, 0)),
            pl.BlockSpec((16, D), lambda i: (0, 0)),
            pl.BlockSpec((1, D), lambda i: (0, 0)),
            pl.BlockSpec((1, D), lambda i: (0, 0)),
            pl.BlockSpec((BLK, 1), lambda i: (i, 0)),
        ],
        out_specs=[
            pl.BlockSpec((BLK, D), lambda i: (i, 0)),
            pl.BlockSpec((G, D), lambda i: (0, 0)),
        ],
        out_shape=[
            jax.ShapeDtypeStruct((N, D), jnp.float32),
            jax.ShapeDtypeStruct((G, D), jnp.float32),
        ],
    )(t, acc, sq, g, bb, batch2d)


def _bn_full(z, g, bb):
    part = jnp.zeros_like(z[0:8, :])
    for t in range(16):
        part = part + z[8 * t:8 * t + 8, :]
    mu = _fold8(part) * jnp.float32(1.0 / G)
    d = z - mu
    dsq = d * d
    part = jnp.zeros_like(z[0:8, :])
    for t in range(16):
        part = part + dsq[8 * t:8 * t + 8, :]
    var = _fold8(part) * jnp.float32(1.0 / G)
    return d / jnp.sqrt(var + EPS) * g + bb


def _t4_body(pooled_ref, vf_ref, w1_ref, b1_ref, g1_ref, bb1_ref,
             w2_ref, b2_ref, g2_ref, bb2_ref, out_ref):
    xin = pooled_ref[...] + vf_ref[...]
    z = jnp.dot(xin, w1_ref[...], preferred_element_type=jnp.float32) + b1_ref[...]
    h = jax.nn.relu(_bn_full(z, g1_ref[...], bb1_ref[...]))
    z2 = jnp.dot(h, w2_ref[...], preferred_element_type=jnp.float32) + b2_ref[...]
    out_ref[...] = jax.nn.relu(_bn_full(z2, g2_ref[...], bb2_ref[...]))


def _t4(pooled, vf, w1, b1, g1, bb1, w2, b2, g2, bb2):
    return pl.pallas_call(
        _t4_body,
        out_shape=jax.ShapeDtypeStruct((G, D), jnp.float32),
    )(pooled, vf, w1, b1, g1, bb1, w2, b2, g2, bb2)


def _t5_body(h_ref, batch_ref, vf_ref, u_ref):
    oh = _onehot(batch_ref)
    u_ref[...] = h_ref[...] + jnp.dot(oh, vf_ref[...],
                                      preferred_element_type=jnp.float32,
                                      precision=lax.Precision.HIGHEST)


def _t5(h, batch2d, vf):
    return pl.pallas_call(
        _t5_body,
        grid=(NG,),
        in_specs=[
            pl.BlockSpec((BLK, D), lambda i: (i, 0)),
            pl.BlockSpec((BLK, 1), lambda i: (i, 0)),
            pl.BlockSpec((G, D), lambda i: (0, 0)),
        ],
        out_specs=pl.BlockSpec((BLK, D), lambda i: (i, 0)),
        out_shape=jax.ShapeDtypeStruct((N, D), jnp.float32),
    )(h, batch2d, vf)


def _t3c_body(t_ref, acc_ref, sq_ref, g_ref, bb_ref, batch_ref,
              out_ref, cnt_ref):
    i = pl.program_id(0)
    h = _bn_apply(t_ref[...], acc_ref, sq_ref, g_ref, bb_ref)
    oh = _onehot(batch_ref)

    @pl.when(i == 0)
    def _():
        out_ref[...] = jnp.zeros_like(out_ref)
        cnt_ref[...] = jnp.zeros_like(cnt_ref)

    out_ref[...] += lax.dot_general(oh, h, (((0,), (0,)), ((), ())),
                                    preferred_element_type=jnp.float32,
                                    precision=lax.Precision.HIGHEST)
    ones = jnp.ones((BLK, D), jnp.float32)
    cnt_ref[...] += lax.dot_general(oh, ones, (((0,), (0,)), ((), ())),
                                    preferred_element_type=jnp.float32,
                                    precision=lax.Precision.HIGHEST)

    @pl.when(i == NG - 1)
    def _():
        out_ref[...] = out_ref[...] / jnp.maximum(cnt_ref[...], 1.0)


def _t3c(t, acc, sq, g, bb, batch2d):
    return pl.pallas_call(
        _t3c_body,
        grid=(NG,),
        in_specs=[
            pl.BlockSpec((BLK, D), lambda i: (i, 0)),
            pl.BlockSpec((16, D), lambda i: (0, 0)),
            pl.BlockSpec((16, D), lambda i: (0, 0)),
            pl.BlockSpec((1, D), lambda i: (0, 0)),
            pl.BlockSpec((1, D), lambda i: (0, 0)),
            pl.BlockSpec((BLK, 1), lambda i: (i, 0)),
        ],
        out_specs=pl.BlockSpec((G, D), lambda i: (0, 0)),
        out_shape=jax.ShapeDtypeStruct((G, D), jnp.float32),
        scratch_shapes=[pltpu.VMEM((G, D), jnp.float32)],
    )(t, acc, sq, g, bb, batch2d)


def _row(v):
    return v.reshape(1, -1)


def _conv(u, parts, cp):
    z, acc_z = _t1(u, parts, cp['lin1']['W'], _row(cp['lin1']['b']))
    sq_z = _sq(z, acc_z, D2)
    t, acc_t = _t2(z, acc_z, sq_z, _row(cp['bn']['g']), _row(cp['bn']['b']),
                   cp['lin2']['W'], _row(cp['lin2']['b']))
    sq_t = _sq(t, acc_t, D)
    return t, acc_t, sq_t


def kernel(x, edge_index, batch, params):
    order = jnp.argsort(edge_index[1], stable=True)
    src2d = edge_index[0][order].reshape(E // K, K)
    dst2d = edge_index[1][order].reshape(E // K, K)
    batch2d = batch.reshape(N, 1)
    zrows = jnp.zeros((RPS, D), jnp.float32)

    c1 = params['conv1']
    cs = params['convs']
    bns = params['bns']
    vm = params['vmlp']
    emb = params['emb']

    p1 = _sc_agg(x, src2d, dst2d, zrows)
    t1, acc1, sq1 = _conv(x, p1, c1)
    u2 = _t3a(t1, acc1, sq1, _row(params['bn1']['g']), _row(params['bn1']['b']), emb)

    p2 = _sc_agg(u2, src2d, dst2d, zrows)
    t2, acc2, sq2 = _conv(u2, p2, cs[0])
    h2, pooled = _t3b(t2, acc2, sq2, _row(bns[0]['g']), _row(bns[0]['b']), batch2d)

    vfeat0 = jnp.broadcast_to(emb, (G, D))
    vfeat1 = _t4(pooled, vfeat0,
                 vm['lin1']['W'], _row(vm['lin1']['b']),
                 _row(vm['bn1']['g']), _row(vm['bn1']['b']),
                 vm['lin2']['W'], _row(vm['lin2']['b']),
                 _row(vm['bn2']['g']), _row(vm['bn2']['b']))

    u3 = _t5(h2, batch2d, vfeat1)

    p3 = _sc_agg(u3, src2d, dst2d, zrows)
    t3, acc3, sq3 = _conv(u3, p3, cs[1])
    return _t3c(t3, acc3, sq3, _row(bns[1]['g']), _row(bns[1]['b']), batch2d)

# --- scband reference (transcript-rebuilt; emitter-appended) ---
"""Pipeline reference for scband-v-ginencoder-65111704207431 (READ-ONLY COPY).

The authoritative reference and input builder live on the scoring server;
editing this copy changes nothing except your own understanding.
"""

import jax, jax.numpy as jnp
import numpy as np

N=10000; E=320000; G=128; D=128; LAYERS=3

def _lin(k,din,dout):
    return {'W': jax.random.normal(k,(din,dout),jnp.float32)*0.05, 'b': jnp.zeros((dout,),jnp.float32)}

def _bn(d):
    return {'g': jnp.ones((d,),jnp.float32), 'b': jnp.zeros((d,),jnp.float32)}

def _conv_params(k,din):
    k1,k2=jax.random.split(k)
    return {'lin1':_lin(k1,din,2*D), 'bn':_bn(2*D), 'lin2':_lin(k2,2*D,D)}

def setup_inputs():
    key=jax.random.key(0)
    ks=jax.random.split(key,12)
    x=jax.random.normal(ks[0],(N,D),jnp.float32)
    edge_index=jax.random.randint(ks[1],(2,E),0,N,dtype=jnp.int32)
    batch=jnp.sort(jax.random.randint(ks[2],(N,),0,G,dtype=jnp.int32))
    params={
        'emb': jax.random.normal(ks[3],(1,D),jnp.float32)*0.05,
        'conv1': _conv_params(ks[4],D),
        'bn1': _bn(D),
        'convs': [_conv_params(ks[5+i],D) for i in range(LAYERS-1)],
        'bns': [_bn(D) for _ in range(LAYERS-1)],
        'vmlp': {'lin1':_lin(ks[8],D,2*D),'bn1':_bn(2*D),'lin2':_lin(ks[9],2*D,D),'bn2':_bn(D)},
    }
    return {'x':x,'edge_index':edge_index,'batch':batch,'params':params}

def _linear(x,p):
    return x@p['W']+p['b']

def _batchnorm(x,p,eps=1e-5):
    mu=x.mean(0); var=((x-mu)**2).mean(0)
    return (x-mu)/jnp.sqrt(var+eps)*p['g']+p['b']

def _gin_conv(x,edge_index,p):
    src,dst=edge_index[0],edge_index[1]
    agg=jnp.zeros_like(x).at[dst].add(x[src])
    h=x+agg
    h=_linear(h,p['lin1']); h=_batchnorm(h,p['bn']); h=jax.nn.relu(h); h=_linear(h,p['lin2'])
    return h

def _virtual_mlp(x,p):
    h=jax.nn.relu(_batchnorm(_linear(x,p['lin1']),p['bn1']))
    return jax.nn.relu(_batchnorm(_linear(h,p['lin2']),p['bn2']))

def _forward(x,params,edge_index,batch,num_graphs):
    vfeat=params['emb'][jnp.zeros((num_graphs,),jnp.int32)]
    h=jax.nn.relu(_batchnorm(_gin_conv(x,edge_index,params['conv1']),params['bn1']))
    n=len(params['convs'])
    for i in range(n):
        h=h+vfeat[batch]
        h=_batchnorm(_gin_conv(h,edge_index,params['convs'][i]),params['bns'][i])
        if i<n-1:
            h=jax.nn.relu(h)
            pooled=jax.ops.segment_sum(h,batch,num_segments=num_graphs)
            vfeat=_virtual_mlp(pooled+vfeat,params['vmlp'])
    sums=jax.ops.segment_sum(h,batch,num_segments=num_graphs)
    counts=jax.ops.segment_sum(jnp.ones((h.shape[0],1),h.dtype),batch,num_segments=num_graphs)
    return sums/jnp.maximum(counts,1.0)

def reference(x,edge_index,batch,params):
    num_graphs=G
    return _forward(x,params,edge_index,batch,num_graphs)

if __name__ == "__main__":
    import jax
    _d = setup_inputs()
    print(jax.jit(kernel)(*tuple(_d.values())))

</pallas_src>

<mosaic_0001>
#map = affine_map<(d0, d1) -> (0, 0)>
#map1 = affine_map<(d0, d1) -> (0, 0, 0)>
module attributes {stable_mosaic.version = 14 : i64} {
  func.func @_sc_agg_body(%arg0: i32, %arg1: i32, %arg2: memref<10000x128xf32, #tpu.memory_space<hbm>>, %arg3: memref<2560x125xi32, #tpu.memory_space<hbm>>, %arg4: memref<2560x125xi32, #tpu.memory_space<hbm>>, %arg5: memref<640x128xf32, #tpu.memory_space<hbm>>, %arg6: memref<2x10240x128xf32, #tpu.memory_space<hbm>>, %arg7: memref<80x125xi32, #tpu.memory_space<vmem>>, %arg8: memref<80x125xi32, #tpu.memory_space<vmem>>, %arg9: memref<125x128xf32, #tpu.memory_space<vmem>>, %arg10: memref<10240x128xf32, #tpu.memory_space<vmem_shared>>) attributes {dimension_semantics = [#tpu.dimension_semantics<core_parallel>, #tpu.dimension_semantics<subcore_parallel>], iteration_bounds = array<i64: 2, 16>, scalar_prefetch = 0 : i64, scratch_operands = 4 : i64, tpu.core_type = #tpu.core_type<sc_vector_subcore>, window_params = [{transform_indices = #map}, {transform_indices = #map}, {transform_indices = #map}, {transform_indices = #map}, {transform_indices = #map1}]} {
    %mul3A = arith.constant 16 : i32
    %mul3A_0 = arith.muli %arg0, %mul3A : i32
    %add3A = arith.addi %mul3A_0, %arg1 : i32
    %mul3A_1 = arith.constant 640 : i32
    %mul3A_2 = arith.muli %arg1, %mul3A_1 : i32
    "tpu.region"() ({
      %run_scoped3A = tpu.sem_alloc : memref<!tpu.dma_semaphore, #tpu.memory_space<semaphore_mem>>
      %dma_start3A = arith.constant 0 : i32
      %dma_start3A_15 = tpu.memref_slice %arg10[%mul3A_2, %dma_start3A] : memref<10240x128xf32, #tpu.memory_space<vmem_shared>> -> memref<640x128xf32, #tpu.memory_space<vmem_shared>>
      tpu.enqueue_dma source(%arg5 : memref<640x128xf32, #tpu.memory_space<hbm>>) target(%dma_start3A_15 : memref<640x128xf32, #tpu.memory_space<vmem_shared>>) target_semaphore(%run_scoped3A : memref<!tpu.dma_semaphore, #tpu.memory_space<semaphore_mem>>)
      %dma_wait3A = arith.constant 0 : i32
      %dma_wait3A_16 = tpu.memref_slice %arg10[%mul3A_2, %dma_wait3A] : memref<10240x128xf32, #tpu.memory_space<vmem_shared>> -> memref<640x128xf32, #tpu.memory_space<vmem_shared>>
      tpu.wait_dma2 semaphore(%run_scoped3A : memref<!tpu.dma_semaphore, #tpu.memory_space<semaphore_mem>>) src(%arg5 : memref<640x128xf32, #tpu.memory_space<hbm>>) dst(%dma_wait3A_16 : memref<640x128xf32, #tpu.memory_space<vmem_shared>>)
      tpu.yield
    }) : () -> ()
    %mul3A_3 = arith.constant 80 : i32
    %mul3A_4 = arith.muli %add3A, %mul3A_3 : i32
    "tpu.region"() ({
      %run_scoped3A = tpu.sem_alloc : memref<!tpu.dma_semaphore, #tpu.memory_space<semaphore_mem>>
      %dma_start3A = arith.constant 0 : i32
      %dma_start3A_15 = tpu.memref_slice %arg3[%mul3A_4, %dma_start3A] : memref<2560x125xi32, #tpu.memory_space<hbm>> -> memref<80x125xi32, #tpu.memory_space<hbm>>
      %dma_start3A_16 = arith.constant 0 : i32
      %dma_start3A_17 = tpu.memref_slice %arg3[%mul3A_4, %dma_start3A_16] : memref<2560x125xi32, #tpu.memory_space<hbm>> -> memref<80x125xi32, #tpu.memory_space<hbm>>
      tpu.enqueue_dma source(%dma_start3A_17 : memref<80x125xi32, #tpu.memory_space<hbm>>) target(%arg7 : memref<80x125xi32, #tpu.memory_space<vmem>>) target_semaphore(%run_scoped3A : memref<!tpu.dma_semaphore, #tpu.memory_space<semaphore_mem>>)
      %dma_wait3A = arith.constant 0 : i32
      %dma_wait3A_18 = tpu.memref_slice %arg3[%mul3A_4, %dma_wait3A] : memref<2560x125xi32, #tpu.memory_space<hbm>> -> memref<80x125xi32, #tpu.memory_space<hbm>>
      %dma_wait3A_19 = arith.constant 0 : i32
      %dma_wait3A_20 = tpu.memref_slice %arg3[%mul3A_4, %dma_wait3A_19] : memref<2560x125xi32, #tpu.memory_space<hbm>> -> memref<80x125xi32, #tpu.memory_space<hbm>>
      tpu.wait_dma2 semaphore(%run_scoped3A : memref<!tpu.dma_semaphore, #tpu.memory_space<semaphore_mem>>) src(%dma_wait3A_20 : memref<80x125xi32, #tpu.memory_space<hbm>>) dst(%arg7 : memref<80x125xi32, #tpu.memory_space<vmem>>)
      tpu.yield
    }) : () -> ()
    "tpu.region"() ({
      %run_scoped3A = tpu.sem_alloc : memref<!tpu.dma_semaphore, #tpu.memory_space<semaphore_mem>>
      %dma_start3A = arith.constant 0 : i32
      %dma_start3A_15 = tpu.memref_slice %arg4[%mul3A_4, %dma_start3A] : memref<2560x125xi32, #tpu.memory_space<hbm>> -> memref<80x125xi32, #tpu.memory_space<hbm>>
      %dma_start3A_16 = arith.constant 0 : i32
      %dma_start3A_17 = tpu.memref_slice %arg4[%mul3A_4, %dma_start3A_16] : memref<2560x125xi32, #tpu.memory_space<hbm>> -> memref<80x125xi32, #tpu.memory_space<hbm>>
      tpu.enqueue_dma source(%dma_start3A_17 : memref<80x125xi32, #tpu.memory_space<hbm>>) target(%arg8 : memref<80x125xi32, #tpu.memory_space<vmem>>) target_semaphore(%run_scoped3A : memref<!tpu.dma_semaphore, #tpu.memory_space<semaphore_mem>>)
      %dma_wait3A = arith.constant 0 : i32
      %dma_wait3A_18 = tpu.memref_slice %arg4[%mul3A_4, %dma_wait3A] : memref<2560x125xi32, #tpu.memory_space<hbm>> -> memref<80x125xi32, #tpu.memory_space<hbm>>
      %dma_wait3A_19 = arith.constant 0 : i32
      %dma_wait3A_20 = tpu.memref_slice %arg4[%mul3A_4, %dma_wait3A_19] : memref<2560x125xi32, #tpu.memory_space<hbm>> -> memref<80x125xi32, #tpu.memory_space<hbm>>
      tpu.wait_dma2 semaphore(%run_scoped3A : memref<!tpu.dma_semaphore, #tpu.memory_space<semaphore_mem>>) src(%dma_wait3A_20 : memref<80x125xi32, #tpu.memory_space<hbm>>) dst(%arg8 : memref<80x125xi32, #tpu.memory_space<vmem>>)
      tpu.yield
    }) : () -> ()
    %barrier3A = arith.constant 0 : index
    tpu.barrier barrier_id(%barrier3A)
    %scan3A = arith.constant 0 : i32
    %scan3A_5 = arith.constant 0 : i32
    %scan3A_6 = arith.constant 80 : i32
    %scan3A_7 = arith.addi %scan3A_5, %scan3A_6 : i32
    %scan3A_8 = arith.constant 1 : i32
    scf.for %scan3A_15 = %scan3A_5 to %scan3A_7 step %scan3A_8  : i32 {
      "tpu.region"() ({
        %run_scoped3A = tpu.sem_alloc : memref<!tpu.dma_semaphore, #tpu.memory_space<semaphore_mem>>
        %dma_start3A = arith.constant 0 : i32
        %dma_start3A_16 = tpu.memref_slice %arg7[%scan3A_15, %dma_start3A] : memref<80x125xi32, #tpu.memory_space<vmem>> -> memref<1x125xi32, #tpu.memory_space<vmem>>
        %dma_start3A_17 = tpu.memref_squeeze %dma_start3A_16 : memref<1x125xi32, #tpu.memory_space<vmem>> -> memref<125xi32, #tpu.memory_space<vmem>>
        %dma_start3A_18 = arith.constant 0 : i32
        %dma_start3A_19 = arith.constant 0 : i32
        %dma_start3A_20 = tpu.memref_slice %arg2[%dma_start3A_18, %dma_start3A_19] : memref<10000x128xf32, #tpu.memory_space<hbm>> -> memref<10000x128xf32, #tpu.memory_space<hbm>>
        tpu.enqueue_indirect_dma source(%dma_start3A_20 : memref<10000x128xf32, #tpu.memory_space<hbm>>) target(%arg9 : memref<125x128xf32, #tpu.memory_space<vmem>>) offsets(%dma_start3A_17 : memref<125xi32, #tpu.memory_space<vmem>>) semaphore(%run_scoped3A : memref<!tpu.dma_semaphore, #tpu.memory_space<semaphore_mem>>)
        %dma_wait3A = arith.constant 0 : i32
        %dma_wait3A_21 = tpu.memref_slice %arg7[%scan3A_15, %dma_wait3A] : memref<80x125xi32, #tpu.memory_space<vmem>> -> memref<1x125xi32, #tpu.memory_space<vmem>>
        %dma_wait3A_22 = tpu.memref_squeeze %dma_wait3A_21 : memref<1x125xi32, #tpu.memory_space<vmem>> -> memref<125xi32, #tpu.memory_space<vmem>>
        %dma_wait3A_23 = arith.constant 0 : i32
        %dma_wait3A_24 = arith.constant 0 : i32
        %dma_wait3A_25 = tpu.memref_slice %arg2[%dma_wait3A_23, %dma_wait3A_24] : memref<10000x128xf32, #tpu.memory_space<hbm>> -> memref<10000x128xf32, #tpu.memory_space<hbm>>
        tpu.wait_indirect_dma semaphore(%run_scoped3A : memref<!tpu.dma_semaphore, #tpu.memory_space<semaphore_mem>>) src(%dma_wait3A_25 : memref<10000x128xf32, #tpu.memory_space<hbm>>) dst(%arg9 : memref<125x128xf32, #tpu.memory_space<vmem>>)
        tpu.yield
      }) : () -> ()
      "tpu.region"() ({
        %run_scoped3A = tpu.sem_alloc : memref<!tpu.dma_semaphore, #tpu.memory_space<semaphore_mem>>
        %dma_start3A = arith.constant 0 : i32
        %dma_start3A_16 = tpu.memref_slice %arg8[%scan3A_15, %dma_start3A] : memref<80x125xi32, #tpu.memory_space<vmem>> -> memref<1x125xi32, #tpu.memory_space<vmem>>
        %dma_start3A_17 = tpu.memref_squeeze %dma_start3A_16 : memref<1x125xi32, #tpu.memory_space<vmem>> -> memref<125xi32, #tpu.memory_space<vmem>>
        %dma_start3A_18 = arith.constant 0 : i32
        %dma_start3A_19 = arith.constant 0 : i32
        %dma_start3A_20 = tpu.memref_slice %arg10[%dma_start3A_18, %dma_start3A_19] : memref<10240x128xf32, #tpu.memory_space<vmem_shared>> -> memref<10240x128xf32, #tpu.memory_space<vmem_shared>>
        tpu.enqueue_indirect_dma source(%arg9 : memref<125x128xf32, #tpu.memory_space<vmem>>) target(%dma_start3A_20 : memref<10240x128xf32, #tpu.memory_space<vmem_shared>>) offsets(%dma_start3A_17 : memref<125xi32, #tpu.memory_space<vmem>>) semaphore(%run_scoped3A : memref<!tpu.dma_semaphore, #tpu.memory_space<semaphore_mem>>) {add = true}
        %dma_wait3A = arith.constant 0 : i32
        %dma_wait3A_21 = tpu.memref_slice %arg8[%scan3A_15, %dma_wait3A] : memref<80x125xi32, #tpu.memory_space<vmem>> -> memref<1x125xi32, #tpu.memory_space<vmem>>
        %dma_wait3A_22 = tpu.memref_squeeze %dma_wait3A_21 : memref<1x125xi32, #tpu.memory_space<vmem>> -> memref<125xi32, #tpu.memory_space<vmem>>
        %dma_wait3A_23 = arith.constant 0 : i32
        %dma_wait3A_24 = arith.constant 0 : i32
        %dma_wait3A_25 = tpu.memref_slice %arg10[%dma_wait3A_23, %dma_wait3A_24] : memref<10240x128xf32, #tpu.memory_space<vmem_shared>> -> memref<10240x128xf32, #tpu.memory_space<vmem_shared>>
        tpu.wait_indirect_dma semaphore(%run_scoped3A : memref<!tpu.dma_semaphore, #tpu.memory_space<semaphore_mem>>) src(%arg9 : memref<125x128xf32, #tpu.memory_space<vmem>>) dst(%dma_wait3A_25 : memref<10240x128xf32, #tpu.memory_space<vmem_shared>>)
        tpu.yield
      }) : () -> ()
    }
    %scan3A_9 = arith.constant 80 : i32
    %barrier3A_10 = arith.constant 0 : index
    tpu.barrier barrier_id(%barrier3A_10)
    %mul3A_11 = arith.constant 640 : i32
    %mul3A_12 = arith.muli %arg1, %mul3A_11 : i32
    %mul3A_13 = arith.constant 640 : i32
    %mul3A_14 = arith.muli %arg1, %mul3A_13 : i32
    "tpu.region"() ({
      %run_scoped3A = tpu.sem_alloc : memref<!tpu.dma_semaphore, #tpu.memory_space<semaphore_mem>>
      %dma_start3A = arith.constant 0 : i32
      %dma_start3A_15 = tpu.memref_slice %arg6[%arg0, %mul3A_14, %dma_start3A] : memref<2x10240x128xf32, #tpu.memory_space<hbm>> -> memref<1x640x128xf32, #tpu.memory_space<hbm>>
      %dma_start3A_16 = tpu.memref_squeeze %dma_start3A_15 : memref<1x640x128xf32, #tpu.memory_space<hbm>> -> memref<640x128xf32, #tpu.memory_space<hbm>>
      %dma_start3A_17 = arith.constant 0 : i32
      %dma_start3A_18 = tpu.memref_slice %arg10[%mul3A_12, %dma_start3A_17] : memref<10240x128xf32, #tpu.memory_space<vmem_shared>> -> memref<640x128xf32, #tpu.memory_space<vmem_shared>>
      tpu.enqueue_dma source(%dma_start3A_18 : memref<640x128xf32, #tpu.memory_space<vmem_shared>>) target(%dma_start3A_16 : memref<640x128xf32, #tpu.memory_space<hbm>>) target_semaphore(%run_scoped3A : memref<!tpu.dma_semaphore, #tpu.memory_space<semaphore_mem>>)
      %dma_wait3A = arith.constant 0 : i32
      %dma_wait3A_19 = tpu.memref_slice %arg6[%arg0, %mul3A_14, %dma_wait3A] : memref<2x10240x128xf32, #tpu.memory_space<hbm>> -> memref<1x640x128xf32, #tpu.memory_space<hbm>>
      %dma_wait3A_20 = tpu.memref_squeeze %dma_wait3A_19 : memref<1x640x128xf32, #tpu.memory_space<hbm>> -> memref<640x128xf32, #tpu.memory_space<hbm>>
      %dma_wait3A_21 = arith.constant 0 : i32
      %dma_wait3A_22 = tpu.memref_slice %arg10[%mul3A_12, %dma_wait3A_21] : memref<10240x128xf32, #tpu.memory_space<vmem_shared>> -> memref<640x128xf32, #tpu.memory_space<vmem_shared>>
      tpu.wait_dma2 semaphore(%run_scoped3A : memref<!tpu.dma_semaphore, #tpu.memory_space<semaphore_mem>>) src(%dma_wait3A_22 : memref<640x128xf32, #tpu.memory_space<vmem_shared>>) dst(%dma_wait3A_20 : memref<640x128xf32, #tpu.memory_space<hbm>>)
      tpu.yield
    }) : () -> ()
    return
  }
}

#map = affine_map<(d0, d1) -> (0, 0)>
#map1 = affine_map<(d0, d1) -> (0, 0, 0)>
module attributes {stable_mosaic.version = 14 : i64} {
  func.func @_sc_agg_body(%arg0: i32, %arg1: i32, %arg2: memref<10000x128xf32, #tpu.memory_space<hbm>>, %arg3: memref<2560x125xi32, #tpu.memory_space<hbm>>, %arg4: memref<2560x125xi32, #tpu.memory_space<hbm>>, %arg5: memref<640x128xf32, #tpu.memory_space<hbm>>, %arg6: memref<2x10240x128xf32, #tpu.memory_space<hbm>>, %arg7: memref<80x125xi32, #tpu.memory_space<vmem>>, %arg8: memref<80x125xi32, #tpu.memory_space<vmem>>, %arg9: memref<125x128xf32, #tpu.memory_space<vmem>>, %arg10: memref<10240x128xf32, #tpu.memory_space<vmem_shared>>) attributes {dimension_semantics = [#tpu.dimension_semantics<core_parallel>, #tpu.dimension_semantics<subcore_parallel>], iteration_bounds = array<i64: 2, 16>, scalar_prefetch = 0 : i64, scratch_operands = 4 : i64, tpu.core_type = #tpu.core_type<sc_vector_subcore>, window_params = [{transform_indices = #map}, {transform_indices = #map}, {transform_indices = #map}, {transform_indices = #map}, {transform_indices = #map1}]} {
    %mul3A = arith.constant 16 : i32
    %mul3A_0 = arith.muli %arg0, %mul3A : i32
    %add3A = arith.addi %mul3A_0, %arg1 : i32
    %mul3A_1 = arith.constant 640 : i32
    %mul3A_2 = arith.muli %arg1, %mul3A_1 : i32
    "tpu.region"() ({
      %run_scoped3A = tpu.sem_alloc : memref<!tpu.dma_semaphore, #tpu.memory_space<semaphore_mem>>
      %dma_start3A = arith.constant 0 : i32
      %dma_start3A_15 = tpu.memref_slice %arg10[%mul3A_2, %dma_start3A] : memref<10240x128xf32, #tpu.memory_space<vmem_shared>> -> memref<640x128xf32, #tpu.memory_space<vmem_shared>>
      tpu.enqueue_dma source(%arg5 : memref<640x128xf32, #tpu.memory_space<hbm>>) target(%dma_start3A_15 : memref<640x128xf32, #tpu.memory_space<vmem_shared>>) target_semaphore(%run_scoped3A : memref<!tpu.dma_semaphore, #tpu.memory_space<semaphore_mem>>)
      %dma_wait3A = arith.constant 0 : i32
      %dma_wait3A_16 = tpu.memref_slice %arg10[%mul3A_2, %dma_wait3A] : memref<10240x128xf32, #tpu.memory_space<vmem_shared>> -> memref<640x128xf32, #tpu.memory_space<vmem_shared>>
      tpu.wait_dma2 semaphore(%run_scoped3A : memref<!tpu.dma_semaphore, #tpu.memory_space<semaphore_mem>>) src(%arg5 : memref<640x128xf32, #tpu.memory_space<hbm>>) dst(%dma_wait3A_16 : memref<640x128xf32, #tpu.memory_space<vmem_shared>>)
      tpu.yield
    }) : () -> ()
    %mul3A_3 = arith.constant 80 : i32
    %mul3A_4 = arith.muli %add3A, %mul3A_3 : i32
    "tpu.region"() ({
      %run_scoped3A = tpu.sem_alloc : memref<!tpu.dma_semaphore, #tpu.memory_space<semaphore_mem>>
      %dma_start3A = arith.constant 0 : i32
      %dma_start3A_15 = tpu.memref_slice %arg3[%mul3A_4, %dma_start3A] : memref<2560x125xi32, #tpu.memory_space<hbm>> -> memref<80x125xi32, #tpu.memory_space<hbm>>
      %dma_start3A_16 = arith.constant 0 : i32
      %dma_start3A_17 = tpu.memref_slice %arg3[%mul3A_4, %dma_start3A_16] : memref<2560x125xi32, #tpu.memory_space<hbm>> -> memref<80x125xi32, #tpu.memory_space<hbm>>
      tpu.enqueue_dma source(%dma_start3A_17 : memref<80x125xi32, #tpu.memory_space<hbm>>) target(%arg7 : memref<80x125xi32, #tpu.memory_space<vmem>>) target_semaphore(%run_scoped3A : memref<!tpu.dma_semaphore, #tpu.memory_space<semaphore_mem>>)
      %dma_wait3A = arith.constant 0 : i32
      %dma_wait3A_18 = tpu.memref_slice %arg3[%mul3A_4, %dma_wait3A] : memref<2560x125xi32, #tpu.memory_space<hbm>> -> memref<80x125xi32, #tpu.memory_space<hbm>>
      %dma_wait3A_19 = arith.constant 0 : i32
      %dma_wait3A_20 = tpu.memref_slice %arg3[%mul3A_4, %dma_wait3A_19] : memref<2560x125xi32, #tpu.memory_space<hbm>> -> memref<80x125xi32, #tpu.memory_space<hbm>>
      tpu.wait_dma2 semaphore(%run_scoped3A : memref<!tpu.dma_semaphore, #tpu.memory_space<semaphore_mem>>) src(%dma_wait3A_20 : memref<80x125xi32, #tpu.memory_space<hbm>>) dst(%arg7 : memref<80x125xi32, #tpu.memory_space<vmem>>)
      tpu.yield
    }) : () -> ()
    "tpu.region"() ({
      %run_scoped3A = tpu.sem_alloc : memref<!tpu.dma_semaphore, #tpu.memory_space<semaphore_mem>>
      %dma_start3A = arith.constant 0 : i32
      %dma_start3A_15 = tpu.memref_slice %arg4[%mul3A_4, %dma_start3A] : memref<2560x125xi32, #tpu.memory_space<hbm>> -> memref<80x125xi32, #tpu.memory_space<hbm>>
      %dma_start3A_16 = arith.constant 0 : i32
      %dma_start3A_17 = tpu.memref_slice %arg4[%mul3A_4, %dma_start3A_16] : memref<2560x125xi32, #tpu.memory_space<hbm>> -> memref<80x125xi32, #tpu.memory_space<hbm>>
      tpu.enqueue_dma source(%dma_start3A_17 : memref<80x125xi32, #tpu.memory_space<hbm>>) target(%arg8 : memref<80x125xi32, #tpu.memory_space<vmem>>) target_semaphore(%run_scoped3A : memref<!tpu.dma_semaphore, #tpu.memory_space<semaphore_mem>>)
      %dma_wait3A = arith.constant 0 : i32
      %dma_wait3A_18 = tpu.memref_slice %arg4[%mul3A_4, %dma_wait3A] : memref<2560x125xi32, #tpu.memory_space<hbm>> -> memref<80x125xi32, #tpu.memory_space<hbm>>
      %dma_wait3A_19 = arith.constant 0 : i32
      %dma_wait3A_20 = tpu.memref_slice %arg4[%mul3A_4, %dma_wait3A_19] : memref<2560x125xi32, #tpu.memory_space<hbm>> -> memref<80x125xi32, #tpu.memory_space<hbm>>
      tpu.wait_dma2 semaphore(%run_scoped3A : memref<!tpu.dma_semaphore, #tpu.memory_space<semaphore_mem>>) src(%dma_wait3A_20 : memref<80x125xi32, #tpu.memory_space<hbm>>) dst(%arg8 : memref<80x125xi32, #tpu.memory_space<vmem>>)
      tpu.yield
    }) : () -> ()
    %barrier3A = arith.constant 0 : index
    tpu.barrier barrier_id(%barrier3A)
    %scan3A = arith.constant 0 : i32
    %scan3A_5 = arith.constant 0 : i32
    %scan3A_6 = arith.constant 80 : i32
    %scan3A_7 = arith.addi %scan3A_5, %scan3A_6 : i32
    %scan3A_8 = arith.constant 1 : i32
    scf.for %scan3A_15 = %scan3A_5 to %scan3A_7 step %scan3A_8  : i32 {
      "tpu.region"() ({
        %run_scoped3A = tpu.sem_alloc : memref<!tpu.dma_semaphore, #tpu.memory_space<semaphore_mem>>
        %dma_start3A = arith.constant 0 : i32
        %dma_start3A_16 = tpu.memref_slice %arg7[%scan3A_15, %dma_start3A] : memref<80x125xi32, #tpu.memory_space<vmem>> -> memref<1x125xi32, #tpu.memory_space<vmem>>
        %dma_start3A_17 = tpu.memref_squeeze %dma_start3A_16 : memref<1x125xi32, #tpu.memory_space<vmem>> -> memref<125xi32, #tpu.memory_space<vmem>>
        %dma_start3A_18 = arith.constant 0 : i32
        %dma_start3A_19 = arith.constant 0 : i32
        %dma_start3A_20 = tpu.memref_slice %arg2[%dma_start3A_18, %dma_start3A_19] : memref<10000x128xf32, #tpu.memory_space<hbm>> -> memref<10000x128xf32, #tpu.memory_space<hbm>>
        tpu.enqueue_indirect_dma source(%dma_start3A_20 : memref<10000x128xf32, #tpu.memory_space<hbm>>) target(%arg9 : memref<125x128xf32, #tpu.memory_space<vmem>>) offsets(%dma_start3A_17 : memref<125xi32, #tpu.memory_space<vmem>>) semaphore(%run_scoped3A : memref<!tpu.dma_semaphore, #tpu.memory_space<semaphore_mem>>)
        %dma_wait3A = arith.constant 0 : i32
        %dma_wait3A_21 = tpu.memref_slice %arg7[%scan3A_15, %dma_wait3A] : memref<80x125xi32, #tpu.memory_space<vmem>> -> memref<1x125xi32, #tpu.memory_space<vmem>>
        %dma_wait3A_22 = tpu.memref_squeeze %dma_wait3A_21 : memref<1x125xi32, #tpu.memory_space<vmem>> -> memref<125xi32, #tpu.memory_space<vmem>>
        %dma_wait3A_23 = arith.constant 0 : i32
        %dma_wait3A_24 = arith.constant 0 : i32
        %dma_wait3A_25 = tpu.memref_slice %arg2[%dma_wait3A_23, %dma_wait3A_24] : memref<10000x128xf32, #tpu.memory_space<hbm>> -> memref<10000x128xf32, #tpu.memory_space<hbm>>
        tpu.wait_indirect_dma semaphore(%run_scoped3A : memref<!tpu.dma_semaphore, #tpu.memory_space<semaphore_mem>>) src(%dma_wait3A_25 : memref<10000x128xf32, #tpu.memory_space<hbm>>) dst(%arg9 : memref<125x128xf32, #tpu.memory_space<vmem>>)
        tpu.yield
      }) : () -> ()
      "tpu.region"() ({
        %run_scoped3A = tpu.sem_alloc : memref<!tpu.dma_semaphore, #tpu.memory_space<semaphore_mem>>
        %dma_start3A = arith.constant 0 : i32
        %dma_start3A_16 = tpu.memref_slice %arg8[%scan3A_15, %dma_start3A] : memref<80x125xi32, #tpu.memory_space<vmem>> -> memref<1x125xi32, #tpu.memory_space<vmem>>
        %dma_start3A_17 = tpu.memref_squeeze %dma_start3A_16 : memref<1x125xi32, #tpu.memory_space<vmem>> -> memref<125xi32, #tpu.memory_space<vmem>>
        %dma_start3A_18 = arith.constant 0 : i32
        %dma_start3A_19 = arith.constant 0 : i32
        %dma_start3A_20 = tpu.memref_slice %arg10[%dma_start3A_18, %dma_start3A_19] : memref<10240x128xf32, #tpu.memory_space<vmem_shared>> -> memref<10240x128xf32, #tpu.memory_space<vmem_shared>>
        tpu.enqueue_indirect_dma source(%arg9 : memref<125x128xf32, #tpu.memory_space<vmem>>) target(%dma_start3A_20 : memref<10240x128xf32, #tpu.memory_space<vmem_shared>>) offsets(%dma_start3A_17 : memref<125xi32, #tpu.memory_space<vmem>>) semaphore(%run_scoped3A : memref<!tpu.dma_semaphore, #tpu.memory_space<semaphore_mem>>) {add = true}
        %dma_wait3A = arith.constant 0 : i32
        %dma_wait3A_21 = tpu.memref_slice %arg8[%scan3A_15, %dma_wait3A] : memref<80x125xi32, #tpu.memory_space<vmem>> -> memref<1x125xi32, #tpu.memory_space<vmem>>
        %dma_wait3A_22 = tpu.memref_squeeze %dma_wait3A_21 : memref<1x125xi32, #tpu.memory_space<vmem>> -> memref<125xi32, #tpu.memory_space<vmem>>
        %dma_wait3A_23 = arith.constant 0 : i32
        %dma_wait3A_24 = arith.constant 0 : i32
        %dma_wait3A_25 = tpu.memref_slice %arg10[%dma_wait3A_23, %dma_wait3A_24] : memref<10240x128xf32, #tpu.memory_space<vmem_shared>> -> memref<10240x128xf32, #tpu.memory_space<vmem_shared>>
        tpu.wait_indirect_dma semaphore(%run_scoped3A : memref<!tpu.dma_semaphore, #tpu.memory_space<semaphore_mem>>) src(%arg9 : memref<125x128xf32, #tpu.memory_space<vmem>>) dst(%dma_wait3A_25 : memref<10240x128xf32, #tpu.memory_space<vmem_shared>>)
        tpu.yield
      }) : () -> ()
    }
    %scan3A_9 = arith.constant 80 : i32
    %barrier3A_10 = arith.constant 0 : index
    tpu.barrier barrier_id(%barrier3A_10)
    %mul3A_11 = arith.constant 640 : i32
    %mul3A_12 = arith.muli %arg1, %mul3A_11 : i32
    %mul3A_13 = arith.constant 640 : i32
    %mul3A_14 = arith.muli %arg1, %mul3A_13 : i32
    "tpu.region"() ({
      %run_scoped3A = tpu.sem_alloc : memref<!tpu.dma_semaphore, #tpu.memory_space<semaphore_mem>>
      %dma_start3A = arith.constant 0 : i32
      %dma_start3A_15 = tpu.memref_slice %arg6[%arg0, %mul3A_14, %dma_start3A] : memref<2x10240x128xf32, #tpu.memory_space<hbm>> -> memref<1x640x128xf32, #tpu.memory_space<hbm>>
      %dma_start3A_16 = tpu.memref_squeeze %dma_start3A_15 : memref<1x640x128xf32, #tpu.memory_space<hbm>> -> memref<640x128xf32, #tpu.memory_space<hbm>>
      %dma_start3A_17 = arith.constant 0 : i32
      %dma_start3A_18 = tpu.memref_slice %arg10[%mul3A_12, %dma_start3A_17] : memref<10240x128xf32, #tpu.memory_space<vmem_shared>> -> memref<640x128xf32, #tpu.memory_space<vmem_shared>>
      tpu.enqueue_dma source(%dma_start3A_18 : memref<640x128xf32, #tpu.memory_space<vmem_shared>>) target(%dma_start3A_16 : memref<640x128xf32, #tpu.memory_space<hbm>>) target_semaphore(%run_scoped3A : memref<!tpu.dma_semaphore, #tpu.memory_space<semaphore_mem>>)
      %dma_wait3A = arith.constant 0 : i32
      %dma_wait3A_19 = tpu.memref_slice %arg6[%arg0, %mul3A_14, %dma_wait3A] : memref<2x10240x128xf32, #tpu.memory_space<hbm>> -> memref<1x640x128xf32, #tpu.memory_space<hbm>>
      %dma_wait3A_20 = tpu.memref_squeeze %dma_wait3A_19 : memref<1x640x128xf32, #tpu.memory_space<hbm>> -> memref<640x128xf32, #tpu.memory_space<hbm>>
      %dma_wait3A_21 = arith.constant 0 : i32
      %dma_wait3A_22 = tpu.memref_slice %arg10[%mul3A_12, %dma_wait3A_21] : memref<10240x128xf32, #tpu.memory_space<vmem_shared>> -> memref<640x128xf32, #tpu.memory_space<vmem_shared>>
      tpu.wait_dma2 semaphore(%run_scoped3A : memref<!tpu.dma_semaphore, #tpu.memory_space<semaphore_mem>>) src(%dma_wait3A_22 : memref<640x128xf32, #tpu.memory_space<vmem_shared>>) dst(%dma_wait3A_20 : memref<640x128xf32, #tpu.memory_space<hbm>>)
      tpu.yield
    }) : () -> ()
    return
  }
}

#map = affine_map<(d0, d1) -> (0, 0)>
#map1 = affine_map<(d0, d1) -> (0, 0, 0)>
module attributes {stable_mosaic.version = 14 : i64} {
  func.func @_sc_agg_body(%arg0: i32, %arg1: i32, %arg2: memref<10000x128xf32, #tpu.memory_space<hbm>>, %arg3: memref<2560x125xi32, #tpu.memory_space<hbm>>, %arg4: memref<2560x125xi32, #tpu.memory_space<hbm>>, %arg5: memref<640x128xf32, #tpu.memory_space<hbm>>, %arg6: memref<2x10240x128xf32, #tpu.memory_space<hbm>>, %arg7: memref<80x125xi32, #tpu.memory_space<vmem>>, %arg8: memref<80x125xi32, #tpu.memory_space<vmem>>, %arg9: memref<125x128xf32, #tpu.memory_space<vmem>>, %arg10: memref<10240x128xf32, #tpu.memory_space<vmem_shared>>) attributes {dimension_semantics = [#tpu.dimension_semantics<core_parallel>, #tpu.dimension_semantics<subcore_parallel>], iteration_bounds = array<i64: 2, 16>, scalar_prefetch = 0 : i64, scratch_operands = 4 : i64, tpu.core_type = #tpu.core_type<sc_vector_subcore>, window_params = [{transform_indices = #map}, {transform_indices = #map}, {transform_indices = #map}, {transform_indices = #map}, {transform_indices = #map1}]} {
    %mul3A = arith.constant 16 : i32
    %mul3A_0 = arith.muli %arg0, %mul3A : i32
    %add3A = arith.addi %mul3A_0, %arg1 : i32
    %mul3A_1 = arith.constant 640 : i32
    %mul3A_2 = arith.muli %arg1, %mul3A_1 : i32
    "tpu.region"() ({
      %run_scoped3A = tpu.sem_alloc : memref<!tpu.dma_semaphore, #tpu.memory_space<semaphore_mem>>
      %dma_start3A = arith.constant 0 : i32
      %dma_start3A_15 = tpu.memref_slice %arg10[%mul3A_2, %dma_start3A] : memref<10240x128xf32, #tpu.memory_space<vmem_shared>> -> memref<640x128xf32, #tpu.memory_space<vmem_shared>>
      tpu.enqueue_dma source(%arg5 : memref<640x128xf32, #tpu.memory_space<hbm>>) target(%dma_start3A_15 : memref<640x128xf32, #tpu.memory_space<vmem_shared>>) target_semaphore(%run_scoped3A : memref<!tpu.dma_semaphore, #tpu.memory_space<semaphore_mem>>)
      %dma_wait3A = arith.constant 0 : i32
      %dma_wait3A_16 = tpu.memref_slice %arg10[%mul3A_2, %dma_wait3A] : memref<10240x128xf32, #tpu.memory_space<vmem_shared>> -> memref<640x128xf32, #tpu.memory_space<vmem_shared>>
      tpu.wait_dma2 semaphore(%run_scoped3A : memref<!tpu.dma_semaphore, #tpu.memory_space<semaphore_mem>>) src(%arg5 : memref<640x128xf32, #tpu.memory_space<hbm>>) dst(%dma_wait3A_16 : memref<640x128xf32, #tpu.memory_space<vmem_shared>>)
      tpu.yield
    }) : () -> ()
    %mul3A_3 = arith.constant 80 : i32
    %mul3A_4 = arith.muli %add3A, %mul3A_3 : i32
    "tpu.region"() ({
      %run_scoped3A = tpu.sem_alloc : memref<!tpu.dma_semaphore, #tpu.memory_space<semaphore_mem>>
      %dma_start3A = arith.constant 0 : i32
      %dma_start3A_15 = tpu.memref_slice %arg3[%mul3A_4, %dma_start3A] : memref<2560x125xi32, #tpu.memory_space<hbm>> -> memref<80x125xi32, #tpu.memory_space<hbm>>
      %dma_start3A_16 = arith.constant 0 : i32
      %dma_start3A_17 = tpu.memref_slice %arg3[%mul3A_4, %dma_start3A_16] : memref<2560x125xi32, #tpu.memory_space<hbm>> -> memref<80x125xi32, #tpu.memory_space<hbm>>
      tpu.enqueue_dma source(%dma_start3A_17 : memref<80x125xi32, #tpu.memory_space<hbm>>) target(%arg7 : memref<80x125xi32, #tpu.memory_space<vmem>>) target_semaphore(%run_scoped3A : memref<!tpu.dma_semaphore, #tpu.memory_space<semaphore_mem>>)
      %dma_wait3A = arith.constant 0 : i32
      %dma_wait3A_18 = tpu.memref_slice %arg3[%mul3A_4, %dma_wait3A] : memref<2560x125xi32, #tpu.memory_space<hbm>> -> memref<80x125xi32, #tpu.memory_space<hbm>>
      %dma_wait3A_19 = arith.constant 0 : i32
      %dma_wait3A_20 = tpu.memref_slice %arg3[%mul3A_4, %dma_wait3A_19] : memref<2560x125xi32, #tpu.memory_space<hbm>> -> memref<80x125xi32, #tpu.memory_space<hbm>>
      tpu.wait_dma2 semaphore(%run_scoped3A : memref<!tpu.dma_semaphore, #tpu.memory_space<semaphore_mem>>) src(%dma_wait3A_20 : memref<80x125xi32, #tpu.memory_space<hbm>>) dst(%arg7 : memref<80x125xi32, #tpu.memory_space<vmem>>)
      tpu.yield
    }) : () -> ()
    "tpu.region"() ({
      %run_scoped3A = tpu.sem_alloc : memref<!tpu.dma_semaphore, #tpu.memory_space<semaphore_mem>>
      %dma_start3A = arith.constant 0 : i32
      %dma_start3A_15 = tpu.memref_slice %arg4[%mul3A_4, %dma_start3A] : memref<2560x125xi32, #tpu.memory_space<hbm>> -> memref<80x125xi32, #tpu.memory_space<hbm>>
      %dma_start3A_16 = arith.constant 0 : i32
      %dma_start3A_17 = tpu.memref_slice %arg4[%mul3A_4, %dma_start3A_16] : memref<2560x125xi32, #tpu.memory_space<hbm>> -> memref<80x125xi32, #tpu.memory_space<hbm>>
      tpu.enqueue_dma source(%dma_start3A_17 : memref<80x125xi32, #tpu.memory_space<hbm>>) target(%arg8 : memref<80x125xi32, #tpu.memory_space<vmem>>) target_semaphore(%run_scoped3A : memref<!tpu.dma_semaphore, #tpu.memory_space<semaphore_mem>>)
      %dma_wait3A = arith.constant 0 : i32
      %dma_wait3A_18 = tpu.memref_slice %arg4[%mul3A_4, %dma_wait3A] : memref<2560x125xi32, #tpu.memory_space<hbm>> -> memref<80x125xi32, #tpu.memory_space<hbm>>
      %dma_wait3A_19 = arith.constant 0 : i32
      %dma_wait3A_20 = tpu.memref_slice %arg4[%mul3A_4, %dma_wait3A_19] : memref<2560x125xi32, #tpu.memory_space<hbm>> -> memref<80x125xi32, #tpu.memory_space<hbm>>
      tpu.wait_dma2 semaphore(%run_scoped3A : memref<!tpu.dma_semaphore, #tpu.memory_space<semaphore_mem>>) src(%dma_wait3A_20 : memref<80x125xi32, #tpu.memory_space<hbm>>) dst(%arg8 : memref<80x125xi32, #tpu.memory_space<vmem>>)
      tpu.yield
    }) : () -> ()
    %barrier3A = arith.constant 0 : index
    tpu.barrier barrier_id(%barrier3A)
    %scan3A = arith.constant 0 : i32
    %scan3A_5 = arith.constant 0 : i32
    %scan3A_6 = arith.constant 80 : i32
    %scan3A_7 = arith.addi %scan3A_5, %scan3A_6 : i32
    %scan3A_8 = arith.constant 1 : i32
    scf.for %scan3A_15 = %scan3A_5 to %scan3A_7 step %scan3A_8  : i32 {
      "tpu.region"() ({
        %run_scoped3A = tpu.sem_alloc : memref<!tpu.dma_semaphore, #tpu.memory_space<semaphore_mem>>
        %dma_start3A = arith.constant 0 : i32
        %dma_start3A_16 = tpu.memref_slice %arg7[%scan3A_15, %dma_start3A] : memref<80x125xi32, #tpu.memory_space<vmem>> -> memref<1x125xi32, #tpu.memory_space<vmem>>
        %dma_start3A_17 = tpu.memref_squeeze %dma_start3A_16 : memref<1x125xi32, #tpu.memory_space<vmem>> -> memref<125xi32, #tpu.memory_space<vmem>>
        %dma_start3A_18 = arith.constant 0 : i32
        %dma_start3A_19 = arith.constant 0 : i32
        %dma_start3A_20 = tpu.memref_slice %arg2[%dma_start3A_18, %dma_start3A_19] : memref<10000x128xf32, #tpu.memory_space<hbm>> -> memref<10000x128xf32, #tpu.memory_space<hbm>>
        tpu.enqueue_indirect_dma source(%dma_start3A_20 : memref<10000x128xf32, #tpu.memory_space<hbm>>) target(%arg9 : memref<125x128xf32, #tpu.memory_space<vmem>>) offsets(%dma_start3A_17 : memref<125xi32, #tpu.memory_space<vmem>>) semaphore(%run_scoped3A : memref<!tpu.dma_semaphore, #tpu.memory_space<semaphore_mem>>)
        %dma_wait3A = arith.constant 0 : i32
        %dma_wait3A_21 = tpu.memref_slice %arg7[%scan3A_15, %dma_wait3A] : memref<80x125xi32, #tpu.memory_space<vmem>> -> memref<1x125xi32, #tpu.memory_space<vmem>>
        %dma_wait3A_22 = tpu.memref_squeeze %dma_wait3A_21 : memref<1x125xi32, #tpu.memory_space<vmem>> -> memref<125xi32, #tpu.memory_space<vmem>>
        %dma_wait3A_23 = arith.constant 0 : i32
        %dma_wait3A_24 = arith.constant 0 : i32
        %dma_wait3A_25 = tpu.memref_slice %arg2[%dma_wait3A_23, %dma_wait3A_24] : memref<10000x128xf32, #tpu.memory_space<hbm>> -> memref<10000x128xf32, #tpu.memory_space<hbm>>
        tpu.wait_indirect_dma semaphore(%run_scoped3A : memref<!tpu.dma_semaphore, #tpu.memory_space<semaphore_mem>>) src(%dma_wait3A_25 : memref<10000x128xf32, #tpu.memory_space<hbm>>) dst(%arg9 : memref<125x128xf32, #tpu.memory_space<vmem>>)
        tpu.yield
      }) : () -> ()
      "tpu.region"() ({
        %run_scoped3A = tpu.sem_alloc : memref<!tpu.dma_semaphore, #tpu.memory_space<semaphore_mem>>
        %dma_start3A = arith.constant 0 : i32
        %dma_start3A_16 = tpu.memref_slice %arg8[%scan3A_15, %dma_start3A] : memref<80x125xi32, #tpu.memory_space<vmem>> -> memref<1x125xi32, #tpu.memory_space<vmem>>
        %dma_start3A_17 = tpu.memref_squeeze %dma_start3A_16 : memref<1x125xi32, #tpu.memory_space<vmem>> -> memref<125xi32, #tpu.memory_space<vmem>>
        %dma_start3A_18 = arith.constant 0 : i32
        %dma_start3A_19 = arith.constant 0 : i32
        %dma_start3A_20 = tpu.memref_slice %arg10[%dma_start3A_18, %dma_start3A_19] : memref<10240x128xf32, #tpu.memory_space<vmem_shared>> -> memref<10240x128xf32, #tpu.memory_space<vmem_shared>>
        tpu.enqueue_indirect_dma source(%arg9 : memref<125x128xf32, #tpu.memory_space<vmem>>) target(%dma_start3A_20 : memref<10240x128xf32, #tpu.memory_space<vmem_shared>>) offsets(%dma_start3A_17 : memref<125xi32, #tpu.memory_space<vmem>>) semaphore(%run_scoped3A : memref<!tpu.dma_semaphore, #tpu.memory_space<semaphore_mem>>) {add = true}
        %dma_wait3A = arith.constant 0 : i32
        %dma_wait3A_21 = tpu.memref_slice %arg8[%scan3A_15, %dma_wait3A] : memref<80x125xi32, #tpu.memory_space<vmem>> -> memref<1x125xi32, #tpu.memory_space<vmem>>
        %dma_wait3A_22 = tpu.memref_squeeze %dma_wait3A_21 : memref<1x125xi32, #tpu.memory_space<vmem>> -> memref<125xi32, #tpu.memory_space<vmem>>
        %dma_wait3A_23 = arith.constant 0 : i32
        %dma_wait3A_24 = arith.constant 0 : i32
        %dma_wait3A_25 = tpu.memref_slice %arg10[%dma_wait3A_23, %dma_wait3A_24] : memref<10240x128xf32, #tpu.memory_space<vmem_shared>> -> memref<10240x128xf32, #tpu.memory_space<vmem_shared>>
        tpu.wait_indirect_dma semaphore(%run_scoped3A : memref<!tpu.dma_semaphore, #tpu.memory_space<semaphore_mem>>) src(%arg9 : memref<125x128xf32, #tpu.memory_space<vmem>>) dst(%dma_wait3A_25 : memref<10240x128xf32, #tpu.memory_space<vmem_shared>>)
        tpu.yield
      }) : () -> ()
    }
    %scan3A_9 = arith.constant 80 : i32
    %barrier3A_10 = arith.constant 0 : index
    tpu.barrier barrier_id(%barrier3A_10)
    %mul3A_11 = arith.constant 640 : i32
    %mul3A_12 = arith.muli %arg1, %mul3A_11 : i32
    %mul3A_13 = arith.constant 640 : i32
    %mul3A_14 = arith.muli %arg1, %mul3A_13 : i32
    "tpu.region"() ({
      %run_scoped3A = tpu.sem_alloc : memref<!tpu.dma_semaphore, #tpu.memory_space<semaphore_mem>>
      %dma_start3A = arith.constant 0 : i32
      %dma_start3A_15 = tpu.memref_slice %arg6[%arg0, %mul3A_14, %dma_start3A] : memref<2x10240x128xf32, #tpu.memory_space<hbm>> -> memref<1x640x128xf32, #tpu.memory_space<hbm>>
      %dma_start3A_16 = tpu.memref_squeeze %dma_start3A_15 : memref<1x640x128xf32, #tpu.memory_space<hbm>> -> memref<640x128xf32, #tpu.memory_space<hbm>>
      %dma_start3A_17 = arith.constant 0 : i32
      %dma_start3A_18 = tpu.memref_slice %arg10[%mul3A_12, %dma_start3A_17] : memref<10240x128xf32, #tpu.memory_space<vmem_shared>> -> memref<640x128xf32, #tpu.memory_space<vmem_shared>>
      tpu.enqueue_dma source(%dma_start3A_18 : memref<640x128xf32, #tpu.memory_space<vmem_shared>>) target(%dma_start3A_16 : memref<640x128xf32, #tpu.memory_space<hbm>>) target_semaphore(%run_scoped3A : memref<!tpu.dma_semaphore, #tpu.memory_space<semaphore_mem>>)
      %dma_wait3A = arith.constant 0 : i32
      %dma_wait3A_19 = tpu.memref_slice %arg6[%arg0, %mul3A_14, %dma_wait3A] : memref<2x10240x128xf32, #tpu.memory_space<hbm>> -> memref<1x640x128xf32, #tpu.memory_space<hbm>>
      %dma_wait3A_20 = tpu.memref_squeeze %dma_wait3A_19 : memref<1x640x128xf32, #tpu.memory_space<hbm>> -> memref<640x128xf32, #tpu.memory_space<hbm>>
      %dma_wait3A_21 = arith.constant 0 : i32
      %dma_wait3A_22 = tpu.memref_slice %arg10[%mul3A_12, %dma_wait3A_21] : memref<10240x128xf32, #tpu.memory_space<vmem_shared>> -> memref<640x128xf32, #tpu.memory_space<vmem_shared>>
      tpu.wait_dma2 semaphore(%run_scoped3A : memref<!tpu.dma_semaphore, #tpu.memory_space<semaphore_mem>>) src(%dma_wait3A_22 : memref<640x128xf32, #tpu.memory_space<vmem_shared>>) dst(%dma_wait3A_20 : memref<640x128xf32, #tpu.memory_space<hbm>>)
      tpu.yield
    }) : () -> ()
    return
  }
}

module attributes {stable_mosaic.version = 14 : i64} {
  func.func @_t1_body(%arg0: i32, %arg1: memref<1000x128xf32, #tpu.memory_space<vmem>>, %arg2: memref<2x1000x128xf32, #tpu.memory_space<vmem>>, %arg3: memref<128x256xf32, #tpu.memory_space<vmem>>, %arg4: memref<1x256xf32, #tpu.memory_space<vmem>>, %arg5: memref<1000x256xf32, #tpu.memory_space<vmem>>, %arg6: memref<16x256xf32, #tpu.memory_space<vmem>>) attributes {dimension_semantics = [#tpu.dimension_semantics<arbitrary>], iteration_bounds = array<i64: 10>, scalar_prefetch = 0 : i64, scratch_operands = 0 : i64, tpu.core_type = #tpu.core_type<tc>, window_params = [{transform_indices = @transform_0, window_bounds = array<i64: 1000, 128>}, {transform_indices = @transform_1, window_bounds = array<i64: 2, 1000, 128>}, {pipeline_mode = #tpu.pipeline_mode<synchronous>, transform_indices = @transform_2, window_bounds = array<i64: 128, 256>}, {pipeline_mode = #tpu.pipeline_mode<synchronous>, transform_indices = @transform_3, window_bounds = array<i64: 1, 256>}, {transform_indices = @transform_4, window_bounds = array<i64: 1000, 256>}, {pipeline_mode = #tpu.pipeline_mode<synchronous>, transform_indices = @transform_5, window_bounds = array<i64: 16, 256>}]} {
    %get3A = arith.constant 0 : index
    %get3A_0 = arith.constant 0 : index
    %get3A_1 = vector.load %arg1[%get3A, %get3A_0] : memref<1000x128xf32, #tpu.memory_space<vmem>>, vector<1000x128xf32>
    %get3A_2 = arith.constant 0 : index
    %get3A_3 = arith.constant 0 : index
    %get3A_4 = arith.constant 0 : index
    %get3A_5 = vector.load %arg2[%get3A_2, %get3A_3, %get3A_4] : memref<2x1000x128xf32, #tpu.memory_space<vmem>>, vector<1x1000x128xf32>
    %get3A_6 = vector.shape_cast %get3A_5 : vector<1x1000x128xf32> to vector<1000x128xf32>
    %add3A = arith.addf %get3A_1, %get3A_6 : vector<1000x128xf32>
    %get3A_7 = arith.constant 1 : index
    %get3A_8 = arith.constant 0 : index
    %get3A_9 = arith.constant 0 : index
    %get3A_10 = vector.load %arg2[%get3A_7, %get3A_8, %get3A_9] : memref<2x1000x128xf32, #tpu.memory_space<vmem>>, vector<1x1000x128xf32>
    %get3A_11 = vector.shape_cast %get3A_10 : vector<1x1000x128xf32> to vector<1000x128xf32>
    %add3A_12 = arith.addf %add3A, %get3A_11 : vector<1000x128xf32>
    %get3A_13 = arith.constant 0 : index
    %get3A_14 = arith.constant 0 : index
    %get3A_15 = vector.load %arg3[%get3A_13, %get3A_14] : memref<128x256xf32, #tpu.memory_space<vmem>>, vector<128x256xf32>
    %dot_general3A = arith.constant dense<0.000000e+00> : vector<1000x256xf32>
    %dot_general3A_16 = tpu.matmul %add3A_12, %get3A_15, %dot_general3A {dimension_numbers = #tpu.dot_dimension_numbers<[1], [0], [0], [1], [0, 0, 1, 1], [], []>, transpose_lhs_hint = false} : vector<1000x128xf32>, vector<128x256xf32>, vector<1000x256xf32> -> vector<1000x256xf32>
    %get3A_17 = arith.constant 0 : index
    %get3A_18 = arith.constant 0 : index
    %get3A_19 = vector.load %arg4[%get3A_17, %get3A_18] : memref<1x256xf32, #tpu.memory_space<vmem>>, vector<1x256xf32>
    %add3A_20 = vector.broadcast %get3A_19 : vector<1x256xf32> to vector<1000x256xf32>
    %add3A_21 = arith.addf %dot_general3A_16, %add3A_20 : vector<1000x256xf32>
    %swap3A = arith.constant 0 : index
    %swap3A_22 = arith.constant 0 : index
    %swap3A_23 = vector.load %arg5[%swap3A, %swap3A_22] : memref<1000x256xf32, #tpu.memory_space<vmem>>, vector<1000x256xf32>
    tpu.vector_store %arg5[%swap3A, %swap3A_22], %add3A_21 {strides = array<i32>} : memref<1000x256xf32, #tpu.memory_space<vmem>>, vector<1000x256xf32>,
    %eq3A = arith.constant 0 : i32
    %eq3A_24 = arith.cmpi eq, %arg0, %eq3A : i32
    %convert_element_type3A = arith.extui %eq3A_24 : i1 to i32
    %cond3A = arith.constant 0 : i32
    %cond3A_25 = arith.cmpi ne, %convert_element_type3A, %cond3A : i32
    scf.if %cond3A_25 {
      %broadcast_in_dim3A = arith.constant 0.000000e+00 : f32
      %broadcast_in_dim3A_34 = vector.broadcast %broadcast_in_dim3A : f32 to vector<16x256xf32>
      %swap3A_35 = arith.constant 0 : index
      %swap3A_36 = arith.constant 0 : index
      %swap3A_37 = vector.load %arg6[%swap3A_35, %swap3A_36] : memref<16x256xf32, #tpu.memory_space<vmem>>, vector<16x256xf32>
      tpu.vector_store %arg6[%swap3A_35, %swap3A_36], %broadcast_in_dim3A_34 {strides = array<i32>} : memref<16x256xf32, #tpu.memory_space<vmem>>, vector<16x256xf32>,
    } else {
    }
    %lt3A = arith.constant 5 : i32
    %lt3A_26 = arith.cmpi slt, %arg0, %lt3A : i32
    %convert_element_type3A_27 = arith.extui %lt3A_26 : i1 to i32
    %cond3A_28 = arith.constant 0 : i32
    %cond3A_29 = arith.cmpi ne, %convert_element_type3A_27, %cond3A_28 : i32
    scf.if %cond3A_29 {
      %get3A_34 = arith.constant 0 : index
      %get3A_35 = arith.constant 0 : index
      %get3A_36 = vector.load %arg6[%get3A_34, %get3A_35] : memref<16x256xf32, #tpu.memory_space<vmem>>, vector<8x256xf32>
      %scan3A = arith.constant 0 : i32
      %scan3A_37 = arith.constant 125 : i32
      %scan3A_38 = arith.addi %scan3A, %scan3A_37 : i32
      %scan3A_39 = arith.constant 1 : i32
      %scan3A_40 = scf.for %scan3A_45 = %scan3A to %scan3A_38 step %scan3A_39 iter_args(%scan3A_46 = %get3A_36) -> (vector<8x256xf32>)  : i32 {
        %mul3A = arith.constant 8 : i32
        %mul3A_47 = arith.muli %scan3A_45, %mul3A : i32
        %get3A_48 = arith.index_cast %mul3A_47 : i32 to index
        %get3A_49 = arith.constant 0 : index
        %get3A_50 = vector.load %arg5[%get3A_48, %get3A_49] : memref<1000x256xf32, #tpu.memory_space<vmem>>, vector<8x256xf32>
        %add3A_51 = arith.addf %scan3A_46, %get3A_50 : vector<8x256xf32>
        scf.yield %add3A_51 : vector<8x256xf32>
      }
      %scan3A_41 = arith.constant 125 : i32
      %swap3A_42 = arith.constant 0 : index
      %swap3A_43 = arith.constant 0 : index
      %swap3A_44 = vector.load %arg6[%swap3A_42, %swap3A_43] : memref<16x256xf32, #tpu.memory_space<vmem>>, vector<8x256xf32>
      tpu.vector_store %arg6[%swap3A_42, %swap3A_43], %scan3A_40 {strides = array<i32>} : memref<16x256xf32, #tpu.memory_space<vmem>>, vector<8x256xf32>,
    } else {
    }
    %ge3A = arith.constant 5 : i32
    %ge3A_30 = arith.cmpi sge, %arg0, %ge3A : i32
    %convert_element_type3A_31 = arith.extui %ge3A_30 : i1 to i32
    %cond3A_32 = arith.constant 0 : i32
    %cond3A_33 = arith.cmpi ne, %convert_element_type3A_31, %cond3A_32 : i32
    scf.if %cond3A_33 {
      %get3A_34 = arith.constant 8 : index
      %get3A_35 = arith.constant 0 : index
      %get3A_36 = vector.load %arg6[%get3A_34, %get3A_35] : memref<16x256xf32, #tpu.memory_space<vmem>>, vector<8x256xf32>
      %scan3A = arith.constant 0 : i32
      %scan3A_37 = arith.constant 125 : i32
      %scan3A_38 = arith.addi %scan3A, %scan3A_37 : i32
      %scan3A_39 = arith.constant 1 : i32
      %scan3A_40 = scf.for %scan3A_45 = %scan3A to %scan3A_38 step %scan3A_39 iter_args(%scan3A_46 = %get3A_36) -> (vector<8x256xf32>)  : i32 {
        %mul3A = arith.constant 8 : i32
        %mul3A_47 = arith.muli %scan3A_45, %mul3A : i32
        %get3A_48 = arith.index_cast %mul3A_47 : i32 to index
        %get3A_49 = arith.constant 0 : index
        %get3A_50 = vector.load %arg5[%get3A_48, %get3A_49] : memref<1000x256xf32, #tpu.memory_space<vmem>>, vector<8x256xf32>
        %add3A_51 = arith.addf %scan3A_46, %get3A_50 : vector<8x256xf32>
        scf.yield %add3A_51 : vector<8x256xf32>
      }
      %scan3A_41 = arith.constant 125 : i32
      %swap3A_42 = arith.constant 8 : index
      %swap3A_43 = arith.constant 0 : index
      %swap3A_44 = vector.load %arg6[%swap3A_42, %swap3A_43] : memref<16x256xf32, #tpu.memory_space<vmem>>, vector<8x256xf32>
      tpu.vector_store %arg6[%swap3A_42, %swap3A_43], %scan3A_40 {strides = array<i32>} : memref<16x256xf32, #tpu.memory_space<vmem>>, vector<8x256xf32>,
    } else {
    }
    return
  }
  func.func @transform_0(%arg0: i32) -> (i32, i32) {
    %c0_i32 = arith.constant 0 : i32
    %c0_i32_0 = arith.constant 0 : i32
    return %arg0, %c0_i32 : i32, i32
  }
  func.func @transform_1(%arg0: i32) -> (i32, i32, i32) {
    %c0_i32 = arith.constant 0 : i32
    %c0_i32_0 = arith.constant 0 : i32
    %c0_i32_1 = arith.constant 0 : i32
    return %c0_i32, %arg0, %c0_i32_0 : i32, i32, i32
  }
  func.func @transform_2(%arg0: i32) -> (i32, i32) {
    %c0_i32 = arith.constant 0 : i32
    %c0_i32_0 = arith.constant 0 : i32
    %c0_i32_1 = arith.constant 0 : i32
    return %c0_i32, %c0_i32_0 : i32, i32
  }
  func.func @transform_3(%arg0: i32) -> (i32, i32) {
    %c0_i32 = arith.constant 0 : i32
    %c0_i32_0 = arith.constant 0 : i32
    %c0_i32_1 = arith.constant 0 : i32
    return %c0_i32, %c0_i32_0 : i32, i32
  }
  func.func @transform_4(%arg0: i32) -> (i32, i32) {
    %c0_i32 = arith.constant 0 : i32
    %c0_i32_0 = arith.constant 0 : i32
    return %arg0, %c0_i32 : i32, i32
  }
  func.func @transform_5(%arg0: i32) -> (i32, i32) {
    %c0_i32 = arith.constant 0 : i32
    %c0_i32_0 = arith.constant 0 : i32
    %c0_i32_1 = arith.constant 0 : i32
    return %c0_i32, %c0_i32_0 : i32, i32
  }
}

module attributes {stable_mosaic.version = 14 : i64} {
  func.func @_sq_body(%arg0: i32, %arg1: memref<1000x256xf32, #tpu.memory_space<vmem>>, %arg2: memref<16x256xf32, #tpu.memory_space<vmem>>, %arg3: memref<16x256xf32, #tpu.memory_space<vmem>>) attributes {dimension_semantics = [#tpu.dimension_semantics<arbitrary>], iteration_bounds = array<i64: 10>, scalar_prefetch = 0 : i64, scratch_operands = 0 : i64, tpu.core_type = #tpu.core_type<tc>, window_params = [{transform_indices = @transform_0, window_bounds = array<i64: 1000, 256>}, {pipeline_mode = #tpu.pipeline_mode<synchronous>, transform_indices = @transform_1, window_bounds = array<i64: 16, 256>}, {pipeline_mode = #tpu.pipeline_mode<synchronous>, transform_indices = @transform_2, window_bounds = array<i64: 16, 256>}]} {
    %get3A = arith.constant 0 : index
    %get3A_0 = arith.constant 0 : index
    %get3A_1 = vector.load %arg2[%get3A, %get3A_0] : memref<16x256xf32, #tpu.memory_space<vmem>>, vector<8x256xf32>
    %slice3A = vector.extract_strided_slice %get3A_1 {offsets = [0, 0], sizes = [4, 256], strides = [1, 1]} : vector<8x256xf32> to vector<4x256xf32>
    %slice3A_2 = vector.extract_strided_slice %get3A_1 {offsets = [4, 0], sizes = [4, 256], strides = [1, 1]} : vector<8x256xf32> to vector<4x256xf32>
    %add3A = arith.addf %slice3A, %slice3A_2 : vector<4x256xf32>
    %slice3A_3 = vector.extract_strided_slice %add3A {offsets = [0, 0], sizes = [2, 256], strides = [1, 1]} : vector<4x256xf32> to vector<2x256xf32>
    %slice3A_4 = vector.extract_strided_slice %add3A {offsets = [2, 0], sizes = [2, 256], strides = [1, 1]} : vector<4x256xf32> to vector<2x256xf32>
    %add3A_5 = arith.addf %slice3A_3, %slice3A_4 : vector<2x256xf32>
    %slice3A_6 = vector.extract_strided_slice %add3A_5 {offsets = [0, 0], sizes = [1, 256], strides = [1, 1]} : vector<2x256xf32> to vector<1x256xf32>
    %slice3A_7 = vector.extract_strided_slice %add3A_5 {offsets = [1, 0], sizes = [1, 256], strides = [1, 1]} : vector<2x256xf32> to vector<1x256xf32>
    %add3A_8 = arith.addf %slice3A_6, %slice3A_7 : vector<1x256xf32>
    %get3A_9 = arith.constant 8 : index
    %get3A_10 = arith.constant 0 : index
    %get3A_11 = vector.load %arg2[%get3A_9, %get3A_10] : memref<16x256xf32, #tpu.memory_space<vmem>>, vector<8x256xf32>
    %slice3A_12 = vector.extract_strided_slice %get3A_11 {offsets = [0, 0], sizes = [4, 256], strides = [1, 1]} : vector<8x256xf32> to vector<4x256xf32>
    %slice3A_13 = vector.extract_strided_slice %get3A_11 {offsets = [4, 0], sizes = [4, 256], strides = [1, 1]} : vector<8x256xf32> to vector<4x256xf32>
    %add3A_14 = arith.addf %slice3A_12, %slice3A_13 : vector<4x256xf32>
    %slice3A_15 = vector.extract_strided_slice %add3A_14 {offsets = [0, 0], sizes = [2, 256], strides = [1, 1]} : vector<4x256xf32> to vector<2x256xf32>
    %slice3A_16 = vector.extract_strided_slice %add3A_14 {offsets = [2, 0], sizes = [2, 256], strides = [1, 1]} : vector<4x256xf32> to vector<2x256xf32>
    %add3A_17 = arith.addf %slice3A_15, %slice3A_16 : vector<2x256xf32>
    %slice3A_18 = vector.extract_strided_slice %add3A_17 {offsets = [0, 0], sizes = [1, 256], strides = [1, 1]} : vector<2x256xf32> to vector<1x256xf32>
    %slice3A_19 = vector.extract_strided_slice %add3A_17 {offsets = [1, 0], sizes = [1, 256], strides = [1, 1]} : vector<2x256xf32> to vector<1x256xf32>
    %add3A_20 = arith.addf %slice3A_18, %slice3A_19 : vector<1x256xf32>
    %add3A_21 = arith.addf %add3A_8, %add3A_20 : vector<1x256xf32>
    %mul3A = arith.constant 9.99999974E-5 : f32
    %mul3A_22 = vector.broadcast %mul3A : f32 to vector<1x256xf32>
    %mul3A_23 = arith.mulf %add3A_21, %mul3A_22 : vector<1x256xf32>
    %eq3A = arith.constant 0 : i32
    %eq3A_24 = arith.cmpi eq, %arg0, %eq3A : i32
    %convert_element_type3A = arith.extui %eq3A_24 : i1 to i32
    %cond3A = arith.constant 0 : i32
    %cond3A_25 = arith.cmpi ne, %convert_element_type3A, %cond3A : i32
    scf.if %cond3A_25 {
      %broadcast_in_dim3A = arith.constant 0.000000e+00 : f32
      %broadcast_in_dim3A_34 = vector.broadcast %broadcast_in_dim3A : f32 to vector<16x256xf32>
      %swap3A = arith.constant 0 : index
      %swap3A_35 = arith.constant 0 : index
      %swap3A_36 = vector.load %arg3[%swap3A, %swap3A_35] : memref<16x256xf32, #tpu.memory_space<vmem>>, vector<16x256xf32>
      tpu.vector_store %arg3[%swap3A, %swap3A_35], %broadcast_in_dim3A_34 {strides = array<i32>} : memref<16x256xf32, #tpu.memory_space<vmem>>, vector<16x256xf32>,
    } else {
    }
    %lt3A = arith.constant 5 : i32
    %lt3A_26 = arith.cmpi slt, %arg0, %lt3A : i32
    %convert_element_type3A_27 = arith.extui %lt3A_26 : i1 to i32
    %cond3A_28 = arith.constant 0 : i32
    %cond3A_29 = arith.cmpi ne, %convert_element_type3A_27, %cond3A_28 : i32
    scf.if %cond3A_29 {
      %get3A_34 = arith.constant 0 : index
      %get3A_35 = arith.constant 0 : index
      %get3A_36 = vector.load %arg3[%get3A_34, %get3A_35] : memref<16x256xf32, #tpu.memory_space<vmem>>, vector<8x256xf32>
      %scan3A = arith.constant 0 : i32
      %scan3A_37 = arith.constant 125 : i32
      %scan3A_38 = arith.addi %scan3A, %scan3A_37 : i32
      %scan3A_39 = arith.constant 1 : i32
      %scan3A_40 = scf.for %scan3A_44 = %scan3A to %scan3A_38 step %scan3A_39 iter_args(%scan3A_45 = %get3A_36) -> (vector<8x256xf32>)  : i32 {
        %mul3A_46 = arith.constant 8 : i32
        %mul3A_47 = arith.muli %scan3A_44, %mul3A_46 : i32
        %get3A_48 = arith.index_cast %mul3A_47 : i32 to index
        %get3A_49 = arith.constant 0 : index
        %get3A_50 = vector.load %arg1[%get3A_48, %get3A_49] : memref<1000x256xf32, #tpu.memory_space<vmem>>, vector<8x256xf32>
        %sub3A = vector.broadcast %mul3A_23 : vector<1x256xf32> to vector<8x256xf32>
        %sub3A_51 = arith.subf %get3A_50, %sub3A : vector<8x256xf32>
        %sub3A_52 = vector.broadcast %mul3A_23 : vector<1x256xf32> to vector<8x256xf32>
        %sub3A_53 = arith.subf %get3A_50, %sub3A_52 : vector<8x256xf32>
        %mul3A_54 = arith.mulf %sub3A_51, %sub3A_53 : vector<8x256xf32>
        %add3A_55 = arith.addf %scan3A_45, %mul3A_54 : vector<8x256xf32>
        scf.yield %add3A_55 : vector<8x256xf32>
      }
      %scan3A_41 = arith.constant 125 : i32
      %swap3A = arith.constant 0 : index
      %swap3A_42 = arith.constant 0 : index
      %swap3A_43 = vector.load %arg3[%swap3A, %swap3A_42] : memref<16x256xf32, #tpu.memory_space<vmem>>, vector<8x256xf32>
      tpu.vector_store %arg3[%swap3A, %swap3A_42], %scan3A_40 {strides = array<i32>} : memref<16x256xf32, #tpu.memory_space<vmem>>, vector<8x256xf32>,
    } else {
    }
    %ge3A = arith.constant 5 : i32
    %ge3A_30 = arith.cmpi sge, %arg0, %ge3A : i32
    %convert_element_type3A_31 = arith.extui %ge3A_30 : i1 to i32
    %cond3A_32 = arith.constant 0 : i32
    %cond3A_33 = arith.cmpi ne, %convert_element_type3A_31, %cond3A_32 : i32
    scf.if %cond3A_33 {
      %get3A_34 = arith.constant 8 : index
      %get3A_35 = arith.constant 0 : index
      %get3A_36 = vector.load %arg3[%get3A_34, %get3A_35] : memref<16x256xf32, #tpu.memory_space<vmem>>, vector<8x256xf32>
      %scan3A = arith.constant 0 : i32
      %scan3A_37 = arith.constant 125 : i32
      %scan3A_38 = arith.addi %scan3A, %scan3A_37 : i32
      %scan3A_39 = arith.constant 1 : i32
      %scan3A_40 = scf.for %scan3A_44 = %scan3A to %scan3A_38 step %scan3A_39 iter_args(%scan3A_45 = %get3A_36) -> (vector<8x256xf32>)  : i32 {
        %mul3A_46 = arith.constant 8 : i32
        %mul3A_47 = arith.muli %scan3A_44, %mul3A_46 : i32
        %get3A_48 = arith.index_cast %mul3A_47 : i32 to index
        %get3A_49 = arith.constant 0 : index
        %get3A_50 = vector.load %arg1[%get3A_48, %get3A_49] : memref<1000x256xf32, #tpu.memory_space<vmem>>, vector<8x256xf32>
        %sub3A = vector.broadcast %mul3A_23 : vector<1x256xf32> to vector<8x256xf32>
        %sub3A_51 = arith.subf %get3A_50, %sub3A : vector<8x256xf32>
        %sub3A_52 = vector.broadcast %mul3A_23 : vector<1x256xf32> to vector<8x256xf32>
        %sub3A_53 = arith.subf %get3A_50, %sub3A_52 : vector<8x256xf32>
        %mul3A_54 = arith.mulf %sub3A_51, %sub3A_53 : vector<8x256xf32>
        %add3A_55 = arith.addf %scan3A_45, %mul3A_54 : vector<8x256xf32>
        scf.yield %add3A_55 : vector<8x256xf32>
      }
      %scan3A_41 = arith.constant 125 : i32
      %swap3A = arith.constant 8 : index
      %swap3A_42 = arith.constant 0 : index
      %swap3A_43 = vector.load %arg3[%swap3A, %swap3A_42] : memref<16x256xf32, #tpu.memory_space<vmem>>, vector<8x256xf32>
      tpu.vector_store %arg3[%swap3A, %swap3A_42], %scan3A_40 {strides = array<i32>} : memref<16x256xf32, #tpu.memory_space<vmem>>, vector<8x256xf32>,
    } else {
    }
    return
  }
  func.func @transform_0(%arg0: i32) -> (i32, i32) {
    %c0_i32 = arith.constant 0 : i32
    %c0_i32_0 = arith.constant 0 : i32
    return %arg0, %c0_i32 : i32, i32
  }
  func.func @transform_1(%arg0: i32) -> (i32, i32) {
    %c0_i32 = arith.constant 0 : i32
    %c0_i32_0 = arith.constant 0 : i32
    %c0_i32_1 = arith.constant 0 : i32
    return %c0_i32, %c0_i32_0 : i32, i32
  }
  func.func @transform_2(%arg0: i32) -> (i32, i32) {
    %c0_i32 = arith.constant 0 : i32
    %c0_i32_0 = arith.constant 0 : i32
    %c0_i32_1 = arith.constant 0 : i32
    return %c0_i32, %c0_i32_0 : i32, i32
  }
}

module attributes {stable_mosaic.version = 14 : i64} {
  func.func @_t2_body(%arg0: i32, %arg1: memref<1000x256xf32, #tpu.memory_space<vmem>>, %arg2: memref<16x256xf32, #tpu.memory_space<vmem>>, %arg3: memref<16x256xf32, #tpu.memory_space<vmem>>, %arg4: memref<1x256xf32, #tpu.memory_space<vmem>>, %arg5: memref<1x256xf32, #tpu.memory_space<vmem>>, %arg6: memref<256x128xf32, #tpu.memory_space<vmem>>, %arg7: memref<1x128xf32, #tpu.memory_space<vmem>>, %arg8: memref<1000x128xf32, #tpu.memory_space<vmem>>, %arg9: memref<16x128xf32, #tpu.memory_space<vmem>>) attributes {dimension_semantics = [#tpu.dimension_semantics<arbitrary>], iteration_bounds = array<i64: 10>, scalar_prefetch = 0 : i64, scratch_operands = 0 : i64, tpu.core_type = #tpu.core_type<tc>, window_params = [{transform_indices = @transform_0, window_bounds = array<i64: 1000, 256>}, {pipeline_mode = #tpu.pipeline_mode<synchronous>, transform_indices = @transform_1, window_bounds = array<i64: 16, 256>}, {pipeline_mode = #tpu.pipeline_mode<synchronous>, transform_indices = @transform_2, window_bounds = array<i64: 16, 256>}, {pipeline_mode = #tpu.pipeline_mode<synchronous>, transform_indices = @transform_3, window_bounds = array<i64: 1, 256>}, {pipeline_mode = #tpu.pipeline_mode<synchronous>, transform_indices = @transform_4, window_bounds = array<i64: 1, 256>}, {pipeline_mode = #tpu.pipeline_mode<synchronous>, transform_indices = @transform_5, window_bounds = array<i64: 256, 128>}, {pipeline_mode = #tpu.pipeline_mode<synchronous>, transform_indices = @transform_6, window_bounds = array<i64: 1, 128>}, {transform_indices = @transform_7, window_bounds = array<i64: 1000, 128>}, {pipeline_mode = #tpu.pipeline_mode<synchronous>, transform_indices = @transform_8, window_bounds = array<i64: 16, 128>}]} {
    %get3A = arith.constant 0 : index
    %get3A_0 = arith.constant 0 : index
    %get3A_1 = vector.load %arg1[%get3A, %get3A_0] : memref<1000x256xf32, #tpu.memory_space<vmem>>, vector<1000x256xf32>
    %get3A_2 = arith.constant 0 : index
    %get3A_3 = arith.constant 0 : index
    %get3A_4 = vector.load %arg2[%get3A_2, %get3A_3] : memref<16x256xf32, #tpu.memory_space<vmem>>, vector<8x256xf32>
    %slice3A = vector.extract_strided_slice %get3A_4 {offsets = [0, 0], sizes = [4, 256], strides = [1, 1]} : vector<8x256xf32> to vector<4x256xf32>
    %slice3A_5 = vector.extract_strided_slice %get3A_4 {offsets = [4, 0], sizes = [4, 256], strides = [1, 1]} : vector<8x256xf32> to vector<4x256xf32>
    %add3A = arith.addf %slice3A, %slice3A_5 : vector<4x256xf32>
    %slice3A_6 = vector.extract_strided_slice %add3A {offsets = [0, 0], sizes = [2, 256], strides = [1, 1]} : vector<4x256xf32> to vector<2x256xf32>
    %slice3A_7 = vector.extract_strided_slice %add3A {offsets = [2, 0], sizes = [2, 256], strides = [1, 1]} : vector<4x256xf32> to vector<2x256xf32>
    %add3A_8 = arith.addf %slice3A_6, %slice3A_7 : vector<2x256xf32>
    %slice3A_9 = vector.extract_strided_slice %add3A_8 {offsets = [0, 0], sizes = [1, 256], strides = [1, 1]} : vector<2x256xf32> to vector<1x256xf32>
    %slice3A_10 = vector.extract_strided_slice %add3A_8 {offsets = [1, 0], sizes = [1, 256], strides = [1, 1]} : vector<2x256xf32> to vector<1x256xf32>
    %add3A_11 = arith.addf %slice3A_9, %slice3A_10 : vector<1x256xf32>
    %get3A_12 = arith.constant 8 : index
    %get3A_13 = arith.constant 0 : index
    %get3A_14 = vector.load %arg2[%get3A_12, %get3A_13] : memref<16x256xf32, #tpu.memory_space<vmem>>, vector<8x256xf32>
    %slice3A_15 = vector.extract_strided_slice %get3A_14 {offsets = [0, 0], sizes = [4, 256], strides = [1, 1]} : vector<8x256xf32> to vector<4x256xf32>
    %slice3A_16 = vector.extract_strided_slice %get3A_14 {offsets = [4, 0], sizes = [4, 256], strides = [1, 1]} : vector<8x256xf32> to vector<4x256xf32>
    %add3A_17 = arith.addf %slice3A_15, %slice3A_16 : vector<4x256xf32>
    %slice3A_18 = vector.extract_strided_slice %add3A_17 {offsets = [0, 0], sizes = [2, 256], strides = [1, 1]} : vector<4x256xf32> to vector<2x256xf32>
    %slice3A_19 = vector.extract_strided_slice %add3A_17 {offsets = [2, 0], sizes = [2, 256], strides = [1, 1]} : vector<4x256xf32> to vector<2x256xf32>
    %add3A_20 = arith.addf %slice3A_18, %slice3A_19 : vector<2x256xf32>
    %slice3A_21 = vector.extract_strided_slice %add3A_20 {offsets = [0, 0], sizes = [1, 256], strides = [1, 1]} : vector<2x256xf32> to vector<1x256xf32>
    %slice3A_22 = vector.extract_strided_slice %add3A_20 {offsets = [1, 0], sizes = [1, 256], strides = [1, 1]} : vector<2x256xf32> to vector<1x256xf32>
    %add3A_23 = arith.addf %slice3A_21, %slice3A_22 : vector<1x256xf32>
    %add3A_24 = arith.addf %add3A_11, %add3A_23 : vector<1x256xf32>
    %mul3A = arith.constant 9.99999974E-5 : f32
    %mul3A_25 = vector.broadcast %mul3A : f32 to vector<1x256xf32>
    %mul3A_26 = arith.mulf %add3A_24, %mul3A_25 : vector<1x256xf32>
    %get3A_27 = arith.constant 0 : index
    %get3A_28 = arith.constant 0 : index
    %get3A_29 = vector.load %arg3[%get3A_27, %get3A_28] : memref<16x256xf32, #tpu.memory_space<vmem>>, vector<8x256xf32>
    %slice3A_30 = vector.extract_strided_slice %get3A_29 {offsets = [0, 0], sizes = [4, 256], strides = [1, 1]} : vector<8x256xf32> to vector<4x256xf32>
    %slice3A_31 = vector.extract_strided_slice %get3A_29 {offsets = [4, 0], sizes = [4, 256], strides = [1, 1]} : vector<8x256xf32> to vector<4x256xf32>
    %add3A_32 = arith.addf %slice3A_30, %slice3A_31 : vector<4x256xf32>
    %slice3A_33 = vector.extract_strided_slice %add3A_32 {offsets = [0, 0], sizes = [2, 256], strides = [1, 1]} : vector<4x256xf32> to vector<2x256xf32>
    %slice3A_34 = vector.extract_strided_slice %add3A_32 {offsets = [2, 0], sizes = [2, 256], strides = [1, 1]} : vector<4x256xf32> to vector<2x256xf32>
    %add3A_35 = arith.addf %slice3A_33, %slice3A_34 : vector<2x256xf32>
    %slice3A_36 = vector.extract_strided_slice %add3A_35 {offsets = [0, 0], sizes = [1, 256], strides = [1, 1]} : vector<2x256xf32> to vector<1x256xf32>
    %slice3A_37 = vector.extract_strided_slice %add3A_35 {offsets = [1, 0], sizes = [1, 256], strides = [1, 1]} : vector<2x256xf32> to vector<1x256xf32>
    %add3A_38 = arith.addf %slice3A_36, %slice3A_37 : vector<1x256xf32>
    %get3A_39 = arith.constant 8 : index
    %get3A_40 = arith.constant 0 : index
    %get3A_41 = vector.load %arg3[%get3A_39, %get3A_40] : memref<16x256xf32, #tpu.memory_space<vmem>>, vector<8x256xf32>
    %slice3A_42 = vector.extract_strided_slice %get3A_41 {offsets = [0, 0], sizes = [4, 256], strides = [1, 1]} : vector<8x256xf32> to vector<4x256xf32>
    %slice3A_43 = vector.extract_strided_slice %get3A_41 {offsets = [4, 0], sizes = [4, 256], strides = [1, 1]} : vector<8x256xf32> to vector<4x256xf32>
    %add3A_44 = arith.addf %slice3A_42, %slice3A_43 : vector<4x256xf32>
    %slice3A_45 = vector.extract_strided_slice %add3A_44 {offsets = [0, 0], sizes = [2, 256], strides = [1, 1]} : vector<4x256xf32> to vector<2x256xf32>
    %slice3A_46 = vector.extract_strided_slice %add3A_44 {offsets = [2, 0], sizes = [2, 256], strides = [1, 1]} : vector<4x256xf32> to vector<2x256xf32>
    %add3A_47 = arith.addf %slice3A_45, %slice3A_46 : vector<2x256xf32>
    %slice3A_48 = vector.extract_strided_slice %add3A_47 {offsets = [0, 0], sizes = [1, 256], strides = [1, 1]} : vector<2x256xf32> to vector<1x256xf32>
    %slice3A_49 = vector.extract_strided_slice %add3A_47 {offsets = [1, 0], sizes = [1, 256], strides = [1, 1]} : vector<2x256xf32> to vector<1x256xf32>
    %add3A_50 = arith.addf %slice3A_48, %slice3A_49 : vector<1x256xf32>
    %add3A_51 = arith.addf %add3A_38, %add3A_50 : vector<1x256xf32>
    %mul3A_52 = arith.constant 9.99999974E-5 : f32
    %mul3A_53 = vector.broadcast %mul3A_52 : f32 to vector<1x256xf32>
    %mul3A_54 = arith.mulf %add3A_51, %mul3A_53 : vector<1x256xf32>
    %sub3A = vector.broadcast %mul3A_26 : vector<1x256xf32> to vector<1000x256xf32>
    %sub3A_55 = arith.subf %get3A_1, %sub3A : vector<1000x256xf32>
    %add3A_56 = arith.constant 9.99999974E-6 : f32
    %add3A_57 = vector.broadcast %add3A_56 : f32 to vector<1x256xf32>
    %add3A_58 = arith.addf %mul3A_54, %add3A_57 : vector<1x256xf32>
    %sqrt3A = math.sqrt %add3A_58 : vector<1x256xf32>
    %div3A = vector.broadcast %sqrt3A : vector<1x256xf32> to vector<1000x256xf32>
    %div3A_59 = arith.divf %sub3A_55, %div3A : vector<1000x256xf32>
    %get3A_60 = arith.constant 0 : index
    %get3A_61 = arith.constant 0 : index
    %get3A_62 = vector.load %arg4[%get3A_60, %get3A_61] : memref<1x256xf32, #tpu.memory_space<vmem>>, vector<1x256xf32>
    %mul3A_63 = vector.broadcast %get3A_62 : vector<1x256xf32> to vector<1000x256xf32>
    %mul3A_64 = arith.mulf %div3A_59, %mul3A_63 : vector<1000x256xf32>
    %get3A_65 = arith.constant 0 : index
    %get3A_66 = arith.constant 0 : index
    %get3A_67 = vector.load %arg5[%get3A_65, %get3A_66] : memref<1x256xf32, #tpu.memory_space<vmem>>, vector<1x256xf32>
    %add3A_68 = vector.broadcast %get3A_67 : vector<1x256xf32> to vector<1000x256xf32>
    %add3A_69 = arith.addf %mul3A_64, %add3A_68 : vector<1000x256xf32>
    %max3A = arith.constant 0.000000e+00 : f32
    %max3A_70 = vector.broadcast %max3A : f32 to vector<1000x256xf32>
    %max3A_71 = arith.maximumf %add3A_69, %max3A_70 : vector<1000x256xf32>
    %get3A_72 = arith.constant 0 : index
    %get3A_73 = arith.constant 0 : index
    %get3A_74 = vector.load %arg6[%get3A_72, %get3A_73] : memref<256x128xf32, #tpu.memory_space<vmem>>, vector<256x128xf32>
    %dot_general3A = arith.constant dense<0.000000e+00> : vector<1000x128xf32>
    %dot_general3A_75 = tpu.matmul %max3A_71, %get3A_74, %dot_general3A {dimension_numbers = #tpu.dot_dimension_numbers<[1], [0], [0], [1], [0, 0, 1, 1], [], []>, transpose_lhs_hint = false} : vector<1000x256xf32>, vector<256x128xf32>, vector<1000x128xf32> -> vector<1000x128xf32>
    %get3A_76 = arith.constant 0 : index
    %get3A_77 = arith.constant 0 : index
    %get3A_78 = vector.load %arg7[%get3A_76, %get3A_77] : memref<1x128xf32, #tpu.memory_space<vmem>>, vector<1x128xf32>
    %add3A_79 = vector.broadcast %get3A_78 : vector<1x128xf32> to vector<1000x128xf32>
    %add3A_80 = arith.addf %dot_general3A_75, %add3A_79 : vector<1000x128xf32>
    %swap3A = arith.constant 0 : index
    %swap3A_81 = arith.constant 0 : index
    %swap3A_82 = vector.load %arg8[%swap3A, %swap3A_81] : memref<1000x128xf32, #tpu.memory_space<vmem>>, vector<1000x128xf32>
    tpu.vector_store %arg8[%swap3A, %swap3A_81], %add3A_80 {strides = array<i32>} : memref<1000x128xf32, #tpu.memory_space<vmem>>, vector<1000x128xf32>,
    %eq3A = arith.constant 0 : i32
    %eq3A_83 = arith.cmpi eq, %arg0, %eq3A : i32
    %convert_element_type3A = arith.extui %eq3A_83 : i1 to i32
    %cond3A = arith.constant 0 : i32
    %cond3A_84 = arith.cmpi ne, %convert_element_type3A, %cond3A : i32
    scf.if %cond3A_84 {
      %broadcast_in_dim3A = arith.constant 0.000000e+00 : f32
      %broadcast_in_dim3A_93 = vector.broadcast %broadcast_in_dim3A : f32 to vector<16x128xf32>
      %swap3A_94 = arith.constant 0 : index
      %swap3A_95 = arith.constant 0 : index
      %swap3A_96 = vector.load %arg9[%swap3A_94, %swap3A_95] : memref<16x128xf32, #tpu.memory_space<vmem>>, vector<16x128xf32>
      tpu.vector_store %arg9[%swap3A_94, %swap3A_95], %broadcast_in_dim3A_93 {strides = array<i32>} : memref<16x128xf32, #tpu.memory_space<vmem>>, vector<16x128xf32>,
    } else {
    }
    %lt3A = arith.constant 5 : i32
    %lt3A_85 = arith.cmpi slt, %arg0, %lt3A : i32
    %convert_element_type3A_86 = arith.extui %lt3A_85 : i1 to i32
    %cond3A_87 = arith.constant 0 : i32
    %cond3A_88 = arith.cmpi ne, %convert_element_type3A_86, %cond3A_87 : i32
    scf.if %cond3A_88 {
      %get3A_93 = arith.constant 0 : index
      %get3A_94 = arith.constant 0 : index
      %get3A_95 = vector.load %arg9[%get3A_93, %get3A_94] : memref<16x128xf32, #tpu.memory_space<vmem>>, vector<8x128xf32>
      %scan3A = arith.constant 0 : i32
      %scan3A_96 = arith.constant 125 : i32
      %scan3A_97 = arith.addi %scan3A, %scan3A_96 : i32
      %scan3A_98 = arith.constant 1 : i32
      %scan3A_99 = scf.for %scan3A_104 = %scan3A to %scan3A_97 step %scan3A_98 iter_args(%scan3A_105 = %get3A_95) -> (vector<8x128xf32>)  : i32 {
        %mul3A_106 = arith.constant 8 : i32
        %mul3A_107 = arith.muli %scan3A_104, %mul3A_106 : i32
        %get3A_108 = arith.index_cast %mul3A_107 : i32 to index
        %get3A_109 = arith.constant 0 : index
        %get3A_110 = vector.load %arg8[%get3A_108, %get3A_109] : memref<1000x128xf32, #tpu.memory_space<vmem>>, vector<8x128xf32>
        %add3A_111 = arith.addf %scan3A_105, %get3A_110 : vector<8x128xf32>
        scf.yield %add3A_111 : vector<8x128xf32>
      }
      %scan3A_100 = arith.constant 125 : i32
      %swap3A_101 = arith.constant 0 : index
      %swap3A_102 = arith.constant 0 : index
      %swap3A_103 = vector.load %arg9[%swap3A_101, %swap3A_102] : memref<16x128xf32, #tpu.memory_space<vmem>>, vector<8x128xf32>
      tpu.vector_store %arg9[%swap3A_101, %swap3A_102], %scan3A_99 {strides = array<i32>} : memref<16x128xf32, #tpu.memory_space<vmem>>, vector<8x128xf32>,
    } else {
    }
    %ge3A = arith.constant 5 : i32
    %ge3A_89 = arith.cmpi sge, %arg0, %ge3A : i32
    %convert_element_type3A_90 = arith.extui %ge3A_89 : i1 to i32
    %cond3A_91 = arith.constant 0 : i32
    %cond3A_92 = arith.cmpi ne, %convert_element_type3A_90, %cond3A_91 : i32
    scf.if %cond3A_92 {
      %get3A_93 = arith.constant 8 : index
      %get3A_94 = arith.constant 0 : index
      %get3A_95 = vector.load %arg9[%get3A_93, %get3A_94] : memref<16x128xf32, #tpu.memory_space<vmem>>, vector<8x128xf32>
      %scan3A = arith.constant 0 : i32
      %scan3A_96 = arith.constant 125 : i32
      %scan3A_97 = arith.addi %scan3A, %scan3A_96 : i32
      %scan3A_98 = arith.constant 1 : i32
      %scan3A_99 = scf.for %scan3A_104 = %scan3A to %scan3A_97 step %scan3A_98 iter_args(%scan3A_105 = %get3A_95) -> (vector<8x128xf32>)  : i32 {
        %mul3A_106 = arith.constant 8 : i32
        %mul3A_107 = arith.muli %scan3A_104, %mul3A_106 : i32
        %get3A_108 = arith.index_cast %mul3A_107 : i32 to index
        %get3A_109 = arith.constant 0 : index
        %get3A_110 = vector.load %arg8[%get3A_108, %get3A_109] : memref<1000x128xf32, #tpu.memory_space<vmem>>, vector<8x128xf32>
        %add3A_111 = arith.addf %scan3A_105, %get3A_110 : vector<8x128xf32>
        scf.yield %add3A_111 : vector<8x128xf32>
      }
      %scan3A_100 = arith.constant 125 : i32
      %swap3A_101 = arith.constant 8 : index
      %swap3A_102 = arith.constant 0 : index
      %swap3A_103 = vector.load %arg9[%swap3A_101, %swap3A_102] : memref<16x128xf32, #tpu.memory_space<vmem>>, vector<8x128xf32>
      tpu.vector_store %arg9[%swap3A_101, %swap3A_102], %scan3A_99 {strides = array<i32>} : memref<16x128xf32, #tpu.memory_space<vmem>>, vector<8x128xf32>,
    } else {
    }
    return
  }
  func.func @transform_0(%arg0: i32) -> (i32, i32) {
    %c0_i32 = arith.constant 0 : i32
    %c0_i32_0 = arith.constant 0 : i32
    return %arg0, %c0_i32 : i32, i32
  }
  func.func @transform_1(%arg0: i32) -> (i32, i32) {
    %c0_i32 = arith.constant 0 : i32
    %c0_i32_0 = arith.constant 0 : i32
    %c0_i32_1 = arith.constant 0 : i32
    return %c0_i32, %c0_i32_0 : i32, i32
  }
  func.func @transform_2(%arg0: i32) -> (i32, i32) {
    %c0_i32 = arith.constant 0 : i32
    %c0_i32_0 = arith.constant 0 : i32
    %c0_i32_1 = arith.constant 0 : i32
    return %c0_i32, %c0_i32_0 : i32, i32
  }
  func.func @transform_3(%arg0: i32) -> (i32, i32) {
    %c0_i32 = arith.constant 0 : i32
    %c0_i32_0 = arith.constant 0 : i32
    %c0_i32_1 = arith.constant 0 : i32
    return %c0_i32, %c0_i32_0 : i32, i32
  }
  func.func @transform_4(%arg0: i32) -> (i32, i32) {
    %c0_i32 = arith.constant 0 : i32
    %c0_i32_0 = arith.constant 0 : i32
    %c0_i32_1 = arith.constant 0 : i32
    return %c0_i32, %c0_i32_0 : i32, i32
  }
  func.func @transform_5(%arg0: i32) -> (i32, i32) {
    %c0_i32 = arith.constant 0 : i32
    %c0_i32_0 = arith.constant 0 : i32
    %c0_i32_1 = arith.constant 0 : i32
    return %c0_i32, %c0_i32_0 : i32, i32
  }
  func.func @transform_6(%arg0: i32) -> (i32, i32) {
    %c0_i32 = arith.constant 0 : i32
    %c0_i32_0 = arith.constant 0 : i32
    %c0_i32_1 = arith.constant 0 : i32
    return %c0_i32, %c0_i32_0 : i32, i32
  }
  func.func @transform_7(%arg0: i32) -> (i32, i32) {
    %c0_i32 = arith.constant 0 : i32
    %c0_i32_0 = arith.constant 0 : i32
    return %arg0, %c0_i32 : i32, i32
  }
  func.func @transform_8(%arg0: i32) -> (i32, i32) {
    %c0_i32 = arith.constant 0 : i32
    %c0_i32_0 = arith.constant 0 : i32
    %c0_i32_1 = arith.constant 0 : i32
    return %c0_i32, %c0_i32_0 : i32, i32
  }
}

module attributes {stable_mosaic.version = 14 : i64} {
  func.func @_sq_body(%arg0: i32, %arg1: memref<1000x128xf32, #tpu.memory_space<vmem>>, %arg2: memref<16x128xf32, #tpu.memory_space<vmem>>, %arg3: memref<16x128xf32, #tpu.memory_space<vmem>>) attributes {dimension_semantics = [#tpu.dimension_semantics<arbitrary>], iteration_bounds = array<i64: 10>, scalar_prefetch = 0 : i64, scratch_operands = 0 : i64, tpu.core_type = #tpu.core_type<tc>, window_params = [{transform_indices = @transform_0, window_bounds = array<i64: 1000, 128>}, {pipeline_mode = #tpu.pipeline_mode<synchronous>, transform_indices = @transform_1, window_bounds = array<i64: 16, 128>}, {pipeline_mode = #tpu.pipeline_mode<synchronous>, transform_indices = @transform_2, window_bounds = array<i64: 16, 128>}]} {
    %get3A = arith.constant 0 : index
    %get3A_0 = arith.constant 0 : index
    %get3A_1 = vector.load %arg2[%get3A, %get3A_0] : memref<16x128xf32, #tpu.memory_space<vmem>>, vector<8x128xf32>
    %slice3A = vector.extract_strided_slice %get3A_1 {offsets = [0, 0], sizes = [4, 128], strides = [1, 1]} : vector<8x128xf32> to vector<4x128xf32>
    %slice3A_2 = vector.extract_strided_slice %get3A_1 {offsets = [4, 0], sizes = [4, 128], strides = [1, 1]} : vector<8x128xf32> to vector<4x128xf32>
    %add3A = arith.addf %slice3A, %slice3A_2 : vector<4x128xf32>
    %slice3A_3 = vector.extract_strided_slice %add3A {offsets = [0, 0], sizes = [2, 128], strides = [1, 1]} : vector<4x128xf32> to vector<2x128xf32>
    %slice3A_4 = vector.extract_strided_slice %add3A {offsets = [2, 0], sizes = [2, 128], strides = [1, 1]} : vector<4x128xf32> to vector<2x128xf32>
    %add3A_5 = arith.addf %slice3A_3, %slice3A_4 : vector<2x128xf32>
    %slice3A_6 = vector.extract_strided_slice %add3A_5 {offsets = [0, 0], sizes = [1, 128], strides = [1, 1]} : vector<2x128xf32> to vector<1x128xf32>
    %slice3A_7 = vector.extract_strided_slice %add3A_5 {offsets = [1, 0], sizes = [1, 128], strides = [1, 1]} : vector<2x128xf32> to vector<1x128xf32>
    %add3A_8 = arith.addf %slice3A_6, %slice3A_7 : vector<1x128xf32>
    %get3A_9 = arith.constant 8 : index
    %get3A_10 = arith.constant 0 : index
    %get3A_11 = vector.load %arg2[%get3A_9, %get3A_10] : memref<16x128xf32, #tpu.memory_space<vmem>>, vector<8x128xf32>
    %slice3A_12 = vector.extract_strided_slice %get3A_11 {offsets = [0, 0], sizes = [4, 128], strides = [1, 1]} : vector<8x128xf32> to vector<4x128xf32>
    %slice3A_13 = vector.extract_strided_slice %get3A_11 {offsets = [4, 0], sizes = [4, 128], strides = [1, 1]} : vector<8x128xf32> to vector<4x128xf32>
    %add3A_14 = arith.addf %slice3A_12, %slice3A_13 : vector<4x128xf32>
    %slice3A_15 = vector.extract_strided_slice %add3A_14 {offsets = [0, 0], sizes = [2, 128], strides = [1, 1]} : vector<4x128xf32> to vector<2x128xf32>
    %slice3A_16 = vector.extract_strided_slice %add3A_14 {offsets = [2, 0], sizes = [2, 128], strides = [1, 1]} : vector<4x128xf32> to vector<2x128xf32>
    %add3A_17 = arith.addf %slice3A_15, %slice3A_16 : vector<2x128xf32>
    %slice3A_18 = vector.extract_strided_slice %add3A_17 {offsets = [0, 0], sizes = [1, 128], strides = [1, 1]} : vector<2x128xf32> to vector<1x128xf32>
    %slice3A_19 = vector.extract_strided_slice %add3A_17 {offsets = [1, 0], sizes = [1, 128], strides = [1, 1]} : vector<2x128xf32> to vector<1x128xf32>
    %add3A_20 = arith.addf %slice3A_18, %slice3A_19 : vector<1x128xf32>
    %add3A_21 = arith.addf %add3A_8, %add3A_20 : vector<1x128xf32>
    %mul3A = arith.constant 9.99999974E-5 : f32
    %mul3A_22 = vector.broadcast %mul3A : f32 to vector<1x128xf32>
    %mul3A_23 = arith.mulf %add3A_21, %mul3A_22 : vector<1x128xf32>
    %eq3A = arith.constant 0 : i32
    %eq3A_24 = arith.cmpi eq, %arg0, %eq3A : i32
    %convert_element_type3A = arith.extui %eq3A_24 : i1 to i32
    %cond3A = arith.constant 0 : i32
    %cond3A_25 = arith.cmpi ne, %convert_element_type3A, %cond3A : i32
    scf.if %cond3A_25 {
      %broadcast_in_dim3A = arith.constant 0.000000e+00 : f32
      %broadcast_in_dim3A_34 = vector.broadcast %broadcast_in_dim3A : f32 to vector<16x128xf32>
      %swap3A = arith.constant 0 : index
      %swap3A_35 = arith.constant 0 : index
      %swap3A_36 = vector.load %arg3[%swap3A, %swap3A_35] : memref<16x128xf32, #tpu.memory_space<vmem>>, vector<16x128xf32>
      tpu.vector_store %arg3[%swap3A, %swap3A_35], %broadcast_in_dim3A_34 {strides = array<i32>} : memref<16x128xf32, #tpu.memory_space<vmem>>, vector<16x128xf32>,
    } else {
    }
    %lt3A = arith.constant 5 : i32
    %lt3A_26 = arith.cmpi slt, %arg0, %lt3A : i32
    %convert_element_type3A_27 = arith.extui %lt3A_26 : i1 to i32
    %cond3A_28 = arith.constant 0 : i32
    %cond3A_29 = arith.cmpi ne, %convert_element_type3A_27, %cond3A_28 : i32
    scf.if %cond3A_29 {
      %get3A_34 = arith.constant 0 : index
      %get3A_35 = arith.constant 0 : index
      %get3A_36 = vector.load %arg3[%get3A_34, %get3A_35] : memref<16x128xf32, #tpu.memory_space<vmem>>, vector<8x128xf32>
      %scan3A = arith.constant 0 : i32
      %scan3A_37 = arith.constant 125 : i32
      %scan3A_38 = arith.addi %scan3A, %scan3A_37 : i32
      %scan3A_39 = arith.constant 1 : i32
      %scan3A_40 = scf.for %scan3A_44 = %scan3A to %scan3A_38 step %scan3A_39 iter_args(%scan3A_45 = %get3A_36) -> (vector<8x128xf32>)  : i32 {
        %mul3A_46 = arith.constant 8 : i32
        %mul3A_47 = arith.muli %scan3A_44, %mul3A_46 : i32
        %get3A_48 = arith.index_cast %mul3A_47 : i32 to index
        %get3A_49 = arith.constant 0 : index
        %get3A_50 = vector.load %arg1[%get3A_48, %get3A_49] : memref<1000x128xf32, #tpu.memory_space<vmem>>, vector<8x128xf32>
        %sub3A = vector.broadcast %mul3A_23 : vector<1x128xf32> to vector<8x128xf32>
        %sub3A_51 = arith.subf %get3A_50, %sub3A : vector<8x128xf32>
        %sub3A_52 = vector.broadcast %mul3A_23 : vector<1x128xf32> to vector<8x128xf32>
        %sub3A_53 = arith.subf %get3A_50, %sub3A_52 : vector<8x128xf32>
        %mul3A_54 = arith.mulf %sub3A_51, %sub3A_53 : vector<8x128xf32>
        %add3A_55 = arith.addf %scan3A_45, %mul3A_54 : vector<8x128xf32>
        scf.yield %add3A_55 : vector<8x128xf32>
      }
      %scan3A_41 = arith.constant 125 : i32
      %swap3A = arith.constant 0 : index
      %swap3A_42 = arith.constant 0 : index
      %swap3A_43 = vector.load %arg3[%swap3A, %swap3A_42] : memref<16x128xf32, #tpu.memory_space<vmem>>, vector<8x128xf32>
      tpu.vector_store %arg3[%swap3A, %swap3A_42], %scan3A_40 {strides = array<i32>} : memref<16x128xf32, #tpu.memory_space<vmem>>, vector<8x128xf32>,
    } else {
    }
    %ge3A = arith.constant 5 : i32
    %ge3A_30 = arith.cmpi sge, %arg0, %ge3A : i32
    %convert_element_type3A_31 = arith.extui %ge3A_30 : i1 to i32
    %cond3A_32 = arith.constant 0 : i32
    %cond3A_33 = arith.cmpi ne, %convert_element_type3A_31, %cond3A_32 : i32
    scf.if %cond3A_33 {
      %get3A_34 = arith.constant 8 : index
      %get3A_35 = arith.constant 0 : index
      %get3A_36 = vector.load %arg3[%get3A_34, %get3A_35] : memref<16x128xf32, #tpu.memory_space<vmem>>, vector<8x128xf32>
      %scan3A = arith.constant 0 : i32
      %scan3A_37 = arith.constant 125 : i32
      %scan3A_38 = arith.addi %scan3A, %scan3A_37 : i32
      %scan3A_39 = arith.constant 1 : i32
      %scan3A_40 = scf.for %scan3A_44 = %scan3A to %scan3A_38 step %scan3A_39 iter_args(%scan3A_45 = %get3A_36) -> (vector<8x128xf32>)  : i32 {
        %mul3A_46 = arith.constant 8 : i32
        %mul3A_47 = arith.muli %scan3A_44, %mul3A_46 : i32
        %get3A_48 = arith.index_cast %mul3A_47 : i32 to index
        %get3A_49 = arith.constant 0 : index
        %get3A_50 = vector.load %arg1[%get3A_48, %get3A_49] : memref<1000x128xf32, #tpu.memory_space<vmem>>, vector<8x128xf32>
        %sub3A = vector.broadcast %mul3A_23 : vector<1x128xf32> to vector<8x128xf32>
        %sub3A_51 = arith.subf %get3A_50, %sub3A : vector<8x128xf32>
        %sub3A_52 = vector.broadcast %mul3A_23 : vector<1x128xf32> to vector<8x128xf32>
        %sub3A_53 = arith.subf %get3A_50, %sub3A_52 : vector<8x128xf32>
        %mul3A_54 = arith.mulf %sub3A_51, %sub3A_53 : vector<8x128xf32>
        %add3A_55 = arith.addf %scan3A_45, %mul3A_54 : vector<8x128xf32>
        scf.yield %add3A_55 : vector<8x128xf32>
      }
      %scan3A_41 = arith.constant 125 : i32
      %swap3A = arith.constant 8 : index
      %swap3A_42 = arith.constant 0 : index
      %swap3A_43 = vector.load %arg3[%swap3A, %swap3A_42] : memref<16x128xf32, #tpu.memory_space<vmem>>, vector<8x128xf32>
      tpu.vector_store %arg3[%swap3A, %swap3A_42], %scan3A_40 {strides = array<i32>} : memref<16x128xf32, #tpu.memory_space<vmem>>, vector<8x128xf32>,
    } else {
    }
    return
  }
  func.func @transform_0(%arg0: i32) -> (i32, i32) {
    %c0_i32 = arith.constant 0 : i32
    %c0_i32_0 = arith.constant 0 : i32
    return %arg0, %c0_i32 : i32, i32
  }
  func.func @transform_1(%arg0: i32) -> (i32, i32) {
    %c0_i32 = arith.constant 0 : i32
    %c0_i32_0 = arith.constant 0 : i32
    %c0_i32_1 = arith.constant 0 : i32
    return %c0_i32, %c0_i32_0 : i32, i32
  }
  func.func @transform_2(%arg0: i32) -> (i32, i32) {
    %c0_i32 = arith.constant 0 : i32
    %c0_i32_0 = arith.constant 0 : i32
    %c0_i32_1 = arith.constant 0 : i32
    return %c0_i32, %c0_i32_0 : i32, i32
  }
}

module attributes {stable_mosaic.version = 14 : i64} {
  func.func @_t3a_body(%arg0: i32, %arg1: memref<1000x128xf32, #tpu.memory_space<vmem>>, %arg2: memref<16x128xf32, #tpu.memory_space<vmem>>, %arg3: memref<16x128xf32, #tpu.memory_space<vmem>>, %arg4: memref<1x128xf32, #tpu.memory_space<vmem>>, %arg5: memref<1x128xf32, #tpu.memory_space<vmem>>, %arg6: memref<1x128xf32, #tpu.memory_space<vmem>>, %arg7: memref<1000x128xf32, #tpu.memory_space<vmem>>) attributes {dimension_semantics = [#tpu.dimension_semantics<arbitrary>], iteration_bounds = array<i64: 10>, scalar_prefetch = 0 : i64, scratch_operands = 0 : i64, tpu.core_type = #tpu.core_type<tc>, window_params = [{transform_indices = @transform_0, window_bounds = array<i64: 1000, 128>}, {pipeline_mode = #tpu.pipeline_mode<synchronous>, transform_indices = @transform_1, window_bounds = array<i64: 16, 128>}, {pipeline_mode = #tpu.pipeline_mode<synchronous>, transform_indices = @transform_2, window_bounds = array<i64: 16, 128>}, {pipeline_mode = #tpu.pipeline_mode<synchronous>, transform_indices = @transform_3, window_bounds = array<i64: 1, 128>}, {pipeline_mode = #tpu.pipeline_mode<synchronous>, transform_indices = @transform_4, window_bounds = array<i64: 1, 128>}, {pipeline_mode = #tpu.pipeline_mode<synchronous>, transform_indices = @transform_5, window_bounds = array<i64: 1, 128>}, {transform_indices = @transform_6, window_bounds = array<i64: 1000, 128>}]} {
    %get3A = arith.constant 0 : index
    %get3A_0 = arith.constant 0 : index
    %get3A_1 = vector.load %arg1[%get3A, %get3A_0] : memref<1000x128xf32, #tpu.memory_space<vmem>>, vector<1000x128xf32>
    %get3A_2 = arith.constant 0 : index
    %get3A_3 = arith.constant 0 : index
    %get3A_4 = vector.load %arg2[%get3A_2, %get3A_3] : memref<16x128xf32, #tpu.memory_space<vmem>>, vector<8x128xf32>
    %slice3A = vector.extract_strided_slice %get3A_4 {offsets = [0, 0], sizes = [4, 128], strides = [1, 1]} : vector<8x128xf32> to vector<4x128xf32>
    %slice3A_5 = vector.extract_strided_slice %get3A_4 {offsets = [4, 0], sizes = [4, 128], strides = [1, 1]} : vector<8x128xf32> to vector<4x128xf32>
    %add3A = arith.addf %slice3A, %slice3A_5 : vector<4x128xf32>
    %slice3A_6 = vector.extract_strided_slice %add3A {offsets = [0, 0], sizes = [2, 128], strides = [1, 1]} : vector<4x128xf32> to vector<2x128xf32>
    %slice3A_7 = vector.extract_strided_slice %add3A {offsets = [2, 0], sizes = [2, 128], strides = [1, 1]} : vector<4x128xf32> to vector<2x128xf32>
    %add3A_8 = arith.addf %slice3A_6, %slice3A_7 : vector<2x128xf32>
    %slice3A_9 = vector.extract_strided_slice %add3A_8 {offsets = [0, 0], sizes = [1, 128], strides = [1, 1]} : vector<2x128xf32> to vector<1x128xf32>
    %slice3A_10 = vector.extract_strided_slice %add3A_8 {offsets = [1, 0], sizes = [1, 128], strides = [1, 1]} : vector<2x128xf32> to vector<1x128xf32>
    %add3A_11 = arith.addf %slice3A_9, %slice3A_10 : vector<1x128xf32>
    %get3A_12 = arith.constant 8 : index
    %get3A_13 = arith.constant 0 : index
    %get3A_14 = vector.load %arg2[%get3A_12, %get3A_13] : memref<16x128xf32, #tpu.memory_space<vmem>>, vector<8x128xf32>
    %slice3A_15 = vector.extract_strided_slice %get3A_14 {offsets = [0, 0], sizes = [4, 128], strides = [1, 1]} : vector<8x128xf32> to vector<4x128xf32>
    %slice3A_16 = vector.extract_strided_slice %get3A_14 {offsets = [4, 0], sizes = [4, 128], strides = [1, 1]} : vector<8x128xf32> to vector<4x128xf32>
    %add3A_17 = arith.addf %slice3A_15, %slice3A_16 : vector<4x128xf32>
    %slice3A_18 = vector.extract_strided_slice %add3A_17 {offsets = [0, 0], sizes = [2, 128], strides = [1, 1]} : vector<4x128xf32> to vector<2x128xf32>
    %slice3A_19 = vector.extract_strided_slice %add3A_17 {offsets = [2, 0], sizes = [2, 128], strides = [1, 1]} : vector<4x128xf32> to vector<2x128xf32>
    %add3A_20 = arith.addf %slice3A_18, %slice3A_19 : vector<2x128xf32>
    %slice3A_21 = vector.extract_strided_slice %add3A_20 {offsets = [0, 0], sizes = [1, 128], strides = [1, 1]} : vector<2x128xf32> to vector<1x128xf32>
    %slice3A_22 = vector.extract_strided_slice %add3A_20 {offsets = [1, 0], sizes = [1, 128], strides = [1, 1]} : vector<2x128xf32> to vector<1x128xf32>
    %add3A_23 = arith.addf %slice3A_21, %slice3A_22 : vector<1x128xf32>
    %add3A_24 = arith.addf %add3A_11, %add3A_23 : vector<1x128xf32>
    %mul3A = arith.constant 9.99999974E-5 : f32
    %mul3A_25 = vector.broadcast %mul3A : f32 to vector<1x128xf32>
    %mul3A_26 = arith.mulf %add3A_24, %mul3A_25 : vector<1x128xf32>
    %get3A_27 = arith.constant 0 : index
    %get3A_28 = arith.constant 0 : index
    %get3A_29 = vector.load %arg3[%get3A_27, %get3A_28] : memref<16x128xf32, #tpu.memory_space<vmem>>, vector<8x128xf32>
    %slice3A_30 = vector.extract_strided_slice %get3A_29 {offsets = [0, 0], sizes = [4, 128], strides = [1, 1]} : vector<8x128xf32> to vector<4x128xf32>
    %slice3A_31 = vector.extract_strided_slice %get3A_29 {offsets = [4, 0], sizes = [4, 128], strides = [1, 1]} : vector<8x128xf32> to vector<4x128xf32>
    %add3A_32 = arith.addf %slice3A_30, %slice3A_31 : vector<4x128xf32>
    %slice3A_33 = vector.extract_strided_slice %add3A_32 {offsets = [0, 0], sizes = [2, 128], strides = [1, 1]} : vector<4x128xf32> to vector<2x128xf32>
    %slice3A_34 = vector.extract_strided_slice %add3A_32 {offsets = [2, 0], sizes = [2, 128], strides = [1, 1]} : vector<4x128xf32> to vector<2x128xf32>
    %add3A_35 = arith.addf %slice3A_33, %slice3A_34 : vector<2x128xf32>
    %slice3A_36 = vector.extract_strided_slice %add3A_35 {offsets = [0, 0], sizes = [1, 128], strides = [1, 1]} : vector<2x128xf32> to vector<1x128xf32>
    %slice3A_37 = vector.extract_strided_slice %add3A_35 {offsets = [1, 0], sizes = [1, 128], strides = [1, 1]} : vector<2x128xf32> to vector<1x128xf32>
    %add3A_38 = arith.addf %slice3A_36, %slice3A_37 : vector<1x128xf32>
    %get3A_39 = arith.constant 8 : index
    %get3A_40 = arith.constant 0 : index
    %get3A_41 = vector.load %arg3[%get3A_39, %get3A_40] : memref<16x128xf32, #tpu.memory_space<vmem>>, vector<8x128xf32>
    %slice3A_42 = vector.extract_strided_slice %get3A_41 {offsets = [0, 0], sizes = [4, 128], strides = [1, 1]} : vector<8x128xf32> to vector<4x128xf32>
    %slice3A_43 = vector.extract_strided_slice %get3A_41 {offsets = [4, 0], sizes = [4, 128], strides = [1, 1]} : vector<8x128xf32> to vector<4x128xf32>
    %add3A_44 = arith.addf %slice3A_42, %slice3A_43 : vector<4x128xf32>
    %slice3A_45 = vector.extract_strided_slice %add3A_44 {offsets = [0, 0], sizes = [2, 128], strides = [1, 1]} : vector<4x128xf32> to vector<2x128xf32>
    %slice3A_46 = vector.extract_strided_slice %add3A_44 {offsets = [2, 0], sizes = [2, 128], strides = [1, 1]} : vector<4x128xf32> to vector<2x128xf32>
    %add3A_47 = arith.addf %slice3A_45, %slice3A_46 : vector<2x128xf32>
    %slice3A_48 = vector.extract_strided_slice %add3A_47 {offsets = [0, 0], sizes = [1, 128], strides = [1, 1]} : vector<2x128xf32> to vector<1x128xf32>
    %slice3A_49 = vector.extract_strided_slice %add3A_47 {offsets = [1, 0], sizes = [1, 128], strides = [1, 1]} : vector<2x128xf32> to vector<1x128xf32>
    %add3A_50 = arith.addf %slice3A_48, %slice3A_49 : vector<1x128xf32>
    %add3A_51 = arith.addf %add3A_38, %add3A_50 : vector<1x128xf32>
    %mul3A_52 = arith.constant 9.99999974E-5 : f32
    %mul3A_53 = vector.broadcast %mul3A_52 : f32 to vector<1x128xf32>
    %mul3A_54 = arith.mulf %add3A_51, %mul3A_53 : vector<1x128xf32>
    %sub3A = vector.broadcast %mul3A_26 : vector<1x128xf32> to vector<1000x128xf32>
    %sub3A_55 = arith.subf %get3A_1, %sub3A : vector<1000x128xf32>
    %add3A_56 = arith.constant 9.99999974E-6 : f32
    %add3A_57 = vector.broadcast %add3A_56 : f32 to vector<1x128xf32>
    %add3A_58 = arith.addf %mul3A_54, %add3A_57 : vector<1x128xf32>
    %sqrt3A = math.sqrt %add3A_58 : vector<1x128xf32>
    %div3A = vector.broadcast %sqrt3A : vector<1x128xf32> to vector<1000x128xf32>
    %div3A_59 = arith.divf %sub3A_55, %div3A : vector<1000x128xf32>
    %get3A_60 = arith.constant 0 : index
    %get3A_61 = arith.constant 0 : index
    %get3A_62 = vector.load %arg4[%get3A_60, %get3A_61] : memref<1x128xf32, #tpu.memory_space<vmem>>, vector<1x128xf32>
    %mul3A_63 = vector.broadcast %get3A_62 : vector<1x128xf32> to vector<1000x128xf32>
    %mul3A_64 = arith.mulf %div3A_59, %mul3A_63 : vector<1000x128xf32>
    %get3A_65 = arith.constant 0 : index
    %get3A_66 = arith.constant 0 : index
    %get3A_67 = vector.load %arg5[%get3A_65, %get3A_66] : memref<1x128xf32, #tpu.memory_space<vmem>>, vector<1x128xf32>
    %add3A_68 = vector.broadcast %get3A_67 : vector<1x128xf32> to vector<1000x128xf32>
    %add3A_69 = arith.addf %mul3A_64, %add3A_68 : vector<1000x128xf32>
    %max3A = arith.constant 0.000000e+00 : f32
    %max3A_70 = vector.broadcast %max3A : f32 to vector<1000x128xf32>
    %max3A_71 = arith.maximumf %add3A_69, %max3A_70 : vector<1000x128xf32>
    %get3A_72 = arith.constant 0 : index
    %get3A_73 = arith.constant 0 : index
    %get3A_74 = vector.load %arg6[%get3A_72, %get3A_73] : memref<1x128xf32, #tpu.memory_space<vmem>>, vector<1x128xf32>
    %add3A_75 = vector.broadcast %get3A_74 : vector<1x128xf32> to vector<1000x128xf32>
    %add3A_76 = arith.addf %max3A_71, %add3A_75 : vector<1000x128xf32>
    %swap3A = arith.constant 0 : index
    %swap3A_77 = arith.constant 0 : index
    %swap3A_78 = vector.load %arg7[%swap3A, %swap3A_77] : memref<1000x128xf32, #tpu.memory_space<vmem>>, vector<1000x128xf32>
    tpu.vector_store %arg7[%swap3A, %swap3A_77], %add3A_76 {strides = array<i32>} : memref<1000x128xf32, #tpu.memory_space<vmem>>, vector<1000x128xf32>,
    return
  }
  func.func @transform_0(%arg0: i32) -> (i32, i32) {
    %c0_i32 = arith.constant 0 : i32
    %c0_i32_0 = arith.constant 0 : i32
    return %arg0, %c0_i32 : i32, i32
  }
  func.func @transform_1(%arg0: i32) -> (i32, i32) {
    %c0_i32 = arith.constant 0 : i32
    %c0_i32_0 = arith.constant 0 : i32
    %c0_i32_1 = arith.constant 0 : i32
    return %c0_i32, %c0_i32_0 : i32, i32
  }
  func.func @transform_2(%arg0: i32) -> (i32, i32) {
    %c0_i32 = arith.constant 0 : i32
    %c0_i32_0 = arith.constant 0 : i32
    %c0_i32_1 = arith.constant 0 : i32
    return %c0_i32, %c0_i32_0 : i32, i32
  }
  func.func @transform_3(%arg0: i32) -> (i32, i32) {
    %c0_i32 = arith.constant 0 : i32
    %c0_i32_0 = arith.constant 0 : i32
    %c0_i32_1 = arith.constant 0 : i32
    return %c0_i32, %c0_i32_0 : i32, i32
  }
  func.func @transform_4(%arg0: i32) -> (i32, i32) {
    %c0_i32 = arith.constant 0 : i32
    %c0_i32_0 = arith.constant 0 : i32
    %c0_i32_1 = arith.constant 0 : i32
    return %c0_i32, %c0_i32_0 : i32, i32
  }
  func.func @transform_5(%arg0: i32) -> (i32, i32) {
    %c0_i32 = arith.constant 0 : i32
    %c0_i32_0 = arith.constant 0 : i32
    %c0_i32_1 = arith.constant 0 : i32
    return %c0_i32, %c0_i32_0 : i32, i32
  }
  func.func @transform_6(%arg0: i32) -> (i32, i32) {
    %c0_i32 = arith.constant 0 : i32
    %c0_i32_0 = arith.constant 0 : i32
    return %arg0, %c0_i32 : i32, i32
  }
}

module attributes {stable_mosaic.version = 14 : i64} {
  func.func @_t3b_body(%arg0: i32, %arg1: memref<1000x128xf32, #tpu.memory_space<vmem>>, %arg2: memref<16x128xf32, #tpu.memory_space<vmem>>, %arg3: memref<16x128xf32, #tpu.memory_space<vmem>>, %arg4: memref<1x128xf32, #tpu.memory_space<vmem>>, %arg5: memref<1x128xf32, #tpu.memory_space<vmem>>, %arg6: memref<1000x1xi32, #tpu.memory_space<vmem>>, %arg7: memref<1000x128xf32, #tpu.memory_space<vmem>>, %arg8: memref<128x128xf32, #tpu.memory_space<vmem>>) attributes {dimension_semantics = [#tpu.dimension_semantics<arbitrary>], iteration_bounds = array<i64: 10>, scalar_prefetch = 0 : i64, scratch_operands = 0 : i64, tpu.core_type = #tpu.core_type<tc>, window_params = [{transform_indices = @transform_0, window_bounds = array<i64: 1000, 128>}, {pipeline_mode = #tpu.pipeline_mode<synchronous>, transform_indices = @transform_1, window_bounds = array<i64: 16, 128>}, {pipeline_mode = #tpu.pipeline_mode<synchronous>, transform_indices = @transform_2, window_bounds = array<i64: 16, 128>}, {pipeline_mode = #tpu.pipeline_mode<synchronous>, transform_indices = @transform_3, window_bounds = array<i64: 1, 128>}, {pipeline_mode = #tpu.pipeline_mode<synchronous>, transform_indices = @transform_4, window_bounds = array<i64: 1, 128>}, {transform_indices = @transform_5, window_bounds = array<i64: 1000, 1>}, {transform_indices = @transform_6, window_bounds = array<i64: 1000, 128>}, {pipeline_mode = #tpu.pipeline_mode<synchronous>, transform_indices = @transform_7, window_bounds = array<i64: 128, 128>}]} {
    %get3A = arith.constant 0 : index
    %get3A_0 = arith.constant 0 : index
    %get3A_1 = vector.load %arg1[%get3A, %get3A_0] : memref<1000x128xf32, #tpu.memory_space<vmem>>, vector<1000x128xf32>
    %get3A_2 = arith.constant 0 : index
    %get3A_3 = arith.constant 0 : index
    %get3A_4 = vector.load %arg2[%get3A_2, %get3A_3] : memref<16x128xf32, #tpu.memory_space<vmem>>, vector<8x128xf32>
    %slice3A = vector.extract_strided_slice %get3A_4 {offsets = [0, 0], sizes = [4, 128], strides = [1, 1]} : vector<8x128xf32> to vector<4x128xf32>
    %slice3A_5 = vector.extract_strided_slice %get3A_4 {offsets = [4, 0], sizes = [4, 128], strides = [1, 1]} : vector<8x128xf32> to vector<4x128xf32>
    %add3A = arith.addf %slice3A, %slice3A_5 : vector<4x128xf32>
    %slice3A_6 = vector.extract_strided_slice %add3A {offsets = [0, 0], sizes = [2, 128], strides = [1, 1]} : vector<4x128xf32> to vector<2x128xf32>
    %slice3A_7 = vector.extract_strided_slice %add3A {offsets = [2, 0], sizes = [2, 128], strides = [1, 1]} : vector<4x128xf32> to vector<2x128xf32>
    %add3A_8 = arith.addf %slice3A_6, %slice3A_7 : vector<2x128xf32>
    %slice3A_9 = vector.extract_strided_slice %add3A_8 {offsets = [0, 0], sizes = [1, 128], strides = [1, 1]} : vector<2x128xf32> to vector<1x128xf32>
    %slice3A_10 = vector.extract_strided_slice %add3A_8 {offsets = [1, 0], sizes = [1, 128], strides = [1, 1]} : vector<2x128xf32> to vector<1x128xf32>
    %add3A_11 = arith.addf %slice3A_9, %slice3A_10 : vector<1x128xf32>
    %get3A_12 = arith.constant 8 : index
    %get3A_13 = arith.constant 0 : index
    %get3A_14 = vector.load %arg2[%get3A_12, %get3A_13] : memref<16x128xf32, #tpu.memory_space<vmem>>, vector<8x128xf32>
    %slice3A_15 = vector.extract_strided_slice %get3A_14 {offsets = [0, 0], sizes = [4, 128], strides = [1, 1]} : vector<8x128xf32> to vector<4x128xf32>
    %slice3A_16 = vector.extract_strided_slice %get3A_14 {offsets = [4, 0], sizes = [4, 128], strides = [1, 1]} : vector<8x128xf32> to vector<4x128xf32>
    %add3A_17 = arith.addf %slice3A_15, %slice3A_16 : vector<4x128xf32>
    %slice3A_18 = vector.extract_strided_slice %add3A_17 {offsets = [0, 0], sizes = [2, 128], strides = [1, 1]} : vector<4x128xf32> to vector<2x128xf32>
    %slice3A_19 = vector.extract_strided_slice %add3A_17 {offsets = [2, 0], sizes = [2, 128], strides = [1, 1]} : vector<4x128xf32> to vector<2x128xf32>
    %add3A_20 = arith.addf %slice3A_18, %slice3A_19 : vector<2x128xf32>
    %slice3A_21 = vector.extract_strided_slice %add3A_20 {offsets = [0, 0], sizes = [1, 128], strides = [1, 1]} : vector<2x128xf32> to vector<1x128xf32>
    %slice3A_22 = vector.extract_strided_slice %add3A_20 {offsets = [1, 0], sizes = [1, 128], strides = [1, 1]} : vector<2x128xf32> to vector<1x128xf32>
    %add3A_23 = arith.addf %slice3A_21, %slice3A_22 : vector<1x128xf32>
    %add3A_24 = arith.addf %add3A_11, %add3A_23 : vector<1x128xf32>
    %mul3A = arith.constant 9.99999974E-5 : f32
    %mul3A_25 = vector.broadcast %mul3A : f32 to vector<1x128xf32>
    %mul3A_26 = arith.mulf %add3A_24, %mul3A_25 : vector<1x128xf32>
    %get3A_27 = arith.constant 0 : index
    %get3A_28 = arith.constant 0 : index
    %get3A_29 = vector.load %arg3[%get3A_27, %get3A_28] : memref<16x128xf32, #tpu.memory_space<vmem>>, vector<8x128xf32>
    %slice3A_30 = vector.extract_strided_slice %get3A_29 {offsets = [0, 0], sizes = [4, 128], strides = [1, 1]} : vector<8x128xf32> to vector<4x128xf32>
    %slice3A_31 = vector.extract_strided_slice %get3A_29 {offsets = [4, 0], sizes = [4, 128], strides = [1, 1]} : vector<8x128xf32> to vector<4x128xf32>
    %add3A_32 = arith.addf %slice3A_30, %slice3A_31 : vector<4x128xf32>
    %slice3A_33 = vector.extract_strided_slice %add3A_32 {offsets = [0, 0], sizes = [2, 128], strides = [1, 1]} : vector<4x128xf32> to vector<2x128xf32>
    %slice3A_34 = vector.extract_strided_slice %add3A_32 {offsets = [2, 0], sizes = [2, 128], strides = [1, 1]} : vector<4x128xf32> to vector<2x128xf32>
    %add3A_35 = arith.addf %slice3A_33, %slice3A_34 : vector<2x128xf32>
    %slice3A_36 = vector.extract_strided_slice %add3A_35 {offsets = [0, 0], sizes = [1, 128], strides = [1, 1]} : vector<2x128xf32> to vector<1x128xf32>
    %slice3A_37 = vector.extract_strided_slice %add3A_35 {offsets = [1, 0], sizes = [1, 128], strides = [1, 1]} : vector<2x128xf32> to vector<1x128xf32>
    %add3A_38 = arith.addf %slice3A_36, %slice3A_37 : vector<1x128xf32>
    %get3A_39 = arith.constant 8 : index
    %get3A_40 = arith.constant 0 : index
    %get3A_41 = vector.load %arg3[%get3A_39, %get3A_40] : memref<16x128xf32, #tpu.memory_space<vmem>>, vector<8x128xf32>
    %slice3A_42 = vector.extract_strided_slice %get3A_41 {offsets = [0, 0], sizes = [4, 128], strides = [1, 1]} : vector<8x128xf32> to vector<4x128xf32>
    %slice3A_43 = vector.extract_strided_slice %get3A_41 {offsets = [4, 0], sizes = [4, 128], strides = [1, 1]} : vector<8x128xf32> to vector<4x128xf32>
    %add3A_44 = arith.addf %slice3A_42, %slice3A_43 : vector<4x128xf32>
    %slice3A_45 = vector.extract_strided_slice %add3A_44 {offsets = [0, 0], sizes = [2, 128], strides = [1, 1]} : vector<4x128xf32> to vector<2x128xf32>
    %slice3A_46 = vector.extract_strided_slice %add3A_44 {offsets = [2, 0], sizes = [2, 128], strides = [1, 1]} : vector<4x128xf32> to vector<2x128xf32>
    %add3A_47 = arith.addf %slice3A_45, %slice3A_46 : vector<2x128xf32>
    %slice3A_48 = vector.extract_strided_slice %add3A_47 {offsets = [0, 0], sizes = [1, 128], strides = [1, 1]} : vector<2x128xf32> to vector<1x128xf32>
    %slice3A_49 = vector.extract_strided_slice %add3A_47 {offsets = [1, 0], sizes = [1, 128], strides = [1, 1]} : vector<2x128xf32> to vector<1x128xf32>
    %add3A_50 = arith.addf %slice3A_48, %slice3A_49 : vector<1x128xf32>
    %add3A_51 = arith.addf %add3A_38, %add3A_50 : vector<1x128xf32>
    %mul3A_52 = arith.constant 9.99999974E-5 : f32
    %mul3A_53 = vector.broadcast %mul3A_52 : f32 to vector<1x128xf32>
    %mul3A_54 = arith.mulf %add3A_51, %mul3A_53 : vector<1x128xf32>
    %sub3A = vector.broadcast %mul3A_26 : vector<1x128xf32> to vector<1000x128xf32>
    %sub3A_55 = arith.subf %get3A_1, %sub3A : vector<1000x128xf32>
    %add3A_56 = arith.constant 9.99999974E-6 : f32
    %add3A_57 = vector.broadcast %add3A_56 : f32 to vector<1x128xf32>
    %add3A_58 = arith.addf %mul3A_54, %add3A_57 : vector<1x128xf32>
    %sqrt3A = math.sqrt %add3A_58 : vector<1x128xf32>
    %div3A = vector.broadcast %sqrt3A : vector<1x128xf32> to vector<1000x128xf32>
    %div3A_59 = arith.divf %sub3A_55, %div3A : vector<1000x128xf32>
    %get3A_60 = arith.constant 0 : index
    %get3A_61 = arith.constant 0 : index
    %get3A_62 = vector.load %arg4[%get3A_60, %get3A_61] : memref<1x128xf32, #tpu.memory_space<vmem>>, vector<1x128xf32>
    %mul3A_63 = vector.broadcast %get3A_62 : vector<1x128xf32> to vector<1000x128xf32>
    %mul3A_64 = arith.mulf %div3A_59, %mul3A_63 : vector<1000x128xf32>
    %get3A_65 = arith.constant 0 : index
    %get3A_66 = arith.constant 0 : index
    %get3A_67 = vector.load %arg5[%get3A_65, %get3A_66] : memref<1x128xf32, #tpu.memory_space<vmem>>, vector<1x128xf32>
    %add3A_68 = vector.broadcast %get3A_67 : vector<1x128xf32> to vector<1000x128xf32>
    %add3A_69 = arith.addf %mul3A_64, %add3A_68 : vector<1000x128xf32>
    %max3A = arith.constant 0.000000e+00 : f32
    %max3A_70 = vector.broadcast %max3A : f32 to vector<1000x128xf32>
    %max3A_71 = arith.maximumf %add3A_69, %max3A_70 : vector<1000x128xf32>
    %swap3A = arith.constant 0 : index
    %swap3A_72 = arith.constant 0 : index
    %swap3A_73 = vector.load %arg7[%swap3A, %swap3A_72] : memref<1000x128xf32, #tpu.memory_space<vmem>>, vector<1000x128xf32>
    tpu.vector_store %arg7[%swap3A, %swap3A_72], %max3A_71 {strides = array<i32>} : memref<1000x128xf32, #tpu.memory_space<vmem>>, vector<1000x128xf32>,
    %eq3A = arith.constant 0 : i32
    %eq3A_74 = arith.cmpi eq, %arg0, %eq3A : i32
    %convert_element_type3A = arith.extui %eq3A_74 : i1 to i32
    %cond3A = arith.constant 0 : i32
    %cond3A_75 = arith.cmpi ne, %convert_element_type3A, %cond3A : i32
    scf.if %cond3A_75 {
      %broadcast_in_dim3A = arith.constant 0.000000e+00 : f32
      %broadcast_in_dim3A_80 = vector.broadcast %broadcast_in_dim3A : f32 to vector<128x128xf32>
      %swap3A_81 = arith.constant 0 : index
      %swap3A_82 = arith.constant 0 : index
      %swap3A_83 = vector.load %arg8[%swap3A_81, %swap3A_82] : memref<128x128xf32, #tpu.memory_space<vmem>>, vector<128x128xf32>
      tpu.vector_store %arg8[%swap3A_81, %swap3A_82], %broadcast_in_dim3A_80 {strides = array<i32>} : memref<128x128xf32, #tpu.memory_space<vmem>>, vector<128x128xf32>,
    } else {
    }
    %scan3A = arith.constant 0 : i32
    %scan3A_76 = arith.constant 1000 : i32
    %scan3A_77 = arith.addi %scan3A, %scan3A_76 : i32
    %scan3A_78 = arith.constant 1 : i32
    scf.for %scan3A_80 = %scan3A to %scan3A_77 step %scan3A_78  : i32 {
      %get3A_81 = arith.index_cast %scan3A_80 : i32 to index
      %get3A_82 = arith.constant 0 : index
      %get3A_83 = vector.load %arg6[%get3A_81, %get3A_82] : memref<1000x1xi32, #tpu.memory_space<vmem>>, vector<1x1xi32>
      %get3A_84 = vector.extract %get3A_83[0, 0] : i32 from vector<1x1xi32>
      %get3A_85 = arith.index_cast %get3A_84 : i32 to index
      %get3A_86 = arith.constant 0 : index
      %get3A_87 = vector.load %arg8[%get3A_85, %get3A_86] : memref<128x128xf32, #tpu.memory_space<vmem>>, vector<1x128xf32>
      %get3A_88 = arith.index_cast %scan3A_80 : i32 to index
      %get3A_89 = arith.constant 0 : index
      %get3A_90 = vector.load %arg7[%get3A_88, %get3A_89] : memref<1000x128xf32, #tpu.memory_space<vmem>>, vector<1x128xf32>
      %add3A_91 = arith.addf %get3A_87, %get3A_90 : vector<1x128xf32>
      %swap3A_92 = arith.index_cast %get3A_84 : i32 to index
      %swap3A_93 = arith.constant 0 : index
      %swap3A_94 = vector.load %arg8[%swap3A_92, %swap3A_93] : memref<128x128xf32, #tpu.memory_space<vmem>>, vector<1x128xf32>
      tpu.vector_store %arg8[%swap3A_92, %swap3A_93], %add3A_91 {strides = array<i32>} : memref<128x128xf32, #tpu.memory_space<vmem>>, vector<1x128xf32>,
    }
    %scan3A_79 = arith.constant 1000 : i32
    return
  }
  func.func @transform_0(%arg0: i32) -> (i32, i32) {
    %c0_i32 = arith.constant 0 : i32
    %c0_i32_0 = arith.constant 0 : i32
    return %arg0, %c0_i32 : i32, i32
  }
  func.func @transform_1(%arg0: i32) -> (i32, i32) {
    %c0_i32 = arith.constant 0 : i32
    %c0_i32_0 = arith.constant 0 : i32
    %c0_i32_1 = arith.constant 0 : i32
    return %c0_i32, %c0_i32_0 : i32, i32
  }
  func.func @transform_2(%arg0: i32) -> (i32, i32) {
    %c0_i32 = arith.constant 0 : i32
    %c0_i32_0 = arith.constant 0 : i32
    %c0_i32_1 = arith.constant 0 : i32
    return %c0_i32, %c0_i32_0 : i32, i32
  }
  func.func @transform_3(%arg0: i32) -> (i32, i32) {
    %c0_i32 = arith.constant 0 : i32
    %c0_i32_0 = arith.constant 0 : i32
    %c0_i32_1 = arith.constant 0 : i32
    return %c0_i32, %c0_i32_0 : i32, i32
  }
  func.func @transform_4(%arg0: i32) -> (i32, i32) {
    %c0_i32 = arith.constant 0 : i32
    %c0_i32_0 = arith.constant 0 : i32
    %c0_i32_1 = arith.constant 0 : i32
    return %c0_i32, %c0_i32_0 : i32, i32
  }
  func.func @transform_5(%arg0: i32) -> (i32, i32) {
    %c0_i32 = arith.constant 0 : i32
    %c0_i32_0 = arith.constant 0 : i32
    return %arg0, %c0_i32 : i32, i32
  }
  func.func @transform_6(%arg0: i32) -> (i32, i32) {
    %c0_i32 = arith.constant 0 : i32
    %c0_i32_0 = arith.constant 0 : i32
    return %arg0, %c0_i32 : i32, i32
  }
  func.func @transform_7(%arg0: i32) -> (i32, i32) {
    %c0_i32 = arith.constant 0 : i32
    %c0_i32_0 = arith.constant 0 : i32
    %c0_i32_1 = arith.constant 0 : i32
    return %c0_i32, %c0_i32_0 : i32, i32
  }
}

module attributes {stable_mosaic.version = 14 : i64} {
  func.func @_t4_body(%arg0: memref<128x128xf32, #tpu.memory_space<vmem>>, %arg1: memref<128x128xf32, #tpu.memory_space<vmem>>, %arg2: memref<128x256xf32, #tpu.memory_space<vmem>>, %arg3: memref<1x256xf32, #tpu.memory_space<vmem>>, %arg4: memref<1x256xf32, #tpu.memory_space<vmem>>, %arg5: memref<1x256xf32, #tpu.memory_space<vmem>>, %arg6: memref<256x128xf32, #tpu.memory_space<vmem>>, %arg7: memref<1x128xf32, #tpu.memory_space<vmem>>, %arg8: memref<1x128xf32, #tpu.memory_space<vmem>>, %arg9: memref<1x128xf32, #tpu.memory_space<vmem>>, %arg10: memref<128x128xf32, #tpu.memory_space<vmem>>) attributes {dimension_semantics = [], scalar_prefetch = 0 : i64, scratch_operands = 0 : i64, tpu.core_type = #tpu.core_type<tc>} {
    %get3A = arith.constant 0 : index
    %get3A_0 = arith.constant 0 : index
    %get3A_1 = vector.load %arg0[%get3A, %get3A_0] : memref<128x128xf32, #tpu.memory_space<vmem>>, vector<128x128xf32>
    %get3A_2 = arith.constant 0 : index
    %get3A_3 = arith.constant 0 : index
    %get3A_4 = vector.load %arg1[%get3A_2, %get3A_3] : memref<128x128xf32, #tpu.memory_space<vmem>>, vector<128x128xf32>
    %add3A = arith.addf %get3A_1, %get3A_4 : vector<128x128xf32>
    %get3A_5 = arith.constant 0 : index
    %get3A_6 = arith.constant 0 : index
    %get3A_7 = vector.load %arg2[%get3A_5, %get3A_6] : memref<128x256xf32, #tpu.memory_space<vmem>>, vector<128x256xf32>
    %dot_general3A = arith.constant dense<0.000000e+00> : vector<128x256xf32>
    %dot_general3A_8 = tpu.matmul %add3A, %get3A_7, %dot_general3A {dimension_numbers = #tpu.dot_dimension_numbers<[1], [0], [0], [1], [0, 0, 1, 1], [], []>, transpose_lhs_hint = false} : vector<128x128xf32>, vector<128x256xf32>, vector<128x256xf32> -> vector<128x256xf32>
    %get3A_9 = arith.constant 0 : index
    %get3A_10 = arith.constant 0 : index
    %get3A_11 = vector.load %arg3[%get3A_9, %get3A_10] : memref<1x256xf32, #tpu.memory_space<vmem>>, vector<1x256xf32>
    %add3A_12 = vector.broadcast %get3A_11 : vector<1x256xf32> to vector<128x256xf32>
    %add3A_13 = arith.addf %dot_general3A_8, %add3A_12 : vector<128x256xf32>
    %get3A_14 = arith.constant 0 : index
    %get3A_15 = arith.constant 0 : index
    %get3A_16 = vector.load %arg4[%get3A_14, %get3A_15] : memref<1x256xf32, #tpu.memory_space<vmem>>, vector<1x256xf32>
    %get3A_17 = arith.constant 0 : index
    %get3A_18 = arith.constant 0 : index
    %get3A_19 = vector.load %arg5[%get3A_17, %get3A_18] : memref<1x256xf32, #tpu.memory_space<vmem>>, vector<1x256xf32>
    %broadcast_in_dim3A = arith.constant 0.000000e+00 : f32
    %broadcast_in_dim3A_20 = vector.broadcast %broadcast_in_dim3A : f32 to vector<8x256xf32>
    %slice3A = vector.extract_strided_slice %add3A_13 {offsets = [0, 0], sizes = [8, 256], strides = [1, 1]} : vector<128x256xf32> to vector<8x256xf32>
    %add3A_21 = arith.addf %broadcast_in_dim3A_20, %slice3A : vector<8x256xf32>
    %slice3A_22 = vector.extract_strided_slice %add3A_13 {offsets = [8, 0], sizes = [8, 256], strides = [1, 1]} : vector<128x256xf32> to vector<8x256xf32>
    %add3A_23 = arith.addf %add3A_21, %slice3A_22 : vector<8x256xf32>
    %slice3A_24 = vector.extract_strided_slice %add3A_13 {offsets = [16, 0], sizes = [8, 256], strides = [1, 1]} : vector<128x256xf32> to vector<8x256xf32>
    %add3A_25 = arith.addf %add3A_23, %slice3A_24 : vector<8x256xf32>
    %slice3A_26 = vector.extract_strided_slice %add3A_13 {offsets = [24, 0], sizes = [8, 256], strides = [1, 1]} : vector<128x256xf32> to vector<8x256xf32>
    %add3A_27 = arith.addf %add3A_25, %slice3A_26 : vector<8x256xf32>
    %slice3A_28 = vector.extract_strided_slice %add3A_13 {offsets = [32, 0], sizes = [8, 256], strides = [1, 1]} : vector<128x256xf32> to vector<8x256xf32>
    %add3A_29 = arith.addf %add3A_27, %slice3A_28 : vector<8x256xf32>
    %slice3A_30 = vector.extract_strided_slice %add3A_13 {offsets = [40, 0], sizes = [8, 256], strides = [1, 1]} : vector<128x256xf32> to vector<8x256xf32>
    %add3A_31 = arith.addf %add3A_29, %slice3A_30 : vector<8x256xf32>
    %slice3A_32 = vector.extract_strided_slice %add3A_13 {offsets = [48, 0], sizes = [8, 256], strides = [1, 1]} : vector<128x256xf32> to vector<8x256xf32>
    %add3A_33 = arith.addf %add3A_31, %slice3A_32 : vector<8x256xf32>
    %slice3A_34 = vector.extract_strided_slice %add3A_13 {offsets = [56, 0], sizes = [8, 256], strides = [1, 1]} : vector<128x256xf32> to vector<8x256xf32>
    %add3A_35 = arith.addf %add3A_33, %slice3A_34 : vector<8x256xf32>
    %slice3A_36 = vector.extract_strided_slice %add3A_13 {offsets = [64, 0], sizes = [8, 256], strides = [1, 1]} : vector<128x256xf32> to vector<8x256xf32>
    %add3A_37 = arith.addf %add3A_35, %slice3A_36 : vector<8x256xf32>
    %slice3A_38 = vector.extract_strided_slice %add3A_13 {offsets = [72, 0], sizes = [8, 256], strides = [1, 1]} : vector<128x256xf32> to vector<8x256xf32>
    %add3A_39 = arith.addf %add3A_37, %slice3A_38 : vector<8x256xf32>
    %slice3A_40 = vector.extract_strided_slice %add3A_13 {offsets = [80, 0], sizes = [8, 256], strides = [1, 1]} : vector<128x256xf32> to vector<8x256xf32>
    %add3A_41 = arith.addf %add3A_39, %slice3A_40 : vector<8x256xf32>
    %slice3A_42 = vector.extract_strided_slice %add3A_13 {offsets = [88, 0], sizes = [8, 256], strides = [1, 1]} : vector<128x256xf32> to vector<8x256xf32>
    %add3A_43 = arith.addf %add3A_41, %slice3A_42 : vector<8x256xf32>
    %slice3A_44 = vector.extract_strided_slice %add3A_13 {offsets = [96, 0], sizes = [8, 256], strides = [1, 1]} : vector<128x256xf32> to vector<8x256xf32>
    %add3A_45 = arith.addf %add3A_43, %slice3A_44 : vector<8x256xf32>
    %slice3A_46 = vector.extract_strided_slice %add3A_13 {offsets = [104, 0], sizes = [8, 256], strides = [1, 1]} : vector<128x256xf32> to vector<8x256xf32>
    %add3A_47 = arith.addf %add3A_45, %slice3A_46 : vector<8x256xf32>
    %slice3A_48 = vector.extract_strided_slice %add3A_13 {offsets = [112, 0], sizes = [8, 256], strides = [1, 1]} : vector<128x256xf32> to vector<8x256xf32>
    %add3A_49 = arith.addf %add3A_47, %slice3A_48 : vector<8x256xf32>
    %slice3A_50 = vector.extract_strided_slice %add3A_13 {offsets = [120, 0], sizes = [8, 256], strides = [1, 1]} : vector<128x256xf32> to vector<8x256xf32>
    %add3A_51 = arith.addf %add3A_49, %slice3A_50 : vector<8x256xf32>
    %slice3A_52 = vector.extract_strided_slice %add3A_51 {offsets = [0, 0], sizes = [4, 256], strides = [1, 1]} : vector<8x256xf32> to vector<4x256xf32>
    %slice3A_53 = vector.extract_strided_slice %add3A_51 {offsets = [4, 0], sizes = [4, 256], strides = [1, 1]} : vector<8x256xf32> to vector<4x256xf32>
    %add3A_54 = arith.addf %slice3A_52, %slice3A_53 : vector<4x256xf32>
    %slice3A_55 = vector.extract_strided_slice %add3A_54 {offsets = [0, 0], sizes = [2, 256], strides = [1, 1]} : vector<4x256xf32> to vector<2x256xf32>
    %slice3A_56 = vector.extract_strided_slice %add3A_54 {offsets = [2, 0], sizes = [2, 256], strides = [1, 1]} : vector<4x256xf32> to vector<2x256xf32>
    %add3A_57 = arith.addf %slice3A_55, %slice3A_56 : vector<2x256xf32>
    %slice3A_58 = vector.extract_strided_slice %add3A_57 {offsets = [0, 0], sizes = [1, 256], strides = [1, 1]} : vector<2x256xf32> to vector<1x256xf32>
    %slice3A_59 = vector.extract_strided_slice %add3A_57 {offsets = [1, 0], sizes = [1, 256], strides = [1, 1]} : vector<2x256xf32> to vector<1x256xf32>
    %add3A_60 = arith.addf %slice3A_58, %slice3A_59 : vector<1x256xf32>
    %mul3A = arith.constant 7.812500e-03 : f32
    %mul3A_61 = vector.broadcast %mul3A : f32 to vector<1x256xf32>
    %mul3A_62 = arith.mulf %add3A_60, %mul3A_61 : vector<1x256xf32>
    %sub3A = vector.broadcast %mul3A_62 : vector<1x256xf32> to vector<128x256xf32>
    %sub3A_63 = arith.subf %add3A_13, %sub3A : vector<128x256xf32>
    %mul3A_64 = arith.mulf %sub3A_63, %sub3A_63 : vector<128x256xf32>
    %broadcast_in_dim3A_65 = arith.constant 0.000000e+00 : f32
    %broadcast_in_dim3A_66 = vector.broadcast %broadcast_in_dim3A_65 : f32 to vector<8x256xf32>
    %slice3A_67 = vector.extract_strided_slice %mul3A_64 {offsets = [0, 0], sizes = [8, 256], strides = [1, 1]} : vector<128x256xf32> to vector<8x256xf32>
    %add3A_68 = arith.addf %broadcast_in_dim3A_66, %slice3A_67 : vector<8x256xf32>
    %slice3A_69 = vector.extract_strided_slice %mul3A_64 {offsets = [8, 0], sizes = [8, 256], strides = [1, 1]} : vector<128x256xf32> to vector<8x256xf32>
    %add3A_70 = arith.addf %add3A_68, %slice3A_69 : vector<8x256xf32>
    %slice3A_71 = vector.extract_strided_slice %mul3A_64 {offsets = [16, 0], sizes = [8, 256], strides = [1, 1]} : vector<128x256xf32> to vector<8x256xf32>
    %add3A_72 = arith.addf %add3A_70, %slice3A_71 : vector<8x256xf32>
    %slice3A_73 = vector.extract_strided_slice %mul3A_64 {offsets = [24, 0], sizes = [8, 256], strides = [1, 1]} : vector<128x256xf32> to vector<8x256xf32>
    %add3A_74 = arith.addf %add3A_72, %slice3A_73 : vector<8x256xf32>
    %slice3A_75 = vector.extract_strided_slice %mul3A_64 {offsets = [32, 0], sizes = [8, 256], strides = [1, 1]} : vector<128x256xf32> to vector<8x256xf32>
    %add3A_76 = arith.addf %add3A_74, %slice3A_75 : vector<8x256xf32>
    %slice3A_77 = vector.extract_strided_slice %mul3A_64 {offsets = [40, 0], sizes = [8, 256], strides = [1, 1]} : vector<128x256xf32> to vector<8x256xf32>
    %add3A_78 = arith.addf %add3A_76, %slice3A_77 : vector<8x256xf32>
    %slice3A_79 = vector.extract_strided_slice %mul3A_64 {offsets = [48, 0], sizes = [8, 256], strides = [1, 1]} : vector<128x256xf32> to vector<8x256xf32>
    %add3A_80 = arith.addf %add3A_78, %slice3A_79 : vector<8x256xf32>
    %slice3A_81 = vector.extract_strided_slice %mul3A_64 {offsets = [56, 0], sizes = [8, 256], strides = [1, 1]} : vector<128x256xf32> to vector<8x256xf32>
    %add3A_82 = arith.addf %add3A_80, %slice3A_81 : vector<8x256xf32>
    %slice3A_83 = vector.extract_strided_slice %mul3A_64 {offsets = [64, 0], sizes = [8, 256], strides = [1, 1]} : vector<128x256xf32> to vector<8x256xf32>
    %add3A_84 = arith.addf %add3A_82, %slice3A_83 : vector<8x256xf32>
    %slice3A_85 = vector.extract_strided_slice %mul3A_64 {offsets = [72, 0], sizes = [8, 256], strides = [1, 1]} : vector<128x256xf32> to vector<8x256xf32>
    %add3A_86 = arith.addf %add3A_84, %slice3A_85 : vector<8x256xf32>
    %slice3A_87 = vector.extract_strided_slice %mul3A_64 {offsets = [80, 0], sizes = [8, 256], strides = [1, 1]} : vector<128x256xf32> to vector<8x256xf32>
    %add3A_88 = arith.addf %add3A_86, %slice3A_87 : vector<8x256xf32>
    %slice3A_89 = vector.extract_strided_slice %mul3A_64 {offsets = [88, 0], sizes = [8, 256], strides = [1, 1]} : vector<128x256xf32> to vector<8x256xf32>
    %add3A_90 = arith.addf %add3A_88, %slice3A_89 : vector<8x256xf32>
    %slice3A_91 = vector.extract_strided_slice %mul3A_64 {offsets = [96, 0], sizes = [8, 256], strides = [1, 1]} : vector<128x256xf32> to vector<8x256xf32>
    %add3A_92 = arith.addf %add3A_90, %slice3A_91 : vector<8x256xf32>
    %slice3A_93 = vector.extract_strided_slice %mul3A_64 {offsets = [104, 0], sizes = [8, 256], strides = [1, 1]} : vector<128x256xf32> to vector<8x256xf32>
    %add3A_94 = arith.addf %add3A_92, %slice3A_93 : vector<8x256xf32>
    %slice3A_95 = vector.extract_strided_slice %mul3A_64 {offsets = [112, 0], sizes = [8, 256], strides = [1, 1]} : vector<128x256xf32> to vector<8x256xf32>
    %add3A_96 = arith.addf %add3A_94, %slice3A_95 : vector<8x256xf32>
    %slice3A_97 = vector.extract_strided_slice %mul3A_64 {offsets = [120, 0], sizes = [8, 256], strides = [1, 1]} : vector<128x256xf32> to vector<8x256xf32>
    %add3A_98 = arith.addf %add3A_96, %slice3A_97 : vector<8x256xf32>
    %slice3A_99 = vector.extract_strided_slice %add3A_98 {offsets = [0, 0], sizes = [4, 256], strides = [1, 1]} : vector<8x256xf32> to vector<4x256xf32>
    %slice3A_100 = vector.extract_strided_slice %add3A_98 {offsets = [4, 0], sizes = [4, 256], strides = [1, 1]} : vector<8x256xf32> to vector<4x256xf32>
    %add3A_101 = arith.addf %slice3A_99, %slice3A_100 : vector<4x256xf32>
    %slice3A_102 = vector.extract_strided_slice %add3A_101 {offsets = [0, 0], sizes = [2, 256], strides = [1, 1]} : vector<4x256xf32> to vector<2x256xf32>
    %slice3A_103 = vector.extract_strided_slice %add3A_101 {offsets = [2, 0], sizes = [2, 256], strides = [1, 1]} : vector<4x256xf32> to vector<2x256xf32>
    %add3A_104 = arith.addf %slice3A_102, %slice3A_103 : vector<2x256xf32>
    %slice3A_105 = vector.extract_strided_slice %add3A_104 {offsets = [0, 0], sizes = [1, 256], strides = [1, 1]} : vector<2x256xf32> to vector<1x256xf32>
    %slice3A_106 = vector.extract_strided_slice %add3A_104 {offsets = [1, 0], sizes = [1, 256], strides = [1, 1]} : vector<2x256xf32> to vector<1x256xf32>
    %add3A_107 = arith.addf %slice3A_105, %slice3A_106 : vector<1x256xf32>
    %mul3A_108 = arith.constant 7.812500e-03 : f32
    %mul3A_109 = vector.broadcast %mul3A_108 : f32 to vector<1x256xf32>
    %mul3A_110 = arith.mulf %add3A_107, %mul3A_109 : vector<1x256xf32>
    %add3A_111 = arith.constant 9.99999974E-6 : f32
    %add3A_112 = vector.broadcast %add3A_111 : f32 to vector<1x256xf32>
    %add3A_113 = arith.addf %mul3A_110, %add3A_112 : vector<1x256xf32>
    %sqrt3A = math.sqrt %add3A_113 : vector<1x256xf32>
    %div3A = vector.broadcast %sqrt3A : vector<1x256xf32> to vector<128x256xf32>
    %div3A_114 = arith.divf %sub3A_63, %div3A : vector<128x256xf32>
    %mul3A_115 = vector.broadcast %get3A_16 : vector<1x256xf32> to vector<128x256xf32>
    %mul3A_116 = arith.mulf %div3A_114, %mul3A_115 : vector<128x256xf32>
    %add3A_117 = vector.broadcast %get3A_19 : vector<1x256xf32> to vector<128x256xf32>
    %add3A_118 = arith.addf %mul3A_116, %add3A_117 : vector<128x256xf32>
    %max3A = arith.constant 0.000000e+00 : f32
    %max3A_119 = vector.broadcast %max3A : f32 to vector<128x256xf32>
    %max3A_120 = arith.maximumf %add3A_118, %max3A_119 : vector<128x256xf32>
    %get3A_121 = arith.constant 0 : index
    %get3A_122 = arith.constant 0 : index
    %get3A_123 = vector.load %arg6[%get3A_121, %get3A_122] : memref<256x128xf32, #tpu.memory_space<vmem>>, vector<256x128xf32>
    %dot_general3A_124 = arith.constant dense<0.000000e+00> : vector<128x128xf32>
    %dot_general3A_125 = tpu.matmul %max3A_120, %get3A_123, %dot_general3A_124 {dimension_numbers = #tpu.dot_dimension_numbers<[1], [0], [0], [1], [0, 0, 1, 1], [], []>, transpose_lhs_hint = false} : vector<128x256xf32>, vector<256x128xf32>, vector<128x128xf32> -> vector<128x128xf32>
    %get3A_126 = arith.constant 0 : index
    %get3A_127 = arith.constant 0 : index
    %get3A_128 = vector.load %arg7[%get3A_126, %get3A_127] : memref<1x128xf32, #tpu.memory_space<vmem>>, vector<1x128xf32>
    %add3A_129 = vector.broadcast %get3A_128 : vector<1x128xf32> to vector<128x128xf32>
    %add3A_130 = arith.addf %dot_general3A_125, %add3A_129 : vector<128x128xf32>
    %get3A_131 = arith.constant 0 : index
    %get3A_132 = arith.constant 0 : index
    %get3A_133 = vector.load %arg8[%get3A_131, %get3A_132] : memref<1x128xf32, #tpu.memory_space<vmem>>, vector<1x128xf32>
    %get3A_134 = arith.constant 0 : index
    %get3A_135 = arith.constant 0 : index
    %get3A_136 = vector.load %arg9[%get3A_134, %get3A_135] : memref<1x128xf32, #tpu.memory_space<vmem>>, vector<1x128xf32>
    %broadcast_in_dim3A_137 = arith.constant 0.000000e+00 : f32
    %broadcast_in_dim3A_138 = vector.broadcast %broadcast_in_dim3A_137 : f32 to vector<8x128xf32>
    %slice3A_139 = vector.extract_strided_slice %add3A_130 {offsets = [0, 0], sizes = [8, 128], strides = [1, 1]} : vector<128x128xf32> to vector<8x128xf32>
    %add3A_140 = arith.addf %broadcast_in_dim3A_138, %slice3A_139 : vector<8x128xf32>
    %slice3A_141 = vector.extract_strided_slice %add3A_130 {offsets = [8, 0], sizes = [8, 128], strides = [1, 1]} : vector<128x128xf32> to vector<8x128xf32>
    %add3A_142 = arith.addf %add3A_140, %slice3A_141 : vector<8x128xf32>
    %slice3A_143 = vector.extract_strided_slice %add3A_130 {offsets = [16, 0], sizes = [8, 128], strides = [1, 1]} : vector<128x128xf32> to vector<8x128xf32>
    %add3A_144 = arith.addf %add3A_142, %slice3A_143 : vector<8x128xf32>
    %slice3A_145 = vector.extract_strided_slice %add3A_130 {offsets = [24, 0], sizes = [8, 128], strides = [1, 1]} : vector<128x128xf32> to vector<8x128xf32>
    %add3A_146 = arith.addf %add3A_144, %slice3A_145 : vector<8x128xf32>
    %slice3A_147 = vector.extract_strided_slice %add3A_130 {offsets = [32, 0], sizes = [8, 128], strides = [1, 1]} : vector<128x128xf32> to vector<8x128xf32>
    %add3A_148 = arith.addf %add3A_146, %slice3A_147 : vector<8x128xf32>
    %slice3A_149 = vector.extract_strided_slice %add3A_130 {offsets = [40, 0], sizes = [8, 128], strides = [1, 1]} : vector<128x128xf32> to vector<8x128xf32>
    %add3A_150 = arith.addf %add3A_148, %slice3A_149 : vector<8x128xf32>
    %slice3A_151 = vector.extract_strided_slice %add3A_130 {offsets = [48, 0], sizes = [8, 128], strides = [1, 1]} : vector<128x128xf32> to vector<8x128xf32>
    %add3A_152 = arith.addf %add3A_150, %slice3A_151 : vector<8x128xf32>
    %slice3A_153 = vector.extract_strided_slice %add3A_130 {offsets = [56, 0], sizes = [8, 128], strides = [1, 1]} : vector<128x128xf32> to vector<8x128xf32>
    %add3A_154 = arith.addf %add3A_152, %slice3A_153 : vector<8x128xf32>
    %slice3A_155 = vector.extract_strided_slice %add3A_130 {offsets = [64, 0], sizes = [8, 128], strides = [1, 1]} : vector<128x128xf32> to vector<8x128xf32>
    %add3A_156 = arith.addf %add3A_154, %slice3A_155 : vector<8x128xf32>
    %slice3A_157 = vector.extract_strided_slice %add3A_130 {offsets = [72, 0], sizes = [8, 128], strides = [1, 1]} : vector<128x128xf32> to vector<8x128xf32>
    %add3A_158 = arith.addf %add3A_156, %slice3A_157 : vector<8x128xf32>
    %slice3A_159 = vector.extract_strided_slice %add3A_130 {offsets = [80, 0], sizes = [8, 128], strides = [1, 1]} : vector<128x128xf32> to vector<8x128xf32>
    %add3A_160 = arith.addf %add3A_158, %slice3A_159 : vector<8x128xf32>
    %slice3A_161 = vector.extract_strided_slice %add3A_130 {offsets = [88, 0], sizes = [8, 128], strides = [1, 1]} : vector<128x128xf32> to vector<8x128xf32>
    %add3A_162 = arith.addf %add3A_160, %slice3A_161 : vector<8x128xf32>
    %slice3A_163 = vector.extract_strided_slice %add3A_130 {offsets = [96, 0], sizes = [8, 128], strides = [1, 1]} : vector<128x128xf32> to vector<8x128xf32>
    %add3A_164 = arith.addf %add3A_162, %slice3A_163 : vector<8x128xf32>
    %slice3A_165 = vector.extract_strided_slice %add3A_130 {offsets = [104, 0], sizes = [8, 128], strides = [1, 1]} : vector<128x128xf32> to vector<8x128xf32>
    %add3A_166 = arith.addf %add3A_164, %slice3A_165 : vector<8x128xf32>
    %slice3A_167 = vector.extract_strided_slice %add3A_130 {offsets = [112, 0], sizes = [8, 128], strides = [1, 1]} : vector<128x128xf32> to vector<8x128xf32>
    %add3A_168 = arith.addf %add3A_166, %slice3A_167 : vector<8x128xf32>
    %slice3A_169 = vector.extract_strided_slice %add3A_130 {offsets = [120, 0], sizes = [8, 128], strides = [1, 1]} : vector<128x128xf32> to vector<8x128xf32>
    %add3A_170 = arith.addf %add3A_168, %slice3A_169 : vector<8x128xf32>
    %slice3A_171 = vector.extract_strided_slice %add3A_170 {offsets = [0, 0], sizes = [4, 128], strides = [1, 1]} : vector<8x128xf32> to vector<4x128xf32>
    %slice3A_172 = vector.extract_strided_slice %add3A_170 {offsets = [4, 0], sizes = [4, 128], strides = [1, 1]} : vector<8x128xf32> to vector<4x128xf32>
    %add3A_173 = arith.addf %slice3A_171, %slice3A_172 : vector<4x128xf32>
    %slice3A_174 = vector.extract_strided_slice %add3A_173 {offsets = [0, 0], sizes = [2, 128], strides = [1, 1]} : vector<4x128xf32> to vector<2x128xf32>
    %slice3A_175 = vector.extract_strided_slice %add3A_173 {offsets = [2, 0], sizes = [2, 128], strides = [1, 1]} : vector<4x128xf32> to vector<2x128xf32>
    %add3A_176 = arith.addf %slice3A_174, %slice3A_175 : vector<2x128xf32>
    %slice3A_177 = vector.extract_strided_slice %add3A_176 {offsets = [0, 0], sizes = [1, 128], strides = [1, 1]} : vector<2x128xf32> to vector<1x128xf32>
    %slice3A_178 = vector.extract_strided_slice %add3A_176 {offsets = [1, 0], sizes = [1, 128], strides = [1, 1]} : vector<2x128xf32> to vector<1x128xf32>
    %add3A_179 = arith.addf %slice3A_177, %slice3A_178 : vector<1x128xf32>
    %mul3A_180 = arith.constant 7.812500e-03 : f32
    %mul3A_181 = vector.broadcast %mul3A_180 : f32 to vector<1x128xf32>
    %mul3A_182 = arith.mulf %add3A_179, %mul3A_181 : vector<1x128xf32>
    %sub3A_183 = vector.broadcast %mul3A_182 : vector<1x128xf32> to vector<128x128xf32>
    %sub3A_184 = arith.subf %add3A_130, %sub3A_183 : vector<128x128xf32>
    %mul3A_185 = arith.mulf %sub3A_184, %sub3A_184 : vector<128x128xf32>
    %broadcast_in_dim3A_186 = arith.constant 0.000000e+00 : f32
    %broadcast_in_dim3A_187 = vector.broadcast %broadcast_in_dim3A_186 : f32 to vector<8x128xf32>
    %slice3A_188 = vector.extract_strided_slice %mul3A_185 {offsets = [0, 0], sizes = [8, 128], strides = [1, 1]} : vector<128x128xf32> to vector<8x128xf32>
    %add3A_189 = arith.addf %broadcast_in_dim3A_187, %slice3A_188 : vector<8x128xf32>
    %slice3A_190 = vector.extract_strided_slice %mul3A_185 {offsets = [8, 0], sizes = [8, 128], strides = [1, 1]} : vector<128x128xf32> to vector<8x128xf32>
    %add3A_191 = arith.addf %add3A_189, %slice3A_190 : vector<8x128xf32>
    %slice3A_192 = vector.extract_strided_slice %mul3A_185 {offsets = [16, 0], sizes = [8, 128], strides = [1, 1]} : vector<128x128xf32> to vector<8x128xf32>
    %add3A_193 = arith.addf %add3A_191, %slice3A_192 : vector<8x128xf32>
    %slice3A_194 = vector.extract_strided_slice %mul3A_185 {offsets = [24, 0], sizes = [8, 128], strides = [1, 1]} : vector<128x128xf32> to vector<8x128xf32>
    %add3A_195 = arith.addf %add3A_193, %slice3A_194 : vector<8x128xf32>
    %slice3A_196 = vector.extract_strided_slice %mul3A_185 {offsets = [32, 0], sizes = [8, 128], strides = [1, 1]} : vector<128x128xf32> to vector<8x128xf32>
    %add3A_197 = arith.addf %add3A_195, %slice3A_196 : vector<8x128xf32>
    %slice3A_198 = vector.extract_strided_slice %mul3A_185 {offsets = [40, 0], sizes = [8, 128], strides = [1, 1]} : vector<128x128xf32> to vector<8x128xf32>
    %add3A_199 = arith.addf %add3A_197, %slice3A_198 : vector<8x128xf32>
    %slice3A_200 = vector.extract_strided_slice %mul3A_185 {offsets = [48, 0], sizes = [8, 128], strides = [1, 1]} : vector<128x128xf32> to vector<8x128xf32>
    %add3A_201 = arith.addf %add3A_199, %slice3A_200 : vector<8x128xf32>
    %slice3A_202 = vector.extract_strided_slice %mul3A_185 {offsets = [56, 0], sizes = [8, 128], strides = [1, 1]} : vector<128x128xf32> to vector<8x128xf32>
    %add3A_203 = arith.addf %add3A_201, %slice3A_202 : vector<8x128xf32>
    %slice3A_204 = vector.extract_strided_slice %mul3A_185 {offsets = [64, 0], sizes = [8, 128], strides = [1, 1]} : vector<128x128xf32> to vector<8x128xf32>
    %add3A_205 = arith.addf %add3A_203, %slice3A_204 : vector<8x128xf32>
    %slice3A_206 = vector.extract_strided_slice %mul3A_185 {offsets = [72, 0], sizes = [8, 128], strides = [1, 1]} : vector<128x128xf32> to vector<8x128xf32>
    %add3A_207 = arith.addf %add3A_205, %slice3A_206 : vector<8x128xf32>
    %slice3A_208 = vector.extract_strided_slice %mul3A_185 {offsets = [80, 0], sizes = [8, 128], strides = [1, 1]} : vector<128x128xf32> to vector<8x128xf32>
    %add3A_209 = arith.addf %add3A_207, %slice3A_208 : vector<8x128xf32>
    %slice3A_210 = vector.extract_strided_slice %mul3A_185 {offsets = [88, 0], sizes = [8, 128], strides = [1, 1]} : vector<128x128xf32> to vector<8x128xf32>
    %add3A_211 = arith.addf %add3A_209, %slice3A_210 : vector<8x128xf32>
    %slice3A_212 = vector.extract_strided_slice %mul3A_185 {offsets = [96, 0], sizes = [8, 128], strides = [1, 1]} : vector<128x128xf32> to vector<8x128xf32>
    %add3A_213 = arith.addf %add3A_211, %slice3A_212 : vector<8x128xf32>
    %slice3A_214 = vector.extract_strided_slice %mul3A_185 {offsets = [104, 0], sizes = [8, 128], strides = [1, 1]} : vector<128x128xf32> to vector<8x128xf32>
    %add3A_215 = arith.addf %add3A_213, %slice3A_214 : vector<8x128xf32>
    %slice3A_216 = vector.extract_strided_slice %mul3A_185 {offsets = [112, 0], sizes = [8, 128], strides = [1, 1]} : vector<128x128xf32> to vector<8x128xf32>
    %add3A_217 = arith.addf %add3A_215, %slice3A_216 : vector<8x128xf32>
    %slice3A_218 = vector.extract_strided_slice %mul3A_185 {offsets = [120, 0], sizes = [8, 128], strides = [1, 1]} : vector<128x128xf32> to vector<8x128xf32>
    %add3A_219 = arith.addf %add3A_217, %slice3A_218 : vector<8x128xf32>
    %slice3A_220 = vector.extract_strided_slice %add3A_219 {offsets = [0, 0], sizes = [4, 128], strides = [1, 1]} : vector<8x128xf32> to vector<4x128xf32>
    %slice3A_221 = vector.extract_strided_slice %add3A_219 {offsets = [4, 0], sizes = [4, 128], strides = [1, 1]} : vector<8x128xf32> to vector<4x128xf32>
    %add3A_222 = arith.addf %slice3A_220, %slice3A_221 : vector<4x128xf32>
    %slice3A_223 = vector.extract_strided_slice %add3A_222 {offsets = [0, 0], sizes = [2, 128], strides = [1, 1]} : vector<4x128xf32> to vector<2x128xf32>
    %slice3A_224 = vector.extract_strided_slice %add3A_222 {offsets = [2, 0], sizes = [2, 128], strides = [1, 1]} : vector<4x128xf32> to vector<2x128xf32>
    %add3A_225 = arith.addf %slice3A_223, %slice3A_224 : vector<2x128xf32>
    %slice3A_226 = vector.extract_strided_slice %add3A_225 {offsets = [0, 0], sizes = [1, 128], strides = [1, 1]} : vector<2x128xf32> to vector<1x128xf32>
    %slice3A_227 = vector.extract_strided_slice %add3A_225 {offsets = [1, 0], sizes = [1, 128], strides = [1, 1]} : vector<2x128xf32> to vector<1x128xf32>
    %add3A_228 = arith.addf %slice3A_226, %slice3A_227 : vector<1x128xf32>
    %mul3A_229 = arith.constant 7.812500e-03 : f32
    %mul3A_230 = vector.broadcast %mul3A_229 : f32 to vector<1x128xf32>
    %mul3A_231 = arith.mulf %add3A_228, %mul3A_230 : vector<1x128xf32>
    %add3A_232 = arith.constant 9.99999974E-6 : f32
    %add3A_233 = vector.broadcast %add3A_232 : f32 to vector<1x128xf32>
    %add3A_234 = arith.addf %mul3A_231, %add3A_233 : vector<1x128xf32>
    %sqrt3A_235 = math.sqrt %add3A_234 : vector<1x128xf32>
    %div3A_236 = vector.broadcast %sqrt3A_235 : vector<1x128xf32> to vector<128x128xf32>
    %div3A_237 = arith.divf %sub3A_184, %div3A_236 : vector<128x128xf32>
    %mul3A_238 = vector.broadcast %get3A_133 : vector<1x128xf32> to vector<128x128xf32>
    %mul3A_239 = arith.mulf %div3A_237, %mul3A_238 : vector<128x128xf32>
    %add3A_240 = vector.broadcast %get3A_136 : vector<1x128xf32> to vector<128x128xf32>
    %add3A_241 = arith.addf %mul3A_239, %add3A_240 : vector<128x128xf32>
    %max3A_242 = arith.constant 0.000000e+00 : f32
    %max3A_243 = vector.broadcast %max3A_242 : f32 to vector<128x128xf32>
    %max3A_244 = arith.maximumf %add3A_241, %max3A_243 : vector<128x128xf32>
    %swap3A = arith.constant 0 : index
    %swap3A_245 = arith.constant 0 : index
    %swap3A_246 = vector.load %arg10[%swap3A, %swap3A_245] : memref<128x128xf32, #tpu.memory_space<vmem>>, vector<128x128xf32>
    tpu.vector_store %arg10[%swap3A, %swap3A_245], %max3A_244 {strides = array<i32>} : memref<128x128xf32, #tpu.memory_space<vmem>>, vector<128x128xf32>,
    return
  }
}

module attributes {stable_mosaic.version = 14 : i64} {
  func.func @_t5_body(%arg0: i32, %arg1: memref<1000x128xf32, #tpu.memory_space<vmem>>, %arg2: memref<1000x1xi32, #tpu.memory_space<vmem>>, %arg3: memref<128x128xf32, #tpu.memory_space<vmem>>, %arg4: memref<1000x128xf32, #tpu.memory_space<vmem>>) attributes {dimension_semantics = [#tpu.dimension_semantics<arbitrary>], iteration_bounds = array<i64: 10>, scalar_prefetch = 0 : i64, scratch_operands = 0 : i64, tpu.core_type = #tpu.core_type<tc>, window_params = [{transform_indices = @transform_0, window_bounds = array<i64: 1000, 128>}, {transform_indices = @transform_1, window_bounds = array<i64: 1000, 1>}, {pipeline_mode = #tpu.pipeline_mode<synchronous>, transform_indices = @transform_2, window_bounds = array<i64: 128, 128>}, {transform_indices = @transform_3, window_bounds = array<i64: 1000, 128>}]} {
    %iota3A = tpu.iota {dimensions = array<i32: 1>} : vector<1000x128xi32>
    %get3A = arith.constant 0 : index
    %get3A_0 = arith.constant 0 : index
    %get3A_1 = vector.load %arg2[%get3A, %get3A_0] : memref<1000x1xi32, #tpu.memory_space<vmem>>, vector<1000x1xi32>
    %eq3A = vector.broadcast %get3A_1 : vector<1000x1xi32> to vector<1000x128xi32>
    %eq3A_2 = arith.cmpi eq, %eq3A, %iota3A : vector<1000x128xi32>
    %convert_element_type3A = arith.extui %eq3A_2 : vector<1000x128xi1> to vector<1000x128xi32>
    %convert_element_type3A_3 = arith.sitofp %convert_element_type3A : vector<1000x128xi32> to vector<1000x128xf32>
    %get3A_4 = arith.constant 0 : index
    %get3A_5 = arith.constant 0 : index
    %get3A_6 = vector.load %arg1[%get3A_4, %get3A_5] : memref<1000x128xf32, #tpu.memory_space<vmem>>, vector<1000x128xf32>
    %get3A_7 = arith.constant 0 : index
    %get3A_8 = arith.constant 0 : index
    %get3A_9 = vector.load %arg3[%get3A_7, %get3A_8] : memref<128x128xf32, #tpu.memory_space<vmem>>, vector<128x128xf32>
    %dot_general3A = arith.constant dense<0.000000e+00> : vector<1000x128xf32>
    %dot_general3A_10 = tpu.matmul %convert_element_type3A_3, %get3A_9, %dot_general3A {dimension_numbers = #tpu.dot_dimension_numbers<[1], [0], [0], [1], [0, 0, 1, 1], [], []>, precision = #tpu.contract_precision<fp32>, transpose_lhs_hint = false} : vector<1000x128xf32>, vector<128x128xf32>, vector<1000x128xf32> -> vector<1000x128xf32>
    %add3A = arith.addf %get3A_6, %dot_general3A_10 : vector<1000x128xf32>
    %swap3A = arith.constant 0 : index
    %swap3A_11 = arith.constant 0 : index
    %swap3A_12 = vector.load %arg4[%swap3A, %swap3A_11] : memref<1000x128xf32, #tpu.memory_space<vmem>>, vector<1000x128xf32>
    tpu.vector_store %arg4[%swap3A, %swap3A_11], %add3A {strides = array<i32>} : memref<1000x128xf32, #tpu.memory_space<vmem>>, vector<1000x128xf32>,
    return
  }
  func.func @transform_0(%arg0: i32) -> (i32, i32) {
    %c0_i32 = arith.constant 0 : i32
    %c0_i32_0 = arith.constant 0 : i32
    return %arg0, %c0_i32 : i32, i32
  }
  func.func @transform_1(%arg0: i32) -> (i32, i32) {
    %c0_i32 = arith.constant 0 : i32
    %c0_i32_0 = arith.constant 0 : i32
    return %arg0, %c0_i32 : i32, i32
  }
  func.func @transform_2(%arg0: i32) -> (i32, i32) {
    %c0_i32 = arith.constant 0 : i32
    %c0_i32_0 = arith.constant 0 : i32
    %c0_i32_1 = arith.constant 0 : i32
    return %c0_i32, %c0_i32_0 : i32, i32
  }
  func.func @transform_3(%arg0: i32) -> (i32, i32) {
    %c0_i32 = arith.constant 0 : i32
    %c0_i32_0 = arith.constant 0 : i32
    return %arg0, %c0_i32 : i32, i32
  }
}

module attributes {stable_mosaic.version = 14 : i64} {
  func.func @_t3c_body(%arg0: i32, %arg1: memref<1000x128xf32, #tpu.memory_space<vmem>>, %arg2: memref<16x128xf32, #tpu.memory_space<vmem>>, %arg3: memref<16x128xf32, #tpu.memory_space<vmem>>, %arg4: memref<1x128xf32, #tpu.memory_space<vmem>>, %arg5: memref<1x128xf32, #tpu.memory_space<vmem>>, %arg6: memref<1000x1xi32, #tpu.memory_space<vmem>>, %arg7: memref<128x128xf32, #tpu.memory_space<vmem>>, %arg8: memref<128x128xf32, #tpu.memory_space<vmem>>) attributes {dimension_semantics = [#tpu.dimension_semantics<arbitrary>], iteration_bounds = array<i64: 10>, scalar_prefetch = 0 : i64, scratch_operands = 1 : i64, tpu.core_type = #tpu.core_type<tc>, window_params = [{transform_indices = @transform_0, window_bounds = array<i64: 1000, 128>}, {pipeline_mode = #tpu.pipeline_mode<synchronous>, transform_indices = @transform_1, window_bounds = array<i64: 16, 128>}, {pipeline_mode = #tpu.pipeline_mode<synchronous>, transform_indices = @transform_2, window_bounds = array<i64: 16, 128>}, {pipeline_mode = #tpu.pipeline_mode<synchronous>, transform_indices = @transform_3, window_bounds = array<i64: 1, 128>}, {pipeline_mode = #tpu.pipeline_mode<synchronous>, transform_indices = @transform_4, window_bounds = array<i64: 1, 128>}, {transform_indices = @transform_5, window_bounds = array<i64: 1000, 1>}, {pipeline_mode = #tpu.pipeline_mode<synchronous>, transform_indices = @transform_6, window_bounds = array<i64: 128, 128>}]} {
    %get3A = arith.constant 0 : index
    %get3A_0 = arith.constant 0 : index
    %get3A_1 = vector.load %arg1[%get3A, %get3A_0] : memref<1000x128xf32, #tpu.memory_space<vmem>>, vector<1000x128xf32>
    %get3A_2 = arith.constant 0 : index
    %get3A_3 = arith.constant 0 : index
    %get3A_4 = vector.load %arg2[%get3A_2, %get3A_3] : memref<16x128xf32, #tpu.memory_space<vmem>>, vector<8x128xf32>
    %slice3A = vector.extract_strided_slice %get3A_4 {offsets = [0, 0], sizes = [4, 128], strides = [1, 1]} : vector<8x128xf32> to vector<4x128xf32>
    %slice3A_5 = vector.extract_strided_slice %get3A_4 {offsets = [4, 0], sizes = [4, 128], strides = [1, 1]} : vector<8x128xf32> to vector<4x128xf32>
    %add3A = arith.addf %slice3A, %slice3A_5 : vector<4x128xf32>
    %slice3A_6 = vector.extract_strided_slice %add3A {offsets = [0, 0], sizes = [2, 128], strides = [1, 1]} : vector<4x128xf32> to vector<2x128xf32>
    %slice3A_7 = vector.extract_strided_slice %add3A {offsets = [2, 0], sizes = [2, 128], strides = [1, 1]} : vector<4x128xf32> to vector<2x128xf32>
    %add3A_8 = arith.addf %slice3A_6, %slice3A_7 : vector<2x128xf32>
    %slice3A_9 = vector.extract_strided_slice %add3A_8 {offsets = [0, 0], sizes = [1, 128], strides = [1, 1]} : vector<2x128xf32> to vector<1x128xf32>
    %slice3A_10 = vector.extract_strided_slice %add3A_8 {offsets = [1, 0], sizes = [1, 128], strides = [1, 1]} : vector<2x128xf32> to vector<1x128xf32>
    %add3A_11 = arith.addf %slice3A_9, %slice3A_10 : vector<1x128xf32>
    %get3A_12 = arith.constant 8 : index
    %get3A_13 = arith.constant 0 : index
    %get3A_14 = vector.load %arg2[%get3A_12, %get3A_13] : memref<16x128xf32, #tpu.memory_space<vmem>>, vector<8x128xf32>
    %slice3A_15 = vector.extract_strided_slice %get3A_14 {offsets = [0, 0], sizes = [4, 128], strides = [1, 1]} : vector<8x128xf32> to vector<4x128xf32>
    %slice3A_16 = vector.extract_strided_slice %get3A_14 {offsets = [4, 0], sizes = [4, 128], strides = [1, 1]} : vector<8x128xf32> to vector<4x128xf32>
    %add3A_17 = arith.addf %slice3A_15, %slice3A_16 : vector<4x128xf32>
    %slice3A_18 = vector.extract_strided_slice %add3A_17 {offsets = [0, 0], sizes = [2, 128], strides = [1, 1]} : vector<4x128xf32> to vector<2x128xf32>
    %slice3A_19 = vector.extract_strided_slice %add3A_17 {offsets = [2, 0], sizes = [2, 128], strides = [1, 1]} : vector<4x128xf32> to vector<2x128xf32>
    %add3A_20 = arith.addf %slice3A_18, %slice3A_19 : vector<2x128xf32>
    %slice3A_21 = vector.extract_strided_slice %add3A_20 {offsets = [0, 0], sizes = [1, 128], strides = [1, 1]} : vector<2x128xf32> to vector<1x128xf32>
    %slice3A_22 = vector.extract_strided_slice %add3A_20 {offsets = [1, 0], sizes = [1, 128], strides = [1, 1]} : vector<2x128xf32> to vector<1x128xf32>
    %add3A_23 = arith.addf %slice3A_21, %slice3A_22 : vector<1x128xf32>
    %add3A_24 = arith.addf %add3A_11, %add3A_23 : vector<1x128xf32>
    %mul3A = arith.constant 9.99999974E-5 : f32
    %mul3A_25 = vector.broadcast %mul3A : f32 to vector<1x128xf32>
    %mul3A_26 = arith.mulf %add3A_24, %mul3A_25 : vector<1x128xf32>
    %get3A_27 = arith.constant 0 : index
    %get3A_28 = arith.constant 0 : index
    %get3A_29 = vector.load %arg3[%get3A_27, %get3A_28] : memref<16x128xf32, #tpu.memory_space<vmem>>, vector<8x128xf32>
    %slice3A_30 = vector.extract_strided_slice %get3A_29 {offsets = [0, 0], sizes = [4, 128], strides = [1, 1]} : vector<8x128xf32> to vector<4x128xf32>
    %slice3A_31 = vector.extract_strided_slice %get3A_29 {offsets = [4, 0], sizes = [4, 128], strides = [1, 1]} : vector<8x128xf32> to vector<4x128xf32>
    %add3A_32 = arith.addf %slice3A_30, %slice3A_31 : vector<4x128xf32>
    %slice3A_33 = vector.extract_strided_slice %add3A_32 {offsets = [0, 0], sizes = [2, 128], strides = [1, 1]} : vector<4x128xf32> to vector<2x128xf32>
    %slice3A_34 = vector.extract_strided_slice %add3A_32 {offsets = [2, 0], sizes = [2, 128], strides = [1, 1]} : vector<4x128xf32> to vector<2x128xf32>
    %add3A_35 = arith.addf %slice3A_33, %slice3A_34 : vector<2x128xf32>
    %slice3A_36 = vector.extract_strided_slice %add3A_35 {offsets = [0, 0], sizes = [1, 128], strides = [1, 1]} : vector<2x128xf32> to vector<1x128xf32>
    %slice3A_37 = vector.extract_strided_slice %add3A_35 {offsets = [1, 0], sizes = [1, 128], strides = [1, 1]} : vector<2x128xf32> to vector<1x128xf32>
    %add3A_38 = arith.addf %slice3A_36, %slice3A_37 : vector<1x128xf32>
    %get3A_39 = arith.constant 8 : index
    %get3A_40 = arith.constant 0 : index
    %get3A_41 = vector.load %arg3[%get3A_39, %get3A_40] : memref<16x128xf32, #tpu.memory_space<vmem>>, vector<8x128xf32>
    %slice3A_42 = vector.extract_strided_slice %get3A_41 {offsets = [0, 0], sizes = [4, 128], strides = [1, 1]} : vector<8x128xf32> to vector<4x128xf32>
    %slice3A_43 = vector.extract_strided_slice %get3A_41 {offsets = [4, 0], sizes = [4, 128], strides = [1, 1]} : vector<8x128xf32> to vector<4x128xf32>
    %add3A_44 = arith.addf %slice3A_42, %slice3A_43 : vector<4x128xf32>
    %slice3A_45 = vector.extract_strided_slice %add3A_44 {offsets = [0, 0], sizes = [2, 128], strides = [1, 1]} : vector<4x128xf32> to vector<2x128xf32>
    %slice3A_46 = vector.extract_strided_slice %add3A_44 {offsets = [2, 0], sizes = [2, 128], strides = [1, 1]} : vector<4x128xf32> to vector<2x128xf32>
    %add3A_47 = arith.addf %slice3A_45, %slice3A_46 : vector<2x128xf32>
    %slice3A_48 = vector.extract_strided_slice %add3A_47 {offsets = [0, 0], sizes = [1, 128], strides = [1, 1]} : vector<2x128xf32> to vector<1x128xf32>
    %slice3A_49 = vector.extract_strided_slice %add3A_47 {offsets = [1, 0], sizes = [1, 128], strides = [1, 1]} : vector<2x128xf32> to vector<1x128xf32>
    %add3A_50 = arith.addf %slice3A_48, %slice3A_49 : vector<1x128xf32>
    %add3A_51 = arith.addf %add3A_38, %add3A_50 : vector<1x128xf32>
    %mul3A_52 = arith.constant 9.99999974E-5 : f32
    %mul3A_53 = vector.broadcast %mul3A_52 : f32 to vector<1x128xf32>
    %mul3A_54 = arith.mulf %add3A_51, %mul3A_53 : vector<1x128xf32>
    %sub3A = vector.broadcast %mul3A_26 : vector<1x128xf32> to vector<1000x128xf32>
    %sub3A_55 = arith.subf %get3A_1, %sub3A : vector<1000x128xf32>
    %add3A_56 = arith.constant 9.99999974E-6 : f32
    %add3A_57 = vector.broadcast %add3A_56 : f32 to vector<1x128xf32>
    %add3A_58 = arith.addf %mul3A_54, %add3A_57 : vector<1x128xf32>
    %sqrt3A = math.sqrt %add3A_58 : vector<1x128xf32>
    %div3A = vector.broadcast %sqrt3A : vector<1x128xf32> to vector<1000x128xf32>
    %div3A_59 = arith.divf %sub3A_55, %div3A : vector<1000x128xf32>
    %get3A_60 = arith.constant 0 : index
    %get3A_61 = arith.constant 0 : index
    %get3A_62 = vector.load %arg4[%get3A_60, %get3A_61] : memref<1x128xf32, #tpu.memory_space<vmem>>, vector<1x128xf32>
    %mul3A_63 = vector.broadcast %get3A_62 : vector<1x128xf32> to vector<1000x128xf32>
    %mul3A_64 = arith.mulf %div3A_59, %mul3A_63 : vector<1000x128xf32>
    %get3A_65 = arith.constant 0 : index
    %get3A_66 = arith.constant 0 : index
    %get3A_67 = vector.load %arg5[%get3A_65, %get3A_66] : memref<1x128xf32, #tpu.memory_space<vmem>>, vector<1x128xf32>
    %add3A_68 = vector.broadcast %get3A_67 : vector<1x128xf32> to vector<1000x128xf32>
    %add3A_69 = arith.addf %mul3A_64, %add3A_68 : vector<1000x128xf32>
    %iota3A = tpu.iota {dimensions = array<i32: 1>} : vector<1000x128xi32>
    %get3A_70 = arith.constant 0 : index
    %get3A_71 = arith.constant 0 : index
    %get3A_72 = vector.load %arg6[%get3A_70, %get3A_71] : memref<1000x1xi32, #tpu.memory_space<vmem>>, vector<1000x1xi32>
    %eq3A = vector.broadcast %get3A_72 : vector<1000x1xi32> to vector<1000x128xi32>
    %eq3A_73 = arith.cmpi eq, %eq3A, %iota3A : vector<1000x128xi32>
    %convert_element_type3A = arith.extui %eq3A_73 : vector<1000x128xi1> to vector<1000x128xi32>
    %convert_element_type3A_74 = arith.sitofp %convert_element_type3A : vector<1000x128xi32> to vector<1000x128xf32>
    %eq3A_75 = arith.constant 0 : i32
    %eq3A_76 = arith.cmpi eq, %arg0, %eq3A_75 : i32
    %convert_element_type3A_77 = arith.extui %eq3A_76 : i1 to i32
    %cond3A = arith.constant 0 : i32
    %cond3A_78 = arith.cmpi ne, %convert_element_type3A_77, %cond3A : i32
    scf.if %cond3A_78 {
      %broadcast_in_dim3A_101 = arith.constant 0.000000e+00 : f32
      %broadcast_in_dim3A_102 = vector.broadcast %broadcast_in_dim3A_101 : f32 to vector<128x128xf32>
      %swap3A_103 = arith.constant 0 : index
      %swap3A_104 = arith.constant 0 : index
      %swap3A_105 = vector.load %arg7[%swap3A_103, %swap3A_104] : memref<128x128xf32, #tpu.memory_space<vmem>>, vector<128x128xf32>
      tpu.vector_store %arg7[%swap3A_103, %swap3A_104], %broadcast_in_dim3A_102 {strides = array<i32>} : memref<128x128xf32, #tpu.memory_space<vmem>>, vector<128x128xf32>,
      %broadcast_in_dim3A_106 = arith.constant 0.000000e+00 : f32
      %broadcast_in_dim3A_107 = vector.broadcast %broadcast_in_dim3A_106 : f32 to vector<128x128xf32>
      %swap3A_108 = arith.constant 0 : index
      %swap3A_109 = arith.constant 0 : index
      %swap3A_110 = vector.load %arg8[%swap3A_108, %swap3A_109] : memref<128x128xf32, #tpu.memory_space<vmem>>, vector<128x128xf32>
      tpu.vector_store %arg8[%swap3A_108, %swap3A_109], %broadcast_in_dim3A_107 {strides = array<i32>} : memref<128x128xf32, #tpu.memory_space<vmem>>, vector<128x128xf32>,
    } else {
    }
    %get3A_79 = arith.constant 0 : index
    %get3A_80 = arith.constant 0 : index
    %get3A_81 = vector.load %arg7[%get3A_79, %get3A_80] : memref<128x128xf32, #tpu.memory_space<vmem>>, vector<128x128xf32>
    %dot_general3A = arith.constant dense<0.000000e+00> : vector<128x128xf32>
    %dot_general3A_82 = tpu.matmul %convert_element_type3A_74, %add3A_69, %dot_general3A {dimension_numbers = #tpu.dot_dimension_numbers<[0], [0], [1], [1], [0, 1, 1, 1], [], []>, precision = #tpu.contract_precision<fp32>, transpose_lhs_hint = false} : vector<1000x128xf32>, vector<1000x128xf32>, vector<128x128xf32> -> vector<128x128xf32>
    %add3A_83 = arith.addf %get3A_81, %dot_general3A_82 : vector<128x128xf32>
    %swap3A = arith.constant 0 : index
    %swap3A_84 = arith.constant 0 : index
    %swap3A_85 = vector.load %arg7[%swap3A, %swap3A_84] : memref<128x128xf32, #tpu.memory_space<vmem>>, vector<128x128xf32>
    tpu.vector_store %arg7[%swap3A, %swap3A_84], %add3A_83 {strides = array<i32>} : memref<128x128xf32, #tpu.memory_space<vmem>>, vector<128x128xf32>,
    %broadcast_in_dim3A = arith.constant 1.000000e+00 : f32
    %broadcast_in_dim3A_86 = vector.broadcast %broadcast_in_dim3A : f32 to vector<1000x128xf32>
    %get3A_87 = arith.constant 0 : index
    %get3A_88 = arith.constant 0 : index
    %get3A_89 = vector.load %arg8[%get3A_87, %get3A_88] : memref<128x128xf32, #tpu.memory_space<vmem>>, vector<128x128xf32>
    %dot_general3A_90 = arith.constant dense<0.000000e+00> : vector<128x128xf32>
    %dot_general3A_91 = tpu.matmul %convert_element_type3A_74, %broadcast_in_dim3A_86, %dot_general3A_90 {dimension_numbers = #tpu.dot_dimension_numbers<[0], [0], [1], [1], [0, 1, 1, 1], [], []>, precision = #tpu.contract_precision<fp32>, transpose_lhs_hint = false} : vector<1000x128xf32>, vector<1000x128xf32>, vector<128x128xf32> -> vector<128x128xf32>
    %add3A_92 = arith.addf %get3A_89, %dot_general3A_91 : vector<128x128xf32>
    %swap3A_93 = arith.constant 0 : index
    %swap3A_94 = arith.constant 0 : index
    %swap3A_95 = vector.load %arg8[%swap3A_93, %swap3A_94] : memref<128x128xf32, #tpu.memory_space<vmem>>, vector<128x128xf32>
    tpu.vector_store %arg8[%swap3A_93, %swap3A_94], %add3A_92 {strides = array<i32>} : memref<128x128xf32, #tpu.memory_space<vmem>>, vector<128x128xf32>,
    %eq3A_96 = arith.constant 9 : i32
    %eq3A_97 = arith.cmpi eq, %arg0, %eq3A_96 : i32
    %convert_element_type3A_98 = arith.extui %eq3A_97 : i1 to i32
    %cond3A_99 = arith.constant 0 : i32
    %cond3A_100 = arith.cmpi ne, %convert_element_type3A_98, %cond3A_99 : i32
    scf.if %cond3A_100 {
      %get3A_101 = arith.constant 0 : index
      %get3A_102 = arith.constant 0 : index
      %get3A_103 = vector.load %arg7[%get3A_101, %get3A_102] : memref<128x128xf32, #tpu.memory_space<vmem>>, vector<128x128xf32>
      %get3A_104 = arith.constant 0 : index
      %get3A_105 = arith.constant 0 : index
      %get3A_106 = vector.load %arg8[%get3A_104, %get3A_105] : memref<128x128xf32, #tpu.memory_space<vmem>>, vector<128x128xf32>
      %max3A = arith.constant 1.000000e+00 : f32
      %max3A_107 = vector.broadcast %max3A : f32 to vector<128x128xf32>
      %max3A_108 = arith.maximumf %get3A_106, %max3A_107 : vector<128x128xf32>
      %div3A_109 = arith.divf %get3A_103, %max3A_108 : vector<128x128xf32>
      %swap3A_110 = arith.constant 0 : index
      %swap3A_111 = arith.constant 0 : index
      %swap3A_112 = vector.load %arg7[%swap3A_110, %swap3A_111] : memref<128x128xf32, #tpu.memory_space<vmem>>, vector<128x128xf32>
      tpu.vector_store %arg7[%swap3A_110, %swap3A_111], %div3A_109 {strides = array<i32>} : memref<128x128xf32, #tpu.memory_space<vmem>>, vector<128x128xf32>,
    } else {
    }
    return
  }
  func.func @transform_0(%arg0: i32) -> (i32, i32) {
    %c0_i32 = arith.constant 0 : i32
    %c0_i32_0 = arith.constant 0 : i32
    return %arg0, %c0_i32 : i32, i32
  }
  func.func @transform_1(%arg0: i32) -> (i32, i32) {
    %c0_i32 = arith.constant 0 : i32
    %c0_i32_0 = arith.constant 0 : i32
    %c0_i32_1 = arith.constant 0 : i32
    return %c0_i32, %c0_i32_0 : i32, i32
  }
  func.func @transform_2(%arg0: i32) -> (i32, i32) {
    %c0_i32 = arith.constant 0 : i32
    %c0_i32_0 = arith.constant 0 : i32
    %c0_i32_1 = arith.constant 0 : i32
    return %c0_i32, %c0_i32_0 : i32, i32
  }
  func.func @transform_3(%arg0: i32) -> (i32, i32) {
    %c0_i32 = arith.constant 0 : i32
    %c0_i32_0 = arith.constant 0 : i32
    %c0_i32_1 = arith.constant 0 : i32
    return %c0_i32, %c0_i32_0 : i32, i32
  }
  func.func @transform_4(%arg0: i32) -> (i32, i32) {
    %c0_i32 = arith.constant 0 : i32
    %c0_i32_0 = arith.constant 0 : i32
    %c0_i32_1 = arith.constant 0 : i32
    return %c0_i32, %c0_i32_0 : i32, i32
  }
  func.func @transform_5(%arg0: i32) -> (i32, i32) {
    %c0_i32 = arith.constant 0 : i32
    %c0_i32_0 = arith.constant 0 : i32
    return %arg0, %c0_i32 : i32, i32
  }
  func.func @transform_6(%arg0: i32) -> (i32, i32) {
    %c0_i32 = arith.constant 0 : i32
    %c0_i32_0 = arith.constant 0 : i32
    %c0_i32_1 = arith.constant 0 : i32
    return %c0_i32, %c0_i32_0 : i32, i32
  }
}

</mosaic_0001>

<sc_bundles>
// kernel: gather_offload_async_start.1
scs
__scs_entry_jumppad:
0x0: {  	(pc) =	sbr.rel $0x88, $3  }
0x1: {  	(tag) =	ssettag $0x0;
	lr =	simm.s32 $0x1  }
0x2: {  	[smem:$0x3F7D] =	sst lr;
	_ =	strace $0xD0000000  }
0x3: {  	_ = 	snop  }
0x4: {  	_ = 	snop  }
0x5: {  	_ = 	snop  }
0x6: {  	_ = 	snop  }
0x7: {  	_ = 	snop  }
__scs_overlays_trampoline_lowered:
0x8: {  	[smem:$0x3F8C] =	sst s0  }
0x9: {  	[smem:$0x3F8D] =	sst s1  }
0xa: {  	[smem:$0x3F8E] =	sst s2  }
0xb: {  	[smem:$0x3F8F] =	sst s3  }
0xc: {  	[smem:$0x3F90] =	sst s4  }
0xd: {  	[smem:$0x3F91] =	sst s5  }
0xe: {  	[smem:$0x3F92] =	sst s6  }
0xf: {  	[smem:$0x3F93] =	sst s7  }
0x10: {  	[smem:$0x3F94] =	sst s8  }
0x11: {  	[smem:$0x3F95] =	sst s9;
	s0 =	simm.s32 @!p0 $0x0  }
0x12: {  	s1 =	sld [smem:$0x3F7B];
	s0 =	simm.s32 @p0 $0x1  }
0x13: {  	[smem:$0x3F96] =	sst s0;
	s0 =	simm.s32 @!p1 $0x0  }
0x14: {  	s2 =	sld [smem:$0x3F7A];
	s0 =	simm.s32 @p1 $0x1  }
0x15: {  	[smem:$0x3F97] =	sst s0;
	s0 =	simm.s32 @!p2 $0x0  }
0x16: {  	s3 =	sld [smem:$0x3FDB];
	s0 =	simm.s32 @p2 $0x1  }
0x17: {  	s4 =	simm.s32 $0x1BF5;
	[smem:$0x3F99] =	sst s0  }
0x18: {  	s0 =	sld [smem:$0x3F7C];
	_ =	swait.ge [sflag:s4], $0x0  }
0x19: {  	s7 =	sld [smem:$0x3F7D]  }
0x1a: {  	s8 =	sadd.s32 $0xFFFFE003, lr  }
0x1b: {  	s9 =	sadd.s32 $0xFFFFFEF7, lr;
	s5 =	simm.s32 $0xFFFFFFFF;
	p2 =	slt.u32 s8, $0xFFFFF086  }
0x1c: {  	p1 =	slt.u32 s9, $0xF7A;
	s5 =	simm.s32 @!p2 $0x0  }
0x1d: {  	s5 =	simm.s32 @p1 $0x1;
	p0 =	seq.s32 s7, s2  }
0x1e: {  	s7 =	smul.u32 @!p0 $0xF7A, s2;
	p2 =	seq.s32 @!p0 s5, $0x0  }
0x1f: {  	s9 =	smul.u32 $0xF7A, s1;
	s8 =	simm.s32 @!p0 $0x1BF5;
	p2 =	por !p2, p0  }
0x20: {  	[sflag:s8] =	ssyncset.s32 @!p0 $0xFFFFF086;
	s6 =	sadd.s32 @!p0 s3, s7;
	s7 =	simm.s32 @!p0 $0x108  }
0x21: {  	s3 =	sadd.s32 s3, s9;
	s6 =	sadd.s32 @!p0 $0x88, s6;
	s7 =	simm.s32 @p2 $0x1082  }
0x22: {  	[simem:s7], [sflag:s8] =	dma.local @!p0 [hbm:s6], $0xF7A  }
0x23: {  	s9 =	sor.u32 $0xD0000000, s2;
	s6 =	simm.s32 $0x108;
	_ =	swait.ge @!p0 [sflag:s8], $0x0  }
0x24: {  	s3 =	sadd.s32 $0x88, s3;
	s6 =	simm.s32 @!p1 $0x1082;
	[sflag:s4] =	ssyncset.s32 $0xFFFFF086  }
0x25: {  	[simem:s6], [sflag:s4] =	dma.local [hbm:s3], $0xF7A  }
0x26: {  	[smem:$0x3F7D] =	sst s1;
	(tag) =	ssettag s2;
	_ =	strace s9  }
0x27: {  	s1 =	sld [smem:$0x3F8D]  }
0x28: {  	s2 =	sld [smem:$0x3F8E]  }
0x29: {  	s4 =	sld [smem:$0x3F90]  }
0x2a: {  	p0 =	seq.s32 s5, $0x0;
	s5 =	sld [smem:$0x3F91]  }
0x2b: {  	s6 =	sld [smem:$0x3F92]  }
0x2c: {  	s7 =	sld [smem:$0x3F93]  }
0x2d: {  	s3 =	simm.s32 $0x108;
	s8 =	sld [smem:$0x3F94]  }
0x2e: {  	s3 =	simm.s32 @!p0 $0x1082;
	s9 =	sld [smem:$0x3F95]  }
0x2f: {  	lr =	sadd.s32 s0, s3;
	s0 =	sld [smem:$0x3F8C]  }
0x30: {  	s3 =	sld [smem:$0x3F8F]  }
0x31: {  	[smem:$0x3F98] =	sst s10  }
0x32: {  	s10 =	sld [smem:$0x3F96];
	_ =	sdelay $0x3  }
0x33: {  	p0 =	seq.s32 s10, $0x1;
	s10 =	sld [smem:$0x3F98];
	_ =	sdelay $0x3  }
0x34: {  	[smem:$0x3F98] =	sst s10  }
0x35: {  	s10 =	sld [smem:$0x3F97];
	_ =	sdelay $0x3  }
0x36: {  	p1 =	seq.s32 s10, $0x1;
	s10 =	sld [smem:$0x3F98];
	_ =	sdelay $0x3  }
0x37: {  	[smem:$0x3F98] =	sst s10  }
0x38: {  	s10 =	sld [smem:$0x3F99]  }
0x39: {  	_ = 	snop;
	(pc) =	sbr.ind lr, $3  }
0x3a: {  	_ = 	snop  }
0x3b: {  	_ = 	snop  }
0x3c: {  	p2 =	seq.s32 s10, $0x1;
	s10 =	sld [smem:$0x3F98]  }
0x3d: {  	_ =	shalt  }
0x3e: {  	_ =	shalt  }
0x3f: {  	_ =	shalt  }
0x40: {  	_ =	shalt  }
0x41: {  	_ =	shalt  }
0x42: {  	_ =	shalt  }
0x43: {  	_ =	shalt  }
0x44: {  	_ =	shalt  }
0x45: {  	_ =	shalt  }
0x46: {  	_ =	shalt  }
0x47: {  	_ =	shalt  }
0x48: {  	_ =	shalt  }
0x49: {  	_ =	shalt  }
0x4a: {  	_ =	shalt  }
0x4b: {  	_ =	shalt  }
0x4c: {  	_ =	shalt  }
0x4d: {  	_ =	shalt  }
0x4e: {  	_ =	shalt  }
0x4f: {  	_ =	shalt  }
0x50: {  	_ =	shalt  }
0x51: {  	_ =	shalt  }
0x52: {  	_ =	shalt  }
0x53: {  	_ =	shalt  }
0x54: {  	_ =	shalt  }
0x55: {  	_ =	shalt  }
0x56: {  	_ =	shalt  }
0x57: {  	_ =	shalt  }
0x58: {  	_ =	shalt  }
0x59: {  	_ =	shalt  }
0x5a: {  	_ =	shalt  }
0x5b: {  	_ =	shalt  }
0x5c: {  	_ =	shalt  }
0x5d: {  	_ =	shalt  }
0x5e: {  	_ =	shalt  }
0x5f: {  	_ =	shalt  }
0x60: {  	_ =	shalt  }
0x61: {  	_ =	shalt  }
0x62: {  	_ =	shalt  }
0x63: {  	_ =	shalt  }
0x64: {  	_ =	shalt  }
0x65: {  	_ =	shalt  }
0x66: {  	_ =	shalt  }
0x67: {  	_ =	shalt  }
0x68: {  	_ =	shalt  }
0x69: {  	_ =	shalt  }
0x6a: {  	_ =	shalt  }
0x6b: {  	_ =	shalt  }
0x6c: {  	_ =	shalt  }
0x6d: {  	_ =	shalt  }
0x6e: {  	_ =	shalt  }
0x6f: {  	_ =	shalt  }
0x70: {  	_ =	shalt  }
0x71: {  	_ =	shalt  }
0x72: {  	_ =	shalt  }
0x73: {  	_ =	shalt  }
0x74: {  	_ =	shalt  }
0x75: {  	_ =	shalt  }
0x76: {  	_ =	shalt  }
0x77: {  	_ =	shalt  }
0x78: {  	_ =	shalt  }
0x79: {  	_ =	shalt  }
0x7a: {  	_ =	shalt  }
0x7b: {  	_ =	shalt  }
0x7c: {  	_ =	shalt  }
0x7d: {  	_ =	shalt  }
0x7e: {  	_ =	shalt  }
0x7f: {  	_ =	shalt  }
0x80: {  	_ =	shalt  }
0x81: {  	_ =	shalt  }
0x82: {  	_ =	shalt  }
0x83: {  	_ =	shalt  }
0x84: {  	_ =	shalt  }
0x85: {  	_ =	shalt  }
0x86: {  	_ =	shalt  }
0x87: {  	_ =	shalt  }
.Lfunc_end0:
.L_simem_size_0:
called_computation.1_lowered:
.L_overlay_start_0:
0x88: {  	s2 =	sld [smem:$0x3FD9]  }
0x89: {  	s3 =	sld [smem:$0x3FFE];
	_ =	sdelay $0x1  }
0x8a: {  	s1 =	srdreg.scid  }
0x8b: {  	s0 =	sand.u32 $0x1, s1  }
0x8c: {  	s16 =	sshll.u32 s0, $0xA;
	s2 =	sadd.s32 s3, s2  }
0x8d: {  	s2 =	sadd.s32 s2, s16  }
0x8e: {  	[smem:$0x3FA4] =	sst s2  }
0x8f: {  	_ = 	snop  }
0x90: {  	(tm) =	ssettm $0x1  }
0x91: {  	s17 =	sld [smem:$0x3FFB];
	_ =	sdelay $0x3  }
0x92: {  	_ =	strace s17  }
0x93: {  	s2 =	sld [smem:$0x3FFC];
	_ =	sdelay $0x3  }
0x94: {  	_ =	strace s2  }
0x95: {  	s2 =	sld [smem:$0x3FFD];
	_ =	sdelay $0x3  }
0x96: {  	_ =	strace s2  }
0x97: {  	_ =	strace $0x8FFFFFFF  }
0x98: {  	s18 =	sld [smem:$0x3FDB];
	_ =	sdelay $0x1  }
0x99: {  	s19 =	simm.s32 $_scs_section_size  }
0x9a: {  	s4 =	simm.s32 $_size__tile_overlayer_lowered;
	s5 =	simm.s32 $_tile_overlayer_lowered  }
0x9b: {  	s22 =	simm.s32 $0x1BFF;
	s21 =	sshll.u32 s5, $0x1;
	s2 =	sadd.s32 s19, s18  }
0x9c: {  	s6 =	simm.s32 $0x0;
	s20 =	sshll.u32 s4, $0x1;
	s4 =	sadd.s32 s21, s2  }
0x9d: {  	[timem:s6], [sflag:s22] =	dma.local [hbm:s4], s20  }
0x9e: {  	_ =	swait.ge [sflag:s22], s20  }
0x9f: {  	s3 =	ssub.s32 $0x0, s20;
	[sflag:s22] =	ssyncset.done $0x0  }
0xa0: {  	[sflag:s22] =	ssyncadd.s32 s3;
	_ =	sdelay $0x1  }
0xa1: {  	s23 =	simm.s32 $0x1B8B  }
0xa2: {  	_ =	swait.ge [sflag:s23], $0x1  }
0xa3: {  	[sflag:s23] =	ssyncset.done $0x0  }
0xa4: {  	s25 =	simm.s32 $0x1B8E;
	s24 =	sld [smem:$0x3FFE];
	[sflag:s23] =	ssyncadd.s32 $0xFFFFFFFF  }
0xa5: {  	s26 =	simm.s32 $execute0_lowered;
	[smem:$0x3FD2] =	sst s25  }
0xa6: {  	s4 =	sshll.u32 s26, $0x1;
	_ =	strace $0x80000046;
	[dreg:$0x1] =	wrdreg $0xFFFFFFFF  }
0xa7: {  	s28 =	simm.s32 $_size_execute0_lowered;
	s2 =	sadd.s32 s2, s4;
	[dreg:$0x0] =	wrdreg $0x0  }
0xa8: {  	s4 =	sshll.u32 s28, $0x1;
	[dreg:$0x2] =	wrdreg s2  }
0xa9: {  	[dreg:$0x3] =	wrdreg s4  }
0xaa: {  	[dreg:$0x4] =	wrdreg $0xC0  }
0xab: {  	_ =	task [dreg:s6], $0x5FFFF  }
0xac: {  	[dreg:$0x1] =	wrdreg $0xFFFFFFFF  }
0xad: {  	[dreg:$0x0] =	wrdreg $0x60  }
0xae: {  	[dreg:$0x2] =	wrdreg s24  }
0xaf: {  	[dreg:$0x3] =	wrdreg $0xA  }
0xb0: {  	_ =	task.clear_ibuf [dreg:s6], $0x4FFFF;
	_ =	strace $0x90000046  }
0xb1: {  	s29 =	simm.s32 $0xA;
	_ =	strace $0x80000048  }
0xb2: {  	_ =	swait.ge [sflag:s29], $0x1  }
0xb3: {  	[sflag:s29] =	ssyncadd.s32 $0xFFFFFFFF  }
0xb4: {  	_ =	strace $0x90000048  }
0xb5: {  	_ =	sfence  }
0xb6: {  	s30 =	sld [smem:$0x0];
	_ =	sdelay $0x2  }
0xb7: {  	s31 =	sshll.u32 s1, $0xD;
	s1 =	sshrl.u32 s1, $0x2  }
0xb8: {  	s3 =	sand.u32 $0x4000, s31;
	s1 =	sadd.s32 s1, s30  }
0xb9: {  	s0 =	sor.u32 s3, s0;
	s1 =	sshll.u32 s1, $0x11  }
0xba: {  	s0 =	sor.u32 s1, s0  }
0xbb: {  	s0 =	sadd.s32 $0x8F2B, s0  }
0xbc: {  	[sflag:s0] =	ssyncadd.remote.s32 $0x1  }
0xbd: {  	_ =	sfence.sel $0xFFFF  }
0xbe: {  	[dreg:$0x0] =	wrdreg $0xFFFFFFFF;
	(pc) =	sbr.abs _section_cstart, $3  }
0xbf: {  	[dreg:$0x1] =	wrdreg $0xFFFFFFFF  }
0xc0: {  	_ =	task.clear_ibuf [dreg:s6], $0x2FFFF;
	_ =	strace $0x9FFFFFFF  }
0xc1: {  	(tm) =	ssettm $0x7FFFFFFF  }
tec
execute0_lowered:
.L_overlay_start_1:
0x0: {  	(tag) =	ssettag $0x1  }
0x1: {  	s8 =	rddreg [dreg:$0x0]  }
0x2: {  	s0 =	rddreg [dreg:$0x1];
	_ =	strace $0x80000047;
	s1 =	stileid.u32  }
0x3: {  	s3 =	srdreg.scid;
	s4 =	simm.s32 $0x1;
	s7 =	simm.s32 $0x1  }
0x4: {  	s9 =	simm.s32 $0x1;
	s10 =	simm.s32 $0x3;
	s13 =	simm.s32 $0x0  }
0x5: {  	s12 =	simm.s32 $0x0;
	s5 =	sand.u32 $0x1, s3;
	s6 =	sshll.u32 s1, $0x1  }
0x6: {  	s2 =	sadd.s32 $0xFE00, s8;
	s3 =	sadd.s32 $0x19C00, s8;
	s5 =	sor.u32 s6, s5  }
.Ltmp0:
0x7: {  	[sflag:s4] =	ssyncpa.u1 $0x0;
	p0 =	slt.u32 s5, $0x9;
	(pc) =	sbr.rel .LBB2_1-.Ltmp0, $4  }
0x8: {  	s6 =	simm.s32 $0x2;
	s7 =	simm.s32 @!p0 $0x0;
	p0 =	sne.s32 s5, $0x8  }
0x9: {  	[sflag:s6] =	ssyncpa.u1 $0x0;
	s5 =	smul.u32 $0x1F40, s5;
	s9 =	simm.s32 @!p0 $0x0  }
0xa: {  	s8 =	sadd.s32 $0x23A00, s8;
	[sflag:s10] =	ssyncpa.u1 $0x0;
	s7 =	sadd.s32 s9, s7  }
0xb: {  	vm0 =	vmmov $0xffff;
	s10 =	simm.s32 $0x0;
	s11 =	smov.u32 s5;
	s9 =	sadd.s32 $0x1, s7  }
.LBB2_4:
0xc: {  	v2 =	vnsel vm1, $0x0, v2  }
0xd: {  	vm1 =	vgt.s32 v0, $0x0;
	v2 =	vmin.u32 v2, $0x4E1FF  }
0xe: {  	v0 =	vnsel vm1, $0x0, v0  }
0xf: {  	v0 =	vmin.u32 v0, $0x4E1FF  }
0x10: {  	[tilespmem:s18], [sflag:$0x1] =	stream.indirect_vreg.gather [hbm4b:s2+s10], $0x1, v1, vm0, $0x4038;
	[tilespmem:$0x7D00] =	vst v63  }
0x11: {  	(ifvalue) =	ssetifvalue $0x7FFFFFFF  }
0x12: {  	[tilespmem:s15], [sflag:$0x1] =	stream.indirect_vreg.gather [hbm4b:s2+s10], $0x1, v2, vm0, $0x4038;
	[tilespmem:$0x7D00] =	vst v63  }
0x13: {  	s29 =	sadd.s32 $0x10, s15;
	(ifvalue) =	ssetifvalue $0x7FFFFFFF  }
0x14: {  	[tilespmem:s29], [sflag:$0x1] =	stream.indirect_vreg.gather [hbm4b:s2+s10], $0x1, v0, vm0, $0x4038;
	[tilespmem:$0x7D00] =	vst v63  }
0x15: {  	_ =	swait.ge [sflag:s4], $0x1F40  }
0x16: {  	s30 =	sshrl.u32 s13, $0x3;
	[sflag:s4] =	ssyncset.done $0x0  }
0x17: {  	s31 =	sand.u32 $0x7, s13;
	s15 =	sadd.s32 s8, s30;
	[sflag:s4] =	ssyncadd.s32 $0xFFFFE0C0  }
0x18: {  	[hbm4b:s15+s31] =	stream.linear.scatter [tilespmem:s14], [sflag:$0x3], $0x1F40, $0x38;
	[tilespmem:$0x7D00] =	vst v63  }
.LBB2_5:
0x19: {  	s15 =	sadd.s32 $0x3E800, s11  }
0x1a: {  	p1 =	sgt.s32 s15, $0x4E1FF  }
0x1b: {  	s15 =	smov.u32 @p1 s5;
	p1 =	sne.s32 s12, s9  }
.Ltmp1:
0x1c: {  	p0 =	slt.u32 s12, $0x2;
	(pc) =	sbr.rel @!p1 .LBB2_6-.Ltmp1, $4  }
0x1d: {  	s14 =	simm.s32 @!p0 $0x3  }
0x1e: {  	_ =	swait.ge @!p0 [sflag:s14], $0x1F40  }
0x1f: {  	s16 =	sadd.s32 $0x1, s12;
	s13 =	smov.u32 s11;
	[sflag:s14] =	ssyncset.done @!p0 $0x0  }
0x20: {  	s12 =	smov.u32 s16;
	s11 =	smov.u32 s15;
	[sflag:s14] =	ssyncadd.s32 @!p0 $0xFFFFE0C0  }
.LBB2_1:
0x21: {  	p0 =	sge.u32 s12, s7  }
0x22: {  	s14 =	sxor.u32 @!p0 $0x1, s12  }
0x23: {  	s14 =	smul.u32 @!p0 $0x7D00, s14  }
0x24: {  	s31 =	sadd.s32 $0xFFFFFFFF, s12;
	s15 =	sshrl.u32 @!p0 s11, $0x3  }
0x25: {  	s16 =	sand.u32 @!p0 $0x7, s11;
	s15 =	sadd.s32 @!p0 s3, s15;
	s14 =	sshra.s32 @!p0 s14, $0x2  }
0x26: {  	[tilespmem:s14], [sflag:$0x2] =	stream.linear.gather @!p0 [hbm4b:s15+s16], $0x1F40, $0x38;
	[tilespmem:$0x7D00] =	vst v63  }
0x27: {  	p0 =	sge.u32 s31, s7  }
.Ltmp2:
0x28: {  	_ = 	snop;
	(pc) =	sbr.rel @p0 .LBB2_5-.Ltmp2, $1  }
0x29: {  	_ =	sdelay $0x3  }
0x2a: {  	s14 =	sand.u32 $0x1, s12  }
0x2b: {  	_ =	swait.ge [sflag:s6], $0x1F40;
	p0 =	seq.s32 s14, $0x1;
	s14 =	simm.s32 $0x1F40  }
0x2c: {  	[sflag:s6] =	ssyncset.done $0x0;
	s14 =	simm.s32 @!p0 $0x0  }
0x2d: {  	[sflag:s6] =	ssyncadd.s32 $0xFFFFE0C0;
	(ifvalue) =	ssetifvalue $0x7FFFFFFF;
	v0 =	vld.msk [tilespmem:s14+$0x0 ss:$0x1], $0xffff;
	_ =	sdelay $0x4  }
0x2e: {  	s15 =	sadd.s32 $0x10, s14;
	vm1 =	vgt.s32 v0, $0x0  }
0x2f: {  	v2 =	vld.msk [tilespmem:s15+$0x0 ss:$0x1], $0xffff;
	v1 =	vnsel vm1, $0x0, v0  }
0x30: {  	v1 =	vmin.u32 v1, $0x4E1FF;
	_ =	sdelay $0x2  }
0x31: {  	s17 =	simm.s32 $0x20;
	s14 =	sadd.s32 $0x3E80, s14;
	s16 =	sadd.s32 $0x10, s15  }
0x32: {  	s15 =	sadd.s32 $0x10, s14;
	s18 =	smov.u32 s14;
	v0 =	vld.msk [tilespmem:s16+$0x0 ss:$0x1], $0xffff;
	vm1 =	vgt.s32 v2, $0x0;
	(ifvalue) =	ssetifvalue $0x7FFFFFFF  }
.LBB2_3:
0x33: {  	[tilespmem:s18], [sflag:$0x1] =	stream.indirect_vreg.gather [hbm4b:s2+s10], $0x1, v1, vm0, $0x4038;
	[tilespmem:$0x7D00] =	vst v63  }
0x34: {  	s17 =	sadd.s32 $0x10, s17  }
0x35: {  	v2 =	vnsel vm1, $0x0, v2;
	p0 =	slt.u32 s17, $0x1F30  }
.Ltmp3:
0x36: {  	s18 =	smov.u32 s15;
	v1 =	vmin.u32 v2, $0x4E1FF;
	(pc) =	sbr.rel @p0 .LBB2_3-.Ltmp3, $3  }
0x37: {  	_ =	sdelay $0x1  }
0x38: {  	s16 =	sadd.s32 $0x10, s16  }
0x39: {  	vm1 =	vgt.s32 v0, $0x0;
	s15 =	sadd.s32 $0x10, s15;
	v2 =	vmov v0;
	(ifvalue) =	ssetifvalue $0x7FFFFFFF;
	v0 =	vld.msk [tilespmem:s16+$0x0 ss:$0x1], $0xffff  }
.Ltmp4:
0x3a: {  	_ = 	snop;
	(pc) =	sbr.rel .LBB2_4-.Ltmp4, $1  }
0x3b: {  	_ =	sdelay $0x3  }
.LBB2_6:
0x3c: {  	_ =	sfence.sel $0x180000  }
0x3d: {  	s2 =	simm.s32 $0x2;
	[bflag:$0x0] =	sbarrier.arrive $0xFFFF  }
0x3e: {  	s30 =	simm.s32 $0x3;
	[sflag:s2] =	ssyncpa.u1 $0x1  }
0x3f: {  	s31 =	simm.s32 $0x1;
	[sflag:s30] =	ssyncpa.u1 $0x1  }
0x40: {  	[sflag:s31] =	ssyncpa.u1 $0x1  }
0x41: {  	p0 =	sne.s32 s1, $0x0;
	_ =	strace $0x90000047  }
0x42: {  	s0 =	sadd.s32 @!p0 $0x100000, s0;
	[bflag:$0x2] =	sbarrier.arrive $0xFFFF  }
0x43: {  	[sflag:s0] =	ssyncadd.tile.s32 @!p0 $0x1;
	_ =	shalt  }
.Lfunc_end2:
_tile_overlayer_lowered:
.L_overlay_start_2:
0x44: {  	(tag) =	ssettag $0x2  }
0x45: {  	s0 =	rddreg [dreg:$0x0];
	s2 =	stileid.u32  }
0x46: {  	s1 =	rddreg [dreg:$0x1];
	p0 =	sne.s32 s2, $0x0  }
0x47: {  	s3 =	rddreg [dreg:$0x2];
	[bflag:$0x3] =	sbarrier.arrive $0xFFFF;
	s2 =	simm.s32 @!p0 $0x1C01  }
0x48: {  	[timem:s3], [sflag:s2] =	dma.local @!p0 [hbm:s0], s1  }
0x49: {  	s0 =	simm.s32 @!p0 $0x1  }
0x4a: {  	_ =	swait.ge @!p0 [sflag:s0], s1  }
0x4b: {  	s1 =	ssub.s32 @!p0 $0x0, s1;
	[sflag:s0] =	ssyncset.done @!p0 $0x0  }
0x4c: {  	[sflag:s0] =	ssyncadd.s32 @!p0 s1  }
0x4d: {  	[bflag:$0x3] =	sbarrier.arrive $0xFFFF  }
0x4e: {  	_ =	shalt  }

// kernel: gather_offload_async_start
scs
__scs_entry_jumppad:
0x0: {  	(pc) =	sbr.rel $0x88, $3  }
0x1: {  	(tag) =	ssettag $0x0;
	lr =	simm.s32 $0x1  }
0x2: {  	[smem:$0x3F7D] =	sst lr;
	_ =	strace $0xD0000000  }
0x3: {  	_ = 	snop  }
0x4: {  	_ = 	snop  }
0x5: {  	_ = 	snop  }
0x6: {  	_ = 	snop  }
0x7: {  	_ = 	snop  }
__scs_overlays_trampoline_lowered:
0x8: {  	[smem:$0x3F8C] =	sst s0  }
0x9: {  	[smem:$0x3F8D] =	sst s1  }
0xa: {  	[smem:$0x3F8E] =	sst s2  }
0xb: {  	[smem:$0x3F8F] =	sst s3  }
0xc: {  	[smem:$0x3F90] =	sst s4  }
0xd: {  	[smem:$0x3F91] =	sst s5  }
0xe: {  	[smem:$0x3F92] =	sst s6  }
0xf: {  	[smem:$0x3F93] =	sst s7  }
0x10: {  	[smem:$0x3F94] =	sst s8  }
0x11: {  	[smem:$0x3F95] =	sst s9;
	s0 =	simm.s32 @!p0 $0x0  }
0x12: {  	s1 =	sld [smem:$0x3F7B];
	s0 =	simm.s32 @p0 $0x1  }
0x13: {  	[smem:$0x3F96] =	sst s0;
	s0 =	simm.s32 @!p1 $0x0  }
0x14: {  	s2 =	sld [smem:$0x3F7A];
	s0 =	simm.s32 @p1 $0x1  }
0x15: {  	[smem:$0x3F97] =	sst s0;
	s0 =	simm.s32 @!p2 $0x0  }
0x16: {  	s3 =	sld [smem:$0x3FDB];
	s0 =	simm.s32 @p2 $0x1  }
0x17: {  	s4 =	simm.s32 $0x1BF5;
	[smem:$0x3F99] =	sst s0  }
0x18: {  	s0 =	sld [smem:$0x3F7C];
	_ =	swait.ge [sflag:s4], $0x0  }
0x19: {  	s7 =	sld [smem:$0x3F7D]  }
0x1a: {  	s8 =	sadd.s32 $0xFFFFE003, lr  }
0x1b: {  	s9 =	sadd.s32 $0xFFFFFEF7, lr;
	s5 =	simm.s32 $0xFFFFFFFF;
	p2 =	slt.u32 s8, $0xFFFFF086  }
0x1c: {  	p1 =	slt.u32 s9, $0xF7A;
	s5 =	simm.s32 @!p2 $0x0  }
0x1d: {  	s5 =	simm.s32 @p1 $0x1;
	p0 =	seq.s32 s7, s2  }
0x1e: {  	s7 =	smul.u32 @!p0 $0xF7A, s2;
	p2 =	seq.s32 @!p0 s5, $0x0  }
0x1f: {  	s9 =	smul.u32 $0xF7A, s1;
	s8 =	simm.s32 @!p0 $0x1BF5;
	p2 =	por !p2, p0  }
0x20: {  	[sflag:s8] =	ssyncset.s32 @!p0 $0xFFFFF086;
	s6 =	sadd.s32 @!p0 s3, s7;
	s7 =	simm.s32 @!p0 $0x108  }
0x21: {  	s3 =	sadd.s32 s3, s9;
	s6 =	sadd.s32 @!p0 $0x88, s6;
	s7 =	simm.s32 @p2 $0x1082  }
0x22: {  	[simem:s7], [sflag:s8] =	dma.local @!p0 [hbm:s6], $0xF7A  }
0x23: {  	s9 =	sor.u32 $0xD0000000, s2;
	s6 =	simm.s32 $0x108;
	_ =	swait.ge @!p0 [sflag:s8], $0x0  }
0x24: {  	s3 =	sadd.s32 $0x88, s3;
	s6 =	simm.s32 @!p1 $0x1082;
	[sflag:s4] =	ssyncset.s32 $0xFFFFF086  }
0x25: {  	[simem:s6], [sflag:s4] =	dma.local [hbm:s3], $0xF7A  }
0x26: {  	[smem:$0x3F7D] =	sst s1;
	(tag) =	ssettag s2;
	_ =	strace s9  }
0x27: {  	s1 =	sld [smem:$0x3F8D]  }
0x28: {  	s2 =	sld [smem:$0x3F8E]  }
0x29: {  	s4 =	sld [smem:$0x3F90]  }
0x2a: {  	p0 =	seq.s32 s5, $0x0;
	s5 =	sld [smem:$0x3F91]  }
0x2b: {  	s6 =	sld [smem:$0x3F92]  }
0x2c: {  	s7 =	sld [smem:$0x3F93]  }
0x2d: {  	s3 =	simm.s32 $0x108;
	s8 =	sld [smem:$0x3F94]  }
0x2e: {  	s3 =	simm.s32 @!p0 $0x1082;
	s9 =	sld [smem:$0x3F95]  }
0x2f: {  	lr =	sadd.s32 s0, s3;
	s0 =	sld [smem:$0x3F8C]  }
0x30: {  	s3 =	sld [smem:$0x3F8F]  }
0x31: {  	[smem:$0x3F98] =	sst s10  }
0x32: {  	s10 =	sld [smem:$0x3F96];
	_ =	sdelay $0x3  }
0x33: {  	p0 =	seq.s32 s10, $0x1;
	s10 =	sld [smem:$0x3F98];
	_ =	sdelay $0x3  }
0x34: {  	[smem:$0x3F98] =	sst s10  }
0x35: {  	s10 =	sld [smem:$0x3F97];
	_ =	sdelay $0x3  }
0x36: {  	p1 =	seq.s32 s10, $0x1;
	s10 =	sld [smem:$0x3F98];
	_ =	sdelay $0x3  }
0x37: {  	[smem:$0x3F98] =	sst s10  }
0x38: {  	s10 =	sld [smem:$0x3F99]  }
0x39: {  	_ = 	snop;
	(pc) =	sbr.ind lr, $3  }
0x3a: {  	_ = 	snop  }
0x3b: {  	_ = 	snop  }
0x3c: {  	p2 =	seq.s32 s10, $0x1;
	s10 =	sld [smem:$0x3F98]  }
0x3d: {  	_ =	shalt  }
0x3e: {  	_ =	shalt  }
0x3f: {  	_ =	shalt  }
0x40: {  	_ =	shalt  }
0x41: {  	_ =	shalt  }
0x42: {  	_ =	shalt  }
0x43: {  	_ =	shalt  }
0x44: {  	_ =	shalt  }
0x45: {  	_ =	shalt  }
0x46: {  	_ =	shalt  }
0x47: {  	_ =	shalt  }
0x48: {  	_ =	shalt  }
0x49: {  	_ =	shalt  }
0x4a: {  	_ =	shalt  }
0x4b: {  	_ =	shalt  }
0x4c: {  	_ =	shalt  }
0x4d: {  	_ =	shalt  }
0x4e: {  	_ =	shalt  }
0x4f: {  	_ =	shalt  }
0x50: {  	_ =	shalt  }
0x51: {  	_ =	shalt  }
0x52: {  	_ =	shalt  }
0x53: {  	_ =	shalt  }
0x54: {  	_ =	shalt  }
0x55: {  	_ =	shalt  }
0x56: {  	_ =	shalt  }
0x57: {  	_ =	shalt  }
0x58: {  	_ =	shalt  }
0x59: {  	_ =	shalt  }
0x5a: {  	_ =	shalt  }
0x5b: {  	_ =	shalt  }
0x5c: {  	_ =	shalt  }
0x5d: {  	_ =	shalt  }
0x5e: {  	_ =	shalt  }
0x5f: {  	_ =	shalt  }
0x60: {  	_ =	shalt  }
0x61: {  	_ =	shalt  }
0x62: {  	_ =	shalt  }
0x63: {  	_ =	shalt  }
0x64: {  	_ =	shalt  }
0x65: {  	_ =	shalt  }
0x66: {  	_ =	shalt  }
0x67: {  	_ =	shalt  }
0x68: {  	_ =	shalt  }
0x69: {  	_ =	shalt  }
0x6a: {  	_ =	shalt  }
0x6b: {  	_ =	shalt  }
0x6c: {  	_ =	shalt  }
0x6d: {  	_ =	shalt  }
0x6e: {  	_ =	shalt  }
0x6f: {  	_ =	shalt  }
0x70: {  	_ =	shalt  }
0x71: {  	_ =	shalt  }
0x72: {  	_ =	shalt  }
0x73: {  	_ =	shalt  }
0x74: {  	_ =	shalt  }
0x75: {  	_ =	shalt  }
0x76: {  	_ =	shalt  }
0x77: {  	_ =	shalt  }
0x78: {  	_ =	shalt  }
0x79: {  	_ =	shalt  }
0x7a: {  	_ =	shalt  }
0x7b: {  	_ =	shalt  }
0x7c: {  	_ =	shalt  }
0x7d: {  	_ =	shalt  }
0x7e: {  	_ =	shalt  }
0x7f: {  	_ =	shalt  }
0x80: {  	_ =	shalt  }
0x81: {  	_ =	shalt  }
0x82: {  	_ =	shalt  }
0x83: {  	_ =	shalt  }
0x84: {  	_ =	shalt  }
0x85: {  	_ =	shalt  }
0x86: {  	_ =	shalt  }
0x87: {  	_ =	shalt  }
.Lfunc_end0:
.L_simem_size_0:
called_computation_lowered:
.L_overlay_start_0:
0x88: {  	s2 =	sld [smem:$0x3FD9]  }
0x89: {  	s3 =	sld [smem:$0x3FFE];
	_ =	sdelay $0x1  }
0x8a: {  	s1 =	srdreg.scid  }
0x8b: {  	s0 =	sand.u32 $0x1, s1  }
0x8c: {  	s17 =	sshll.u32 s0, $0xA;
	s2 =	sadd.s32 s3, s2  }
0x8d: {  	s2 =	sadd.s32 s2, s17  }
0x8e: {  	[smem:$0x3FA4] =	sst s2  }
0x8f: {  	_ = 	snop  }
0x90: {  	(tm) =	ssettm $0x1  }
0x91: {  	s18 =	sld [smem:$0x3FFB];
	_ =	sdelay $0x3  }
0x92: {  	_ =	strace s18  }
0x93: {  	s2 =	sld [smem:$0x3FFC];
	_ =	sdelay $0x3  }
0x94: {  	_ =	strace s2  }
0x95: {  	s2 =	sld [smem:$0x3FFD];
	_ =	sdelay $0x3  }
0x96: {  	_ =	strace s2  }
0x97: {  	_ =	strace $0x8FFFFFFF  }
0x98: {  	s19 =	sld [smem:$0x3FDB];
	_ =	sdelay $0x1  }
0x99: {  	s20 =	simm.s32 $_scs_section_size  }
0x9a: {  	s4 =	simm.s32 $_size__tile_overlayer_lowered;
	s5 =	simm.s32 $_tile_overlayer_lowered  }
0x9b: {  	s6 =	simm.s32 $0x1BFF;
	s21 =	sshll.u32 s5, $0x1;
	s3 =	sadd.s32 s20, s19  }
0x9c: {  	s22 =	simm.s32 $0x0;
	s4 =	sshll.u32 s4, $0x1;
	s5 =	sadd.s32 s21, s3  }
0x9d: {  	[timem:s22], [sflag:s6] =	dma.local [hbm:s5], s4  }
0x9e: {  	_ =	swait.ge [sflag:s6], s4  }
0x9f: {  	s4 =	ssub.s32 $0x0, s4;
	[sflag:s6] =	ssyncset.done $0x0  }
0xa0: {  	[sflag:s6] =	ssyncadd.s32 s4;
	_ =	sdelay $0x1  }
0xa1: {  	s23 =	simm.s32 $0x1B8B  }
0xa2: {  	_ =	swait.ge [sflag:s23], $0x1  }
0xa3: {  	[sflag:s23] =	ssyncset.done $0x0  }
0xa4: {  	[sflag:s23] =	ssyncadd.s32 $0xFFFFFFFF  }
0xa5: {  	s4 =	sld [smem:$0x0]  }
0xa6: {  	s5 =	sand.u32 $0xFFFFFFFE, s1  }
0xa7: {  	p0 =	sne.s32 s1, s5  }
0xa8: {  	s5 =	sshll.u32 @p0 s5, $0xE  }
0xa9: {  	s5 =	sadd.s32 @p0 $0x11B8D, s5;
	s6 =	sshll.u32 @p0 s4, $0x11  }
0xaa: {  	s5 =	sor.u32 @p0 s6, s5  }
0xab: {  	[sflag:s5] =	ssyncadd.remote.s32 @p0 $0x1;
	_ =	sdelay $0x1  }
0xac: {  	s5 =	simm.s32 @p0 $0x1B8D  }
0xad: {  	_ =	swait.eq @p0 [sflag:s5], $0x1  }
0xae: {  	[sflag:s5] =	ssyncadd.s32 @p0 $0xFFFFFFFF  }
0xaf: {  	s6 =	sshll.u32 @!p0 s1, $0xE  }
0xb0: {  	s6 =	sor.u32 @!p0 $0x4000, s6;
	s5 =	simm.s32 @!p0 $0x1B8D  }
0xb1: {  	s4 =	sshll.u32 @!p0 s4, $0x11;
	s6 =	sadd.s32 @!p0 $0x11B8D, s6;
	_ =	swait.eq @!p0 [sflag:s5], $0x1  }
0xb2: {  	s4 =	sor.u32 @!p0 s4, s6;
	[sflag:s5] =	ssyncadd.s32 @!p0 $0xFFFFFFFF  }
0xb3: {  	s25 =	simm.s32 $0x1B8E;
	s24 =	sld [smem:$0x3FFE];
	[sflag:s4] =	ssyncadd.remote.s32 @!p0 $0x1  }
0xb4: {  	s26 =	simm.s32 $execute0_lowered;
	[smem:$0x3FD2] =	sst s25  }
0xb5: {  	s5 =	sshll.u32 s26, $0x1;
	_ =	strace $0x80000049;
	[dreg:$0x1] =	wrdreg $0xFFFFFFFF  }
0xb6: {  	s28 =	simm.s32 $_size_execute0_lowered;
	s3 =	sadd.s32 s3, s5;
	[dreg:$0x0] =	wrdreg $0x0  }
0xb7: {  	s5 =	sshll.u32 s28, $0x1;
	[dreg:$0x2] =	wrdreg s3  }
0xb8: {  	[dreg:$0x3] =	wrdreg s5  }
0xb9: {  	[dreg:$0x4] =	wrdreg $0xC0  }
0xba: {  	_ =	task [dreg:s22], $0x5FFFF  }
0xbb: {  	[dreg:$0x1] =	wrdreg $0xFFFFFFFF  }
0xbc: {  	[dreg:$0x0] =	wrdreg $0x60  }
0xbd: {  	[dreg:$0x2] =	wrdreg s24  }
0xbe: {  	[dreg:$0x3] =	wrdreg $0x9  }
0xbf: {  	_ =	task.clear_ibuf [dreg:s22], $0x4FFFF;
	_ =	strace $0x90000049  }
0xc0: {  	s29 =	simm.s32 $0x9;
	_ =	strace $0x8000004B  }
0xc1: {  	_ =	swait.ge [sflag:s29], $0x1  }
0xc2: {  	[sflag:s29] =	ssyncadd.s32 $0xFFFFFFFF  }
0xc3: {  	_ =	strace $0x9000004B  }
0xc4: {  	_ =	sfence  }
0xc5: {  	s30 =	sld [smem:$0x0];
	_ =	sdelay $0x2  }
0xc6: {  	s31 =	sshll.u32 s1, $0xD;
	s1 =	sshrl.u32 s1, $0x2  }
0xc7: {  	s4 =	sand.u32 $0x4000, s31;
	s1 =	sadd.s32 s1, s30  }
0xc8: {  	s0 =	sor.u32 s4, s0;
	s1 =	sshll.u32 s1, $0x11  }
0xc9: {  	s0 =	sor.u32 s1, s0  }
0xca: {  	s0 =	sadd.s32 $0x8F2B, s0  }
0xcb: {  	[sflag:s0] =	ssyncadd.remote.s32 $0x1  }
0xcc: {  	_ =	sfence.sel $0xFFFF  }
0xcd: {  	[dreg:$0x0] =	wrdreg $0xFFFFFFFF;
	(pc) =	sbr.abs _section_cstart, $3  }
0xce: {  	[dreg:$0x1] =	wrdreg $0xFFFFFFFF  }
0xcf: {  	_ =	task.clear_ibuf [dreg:s22], $0x2FFFF;
	_ =	strace $0x9FFFFFFF  }
0xd0: {  	(tm) =	ssettm $0x7FFFFFFF  }
0xd1: {  	_ =	shalt  }
tec
execute0_lowered:
.L_overlay_start_1:
0x0: {  	(tag) =	ssettag $0x1  }
0x1: {  	s8 =	rddreg [dreg:$0x0]  }
0x2: {  	s0 =	rddreg [dreg:$0x1];
	_ =	strace $0x8000004A;
	s1 =	stileid.u32  }
0x3: {  	s3 =	srdreg.scid;
	s4 =	simm.s32 $0x1;
	s7 =	simm.s32 $0x1  }
0x4: {  	s9 =	simm.s32 $0x1;
	s10 =	simm.s32 $0x3;
	s13 =	simm.s32 $0x0  }
0x5: {  	s12 =	simm.s32 $0x0;
	s5 =	sand.u32 $0x1, s3;
	s6 =	sshll.u32 s1, $0x1  }
0x6: {  	s2 =	sadd.s32 $0x6000, s8;
	s3 =	sadd.s32 $0x19C00, s8;
	s5 =	sor.u32 s6, s5  }
.Ltmp0:
0x7: {  	[sflag:s4] =	ssyncpa.u1 $0x0;
	p0 =	slt.u32 s5, $0x9;
	(pc) =	sbr.rel .LBB2_1-.Ltmp0, $4  }
0x8: {  	s6 =	simm.s32 $0x2;
	s7 =	simm.s32 @!p0 $0x0;
	p0 =	sne.s32 s5, $0x8  }
0x9: {  	[sflag:s6] =	ssyncpa.u1 $0x0;
	s5 =	smul.u32 $0x1F40, s5;
	s9 =	simm.s32 @!p0 $0x0  }
0xa: {  	s8 =	sadd.s32 $0x2D800, s8;
	[sflag:s10] =	ssyncpa.u1 $0x0;
	s7 =	sadd.s32 s9, s7  }
0xb: {  	vm0 =	vmmov $0xffff;
	s10 =	simm.s32 $0x0;
	s11 =	smov.u32 s5;
	s9 =	sadd.s32 $0x1, s7  }
.LBB2_4:
0xc: {  	v2 =	vnsel vm1, $0x0, v2  }
0xd: {  	vm1 =	vgt.s32 v0, $0x0;
	v2 =	vmin.u32 v2, $0x4E1FF  }
0xe: {  	v0 =	vnsel vm1, $0x0, v0  }
0xf: {  	v0 =	vmin.u32 v0, $0x4E1FF  }
0x10: {  	[tilespmem:s18], [sflag:$0x1] =	stream.indirect_vreg.gather [hbm4b:s2+s10], $0x1, v1, vm0, $0x4038;
	[tilespmem:$0x7D00] =	vst v63  }
0x11: {  	(ifvalue) =	ssetifvalue $0x7FFFFFFF  }
0x12: {  	[tilespmem:s15], [sflag:$0x1] =	stream.indirect_vreg.gather [hbm4b:s2+s10], $0x1, v2, vm0, $0x4038;
	[tilespmem:$0x7D00] =	vst v63  }
0x13: {  	s29 =	sadd.s32 $0x10, s15;
	(ifvalue) =	ssetifvalue $0x7FFFFFFF  }
0x14: {  	[tilespmem:s29], [sflag:$0x1] =	stream.indirect_vreg.gather [hbm4b:s2+s10], $0x1, v0, vm0, $0x4038;
	[tilespmem:$0x7D00] =	vst v63  }
0x15: {  	_ =	swait.ge [sflag:s4], $0x1F40  }
0x16: {  	s30 =	sshrl.u32 s13, $0x3;
	[sflag:s4] =	ssyncset.done $0x0  }
0x17: {  	s31 =	sand.u32 $0x7, s13;
	s15 =	sadd.s32 s8, s30;
	[sflag:s4] =	ssyncadd.s32 $0xFFFFE0C0  }
0x18: {  	[hbm4b:s15+s31] =	stream.linear.scatter [tilespmem:s14], [sflag:$0x3], $0x1F40, $0x38;
	[tilespmem:$0x7D00] =	vst v63  }
.LBB2_5:
0x19: {  	s15 =	sadd.s32 $0x3E800, s11  }
0x1a: {  	p1 =	sgt.s32 s15, $0x4E1FF  }
0x1b: {  	s15 =	smov.u32 @p1 s5;
	p1 =	sne.s32 s12, s9  }
.Ltmp1:
0x1c: {  	p0 =	slt.u32 s12, $0x2;
	(pc) =	sbr.rel @!p1 .LBB2_6-.Ltmp1, $4  }
0x1d: {  	s14 =	simm.s32 @!p0 $0x3  }
0x1e: {  	_ =	swait.ge @!p0 [sflag:s14], $0x1F40  }
0x1f: {  	s16 =	sadd.s32 $0x1, s12;
	s13 =	smov.u32 s11;
	[sflag:s14] =	ssyncset.done @!p0 $0x0  }
0x20: {  	s12 =	smov.u32 s16;
	s11 =	smov.u32 s15;
	[sflag:s14] =	ssyncadd.s32 @!p0 $0xFFFFE0C0  }
.LBB2_1:
0x21: {  	p0 =	sge.u32 s12, s7  }
0x22: {  	s14 =	sxor.u32 @!p0 $0x1, s12  }
0x23: {  	s14 =	smul.u32 @!p0 $0x7D00, s14  }
0x24: {  	s31 =	sadd.s32 $0xFFFFFFFF, s12;
	s15 =	sshrl.u32 @!p0 s11, $0x3  }
0x25: {  	s16 =	sand.u32 @!p0 $0x7, s11;
	s15 =	sadd.s32 @!p0 s3, s15;
	s14 =	sshra.s32 @!p0 s14, $0x2  }
0x26: {  	[tilespmem:s14], [sflag:$0x2] =	stream.linear.gather @!p0 [hbm4b:s15+s16], $0x1F40, $0x38;
	[tilespmem:$0x7D00] =	vst v63  }
0x27: {  	p0 =	sge.u32 s31, s7  }
.Ltmp2:
0x28: {  	_ = 	snop;
	(pc) =	sbr.rel @p0 .LBB2_5-.Ltmp2, $1  }
0x29: {  	_ =	sdelay $0x3  }
0x2a: {  	s14 =	sand.u32 $0x1, s12  }
0x2b: {  	_ =	swait.ge [sflag:s6], $0x1F40;
	p0 =	seq.s32 s14, $0x1;
	s14 =	simm.s32 $0x1F40  }
0x2c: {  	[sflag:s6] =	ssyncset.done $0x0;
	s14 =	simm.s32 @!p0 $0x0  }
0x2d: {  	[sflag:s6] =	ssyncadd.s32 $0xFFFFE0C0;
	(ifvalue) =	ssetifvalue $0x7FFFFFFF;
	v0 =	vld.msk [tilespmem:s14+$0x0 ss:$0x1], $0xffff;
	_ =	sdelay $0x4  }
0x2e: {  	s15 =	sadd.s32 $0x10, s14;
	vm1 =	vgt.s32 v0, $0x0  }
0x2f: {  	v2 =	vld.msk [tilespmem:s15+$0x0 ss:$0x1], $0xffff;
	v1 =	vnsel vm1, $0x0, v0  }
0x30: {  	v1 =	vmin.u32 v1, $0x4E1FF;
	_ =	sdelay $0x2  }
0x31: {  	s17 =	simm.s32 $0x20;
	s14 =	sadd.s32 $0x3E80, s14;
	s16 =	sadd.s32 $0x10, s15  }
0x32: {  	s15 =	sadd.s32 $0x10, s14;
	s18 =	smov.u32 s14;
	v0 =	vld.msk [tilespmem:s16+$0x0 ss:$0x1], $0xffff;
	vm1 =	vgt.s32 v2, $0x0;
	(ifvalue) =	ssetifvalue $0x7FFFFFFF  }
.LBB2_3:
0x33: {  	[tilespmem:s18], [sflag:$0x1] =	stream.indirect_vreg.gather [hbm4b:s2+s10], $0x1, v1, vm0, $0x4038;
	[tilespmem:$0x7D00] =	vst v63  }
0x34: {  	s17 =	sadd.s32 $0x10, s17  }
0x35: {  	v2 =	vnsel vm1, $0x0, v2;
	p0 =	slt.u32 s17, $0x1F30  }
.Ltmp3:
0x36: {  	s18 =	smov.u32 s15;
	v1 =	vmin.u32 v2, $0x4E1FF;
	(pc) =	sbr.rel @p0 .LBB2_3-.Ltmp3, $3  }
0x37: {  	_ =	sdelay $0x1  }
0x38: {  	s16 =	sadd.s32 $0x10, s16  }
0x39: {  	vm1 =	vgt.s32 v0, $0x0;
	s15 =	sadd.s32 $0x10, s15;
	v2 =	vmov v0;
	(ifvalue) =	ssetifvalue $0x7FFFFFFF;
	v0 =	vld.msk [tilespmem:s16+$0x0 ss:$0x1], $0xffff  }
.Ltmp4:
0x3a: {  	_ = 	snop;
	(pc) =	sbr.rel .LBB2_4-.Ltmp4, $1  }
0x3b: {  	_ =	sdelay $0x3  }
.LBB2_6:
0x3c: {  	_ =	sfence.sel $0x180000  }
0x3d: {  	s2 =	simm.s32 $0x2;
	[bflag:$0x0] =	sbarrier.arrive $0xFFFF  }
0x3e: {  	s30 =	simm.s32 $0x3;
	[sflag:s2] =	ssyncpa.u1 $0x1  }
0x3f: {  	s31 =	simm.s32 $0x1;
	[sflag:s30] =	ssyncpa.u1 $0x1  }
0x40: {  	[sflag:s31] =	ssyncpa.u1 $0x1  }
0x41: {  	p0 =	sne.s32 s1, $0x0;
	_ =	strace $0x9000004A  }
0x42: {  	s0 =	sadd.s32 @!p0 $0x100000, s0;
	[bflag:$0x2] =	sbarrier.arrive $0xFFFF  }
0x43: {  	[sflag:s0] =	ssyncadd.tile.s32 @!p0 $0x1;
	_ =	shalt  }
.Lfunc_end2:
_tile_overlayer_lowered:
.L_overlay_start_2:
0x44: {  	(tag) =	ssettag $0x2  }
0x45: {  	s0 =	rddreg [dreg:$0x0];
	s2 =	stileid.u32  }
0x46: {  	s1 =	rddreg [dreg:$0x1];
	p0 =	sne.s32 s2, $0x0  }
0x47: {  	s3 =	rddreg [dreg:$0x2];
	[bflag:$0x3] =	sbarrier.arrive $0xFFFF;
	s2 =	simm.s32 @!p0 $0x1C01  }
0x48: {  	[timem:s3], [sflag:s2] =	dma.local @!p0 [hbm:s0], s1  }
0x49: {  	s0 =	simm.s32 @!p0 $0x1  }
0x4a: {  	_ =	swait.ge @!p0 [sflag:s0], s1  }
0x4b: {  	s1 =	ssub.s32 @!p0 $0x0, s1;
	[sflag:s0] =	ssyncset.done @!p0 $0x0  }
0x4c: {  	[sflag:s0] =	ssyncadd.s32 @!p0 s1  }
0x4d: {  	[bflag:$0x3] =	sbarrier.arrive $0xFFFF  }
0x4e: {  	_ =	shalt  }

// kernel: kernel.22.cloned.1.call-start
scs
__scs_entry_jumppad:
0x0: {  	(pc) =	sbr.rel $0x88, $3  }
0x1: {  	(tag) =	ssettag $0x0;
	lr =	simm.s32 $0x1  }
0x2: {  	[smem:$0x3F7D] =	sst lr;
	_ =	strace $0xD0000000  }
0x3: {  	_ = 	snop  }
0x4: {  	_ = 	snop  }
0x5: {  	_ = 	snop  }
0x6: {  	_ = 	snop  }
0x7: {  	_ = 	snop  }
__scs_overlays_trampoline_lowered:
0x8: {  	[smem:$0x3F8C] =	sst s0  }
0x9: {  	[smem:$0x3F8D] =	sst s1  }
0xa: {  	[smem:$0x3F8E] =	sst s2  }
0xb: {  	[smem:$0x3F8F] =	sst s3  }
0xc: {  	[smem:$0x3F90] =	sst s4  }
0xd: {  	[smem:$0x3F91] =	sst s5  }
0xe: {  	[smem:$0x3F92] =	sst s6  }
0xf: {  	[smem:$0x3F93] =	sst s7  }
0x10: {  	[smem:$0x3F94] =	sst s8  }
0x11: {  	[smem:$0x3F95] =	sst s9;
	s0 =	simm.s32 @!p0 $0x0  }
0x12: {  	s1 =	sld [smem:$0x3F7B];
	s0 =	simm.s32 @p0 $0x1  }
0x13: {  	[smem:$0x3F96] =	sst s0;
	s0 =	simm.s32 @!p1 $0x0  }
0x14: {  	s2 =	sld [smem:$0x3F7A];
	s0 =	simm.s32 @p1 $0x1  }
0x15: {  	[smem:$0x3F97] =	sst s0;
	s0 =	simm.s32 @!p2 $0x0  }
0x16: {  	s3 =	sld [smem:$0x3FDB];
	s0 =	simm.s32 @p2 $0x1  }
0x17: {  	s4 =	simm.s32 $0x1BF5;
	[smem:$0x3F99] =	sst s0  }
0x18: {  	s0 =	sld [smem:$0x3F7C];
	_ =	swait.ge [sflag:s4], $0x0  }
0x19: {  	s7 =	sld [smem:$0x3F7D]  }
0x1a: {  	s8 =	sadd.s32 $0xFFFFE003, lr  }
0x1b: {  	s9 =	sadd.s32 $0xFFFFFEF7, lr;
	s5 =	simm.s32 $0xFFFFFFFF;
	p2 =	slt.u32 s8, $0xFFFFF086  }
0x1c: {  	p1 =	slt.u32 s9, $0xF7A;
	s5 =	simm.s32 @!p2 $0x0  }
0x1d: {  	s5 =	simm.s32 @p1 $0x1;
	p0 =	seq.s32 s7, s2  }
0x1e: {  	s7 =	smul.u32 @!p0 $0xF7A, s2;
	p2 =	seq.s32 @!p0 s5, $0x0  }
0x1f: {  	s9 =	smul.u32 $0xF7A, s1;
	s8 =	simm.s32 @!p0 $0x1BF5;
	p2 =	por !p2, p0  }
0x20: {  	[sflag:s8] =	ssyncset.s32 @!p0 $0xFFFFF086;
	s6 =	sadd.s32 @!p0 s3, s7;
	s7 =	simm.s32 @!p0 $0x108  }
0x21: {  	s3 =	sadd.s32 s3, s9;
	s6 =	sadd.s32 @!p0 $0x88, s6;
	s7 =	simm.s32 @p2 $0x1082  }
0x22: {  	[simem:s7], [sflag:s8] =	dma.local @!p0 [hbm:s6], $0xF7A  }
0x23: {  	s9 =	sor.u32 $0xD0000000, s2;
	s6 =	simm.s32 $0x108;
	_ =	swait.ge @!p0 [sflag:s8], $0x0  }
0x24: {  	s3 =	sadd.s32 $0x88, s3;
	s6 =	simm.s32 @!p1 $0x1082;
	[sflag:s4] =	ssyncset.s32 $0xFFFFF086  }
0x25: {  	[simem:s6], [sflag:s4] =	dma.local [hbm:s3], $0xF7A  }
0x26: {  	[smem:$0x3F7D] =	sst s1;
	(tag) =	ssettag s2;
	_ =	strace s9  }
0x27: {  	s1 =	sld [smem:$0x3F8D]  }
0x28: {  	s2 =	sld [smem:$0x3F8E]  }
0x29: {  	s4 =	sld [smem:$0x3F90]  }
0x2a: {  	p0 =	seq.s32 s5, $0x0;
	s5 =	sld [smem:$0x3F91]  }
0x2b: {  	s6 =	sld [smem:$0x3F92]  }
0x2c: {  	s7 =	sld [smem:$0x3F93]  }
0x2d: {  	s3 =	simm.s32 $0x108;
	s8 =	sld [smem:$0x3F94]  }
0x2e: {  	s3 =	simm.s32 @!p0 $0x1082;
	s9 =	sld [smem:$0x3F95]  }
0x2f: {  	lr =	sadd.s32 s0, s3;
	s0 =	sld [smem:$0x3F8C]  }
0x30: {  	s3 =	sld [smem:$0x3F8F]  }
0x31: {  	[smem:$0x3F98] =	sst s10  }
0x32: {  	s10 =	sld [smem:$0x3F96];
	_ =	sdelay $0x3  }
0x33: {  	p0 =	seq.s32 s10, $0x1;
	s10 =	sld [smem:$0x3F98];
	_ =	sdelay $0x3  }
0x34: {  	[smem:$0x3F98] =	sst s10  }
0x35: {  	s10 =	sld [smem:$0x3F97];
	_ =	sdelay $0x3  }
0x36: {  	p1 =	seq.s32 s10, $0x1;
	s10 =	sld [smem:$0x3F98];
	_ =	sdelay $0x3  }
0x37: {  	[smem:$0x3F98] =	sst s10  }
0x38: {  	s10 =	sld [smem:$0x3F99]  }
0x39: {  	_ = 	snop;
	(pc) =	sbr.ind lr, $3  }
0x3a: {  	_ = 	snop  }
0x3b: {  	_ = 	snop  }
0x3c: {  	p2 =	seq.s32 s10, $0x1;
	s10 =	sld [smem:$0x3F98]  }
0x3d: {  	_ =	shalt  }
0x3e: {  	_ =	shalt  }
0x3f: {  	_ =	shalt  }
0x40: {  	_ =	shalt  }
0x41: {  	_ =	shalt  }
0x42: {  	_ =	shalt  }
0x43: {  	_ =	shalt  }
0x44: {  	_ =	shalt  }
0x45: {  	_ =	shalt  }
0x46: {  	_ =	shalt  }
0x47: {  	_ =	shalt  }
0x48: {  	_ =	shalt  }
0x49: {  	_ =	shalt  }
0x4a: {  	_ =	shalt  }
0x4b: {  	_ =	shalt  }
0x4c: {  	_ =	shalt  }
0x4d: {  	_ =	shalt  }
0x4e: {  	_ =	shalt  }
0x4f: {  	_ =	shalt  }
0x50: {  	_ =	shalt  }
0x51: {  	_ =	shalt  }
0x52: {  	_ =	shalt  }
0x53: {  	_ =	shalt  }
0x54: {  	_ =	shalt  }
0x55: {  	_ =	shalt  }
0x56: {  	_ =	shalt  }
0x57: {  	_ =	shalt  }
0x58: {  	_ =	shalt  }
0x59: {  	_ =	shalt  }
0x5a: {  	_ =	shalt  }
0x5b: {  	_ =	shalt  }
0x5c: {  	_ =	shalt  }
0x5d: {  	_ =	shalt  }
0x5e: {  	_ =	shalt  }
0x5f: {  	_ =	shalt  }
0x60: {  	_ =	shalt  }
0x61: {  	_ =	shalt  }
0x62: {  	_ =	shalt  }
0x63: {  	_ =	shalt  }
0x64: {  	_ =	shalt  }
0x65: {  	_ =	shalt  }
0x66: {  	_ =	shalt  }
0x67: {  	_ =	shalt  }
0x68: {  	_ =	shalt  }
0x69: {  	_ =	shalt  }
0x6a: {  	_ =	shalt  }
0x6b: {  	_ =	shalt  }
0x6c: {  	_ =	shalt  }
0x6d: {  	_ =	shalt  }
0x6e: {  	_ =	shalt  }
0x6f: {  	_ =	shalt  }
0x70: {  	_ =	shalt  }
0x71: {  	_ =	shalt  }
0x72: {  	_ =	shalt  }
0x73: {  	_ =	shalt  }
0x74: {  	_ =	shalt  }
0x75: {  	_ =	shalt  }
0x76: {  	_ =	shalt  }
0x77: {  	_ =	shalt  }
0x78: {  	_ =	shalt  }
0x79: {  	_ =	shalt  }
0x7a: {  	_ =	shalt  }
0x7b: {  	_ =	shalt  }
0x7c: {  	_ =	shalt  }
0x7d: {  	_ =	shalt  }
0x7e: {  	_ =	shalt  }
0x7f: {  	_ =	shalt  }
0x80: {  	_ =	shalt  }
0x81: {  	_ =	shalt  }
0x82: {  	_ =	shalt  }
0x83: {  	_ =	shalt  }
0x84: {  	_ =	shalt  }
0x85: {  	_ =	shalt  }
0x86: {  	_ =	shalt  }
0x87: {  	_ =	shalt  }
.Lfunc_end0:
.L_simem_size_0:
called_computation.2_lowered:
.L_overlay_start_0:
0x88: {  	s2 =	sld [smem:$0x3FD9]  }
0x89: {  	s3 =	sld [smem:$0x3FFE];
	_ =	sdelay $0x1  }
0x8a: {  	s1 =	srdreg.scid  }
0x8b: {  	s0 =	sand.u32 $0x1, s1  }
0x8c: {  	s17 =	sshll.u32 s0, $0xA;
	s2 =	sadd.s32 s3, s2  }
0x8d: {  	s2 =	sadd.s32 s2, s17  }
0x8e: {  	[smem:$0x3FA4] =	sst s2  }
0x8f: {  	_ = 	snop  }
0x90: {  	s2 =	sld [smem:$0x3FC9];
	(tm) =	ssettm $0x1  }
0x91: {  	s18 =	sld [smem:$0x3FFB];
	_ =	sdelay $0x3  }
0x92: {  	_ =	strace s18  }
0x93: {  	s3 =	sld [smem:$0x3FFC];
	_ =	sdelay $0x3  }
0x94: {  	_ =	strace s3  }
0x95: {  	s3 =	sld [smem:$0x3FFD];
	_ =	sdelay $0x3  }
0x96: {  	_ =	strace s3  }
0x97: {  	_ =	strace $0x8FFFFFFF  }
0x98: {  	s19 =	sld [smem:$0x3FDB];
	_ =	sdelay $0x1  }
0x99: {  	s4 =	simm.s32 $_scs_section_size  }
0x9a: {  	s5 =	simm.s32 $_size__tile_overlayer_lowered;
	s6 =	simm.s32 $_tile_overlayer_lowered  }
0x9b: {  	s22 =	simm.s32 $0x1BFF;
	s21 =	sshll.u32 s6, $0x1;
	s3 =	sadd.s32 s4, s19  }
0x9c: {  	s7 =	simm.s32 $0x0;
	s20 =	sshll.u32 s5, $0x1;
	s5 =	sadd.s32 s21, s3  }
0x9d: {  	[timem:s7], [sflag:s22] =	dma.local [hbm:s5], s20  }
0x9e: {  	_ =	swait.ge [sflag:s22], s20  }
0x9f: {  	s4 =	ssub.s32 $0x0, s20;
	[sflag:s22] =	ssyncset.done $0x0  }
0xa0: {  	[sflag:s22] =	ssyncadd.s32 s4;
	_ =	sdelay $0x1  }
0xa1: {  	s23 =	simm.s32 $0x1B8B  }
0xa2: {  	_ =	swait.ge [sflag:s23], $0x1  }
0xa3: {  	[sflag:s23] =	ssyncset.done $0x0  }
0xa4: {  	s25 =	simm.s32 $0x1B8E;
	s24 =	sld [smem:$0x3FFE];
	[sflag:s23] =	ssyncadd.s32 $0xFFFFFFFF  }
0xa5: {  	s26 =	simm.s32 $execute0_lowered;
	[smem:$0x3FD2] =	sst s25  }
0xa6: {  	s5 =	sshll.u32 s26, $0x1;
	_ =	strace $0x8000004C;
	[dreg:$0x1] =	wrdreg $0xFFFFFFFF  }
0xa7: {  	s28 =	simm.s32 $_size_execute0_lowered;
	s3 =	sadd.s32 s3, s5;
	[dreg:$0x0] =	wrdreg $0x0  }
0xa8: {  	s5 =	sshll.u32 s28, $0x1;
	[dreg:$0x2] =	wrdreg s3  }
0xa9: {  	[dreg:$0x3] =	wrdreg s5  }
0xaa: {  	[dreg:$0x4] =	wrdreg $0xC0  }
0xab: {  	_ =	task [dreg:s7], $0x5FFFF  }
0xac: {  	[dreg:$0x1] =	wrdreg $0xFFFFFFFF  }
0xad: {  	[dreg:$0x0] =	wrdreg $0x60  }
0xae: {  	[dreg:$0x2] =	wrdreg s2  }
0xaf: {  	[dreg:$0x3] =	wrdreg s24  }
0xb0: {  	[dreg:$0x4] =	wrdreg $0x90000  }
0xb1: {  	[dreg:$0x5] =	wrdreg $0x9  }
0xb2: {  	_ =	task.clear_ibuf [dreg:s7], $0x6FFFF;
	_ =	strace $0x9000004C  }
0xb3: {  	s29 =	simm.s32 $0x9;
	_ =	strace $0x8000004E  }
0xb4: {  	_ =	swait.ge [sflag:s29], $0x1  }
0xb5: {  	[sflag:s29] =	ssyncadd.s32 $0xFFFFFFFF  }
0xb6: {  	_ =	strace $0x9000004E  }
0xb7: {  	_ =	sfence  }
0xb8: {  	s30 =	sld [smem:$0x0];
	_ =	sdelay $0x2  }
0xb9: {  	s31 =	sshll.u32 s1, $0xD;
	s1 =	sshrl.u32 s1, $0x2  }
0xba: {  	s3 =	sand.u32 $0x4000, s31;
	s1 =	sadd.s32 s1, s30  }
0xbb: {  	s0 =	sor.u32 s3, s0;
	s1 =	sshll.u32 s1, $0x11  }
0xbc: {  	s0 =	sor.u32 s1, s0  }
0xbd: {  	s0 =	sadd.s32 $0x8F2B, s0  }
0xbe: {  	[sflag:s0] =	ssyncadd.remote.s32 $0x1  }
0xbf: {  	_ =	sfence.sel $0xFFFF  }
0xc0: {  	[dreg:$0x0] =	wrdreg $0xFFFFFFFF;
	(pc) =	sbr.abs _section_cstart, $3  }
0xc1: {  	[dreg:$0x1] =	wrdreg $0xFFFFFFFF  }
0xc2: {  	_ =	task.clear_ibuf [dreg:s7], $0x2FFFF;
	_ =	strace $0x9FFFFFFF  }
0xc3: {  	(tm) =	ssettm $0x7FFFFFFF  }
tec
execute0_lowered:
.L_overlay_start_1:
0x0: {  	(tag) =	ssettag $0x1  }
0x1: {  	s2 =	rddreg [dreg:$0x0]  }
0x2: {  	s6 =	rddreg [dreg:$0x1]  }
0x3: {  	s0 =	srdreg.scid;
	s3 =	rddreg [dreg:$0x2];
	s4 =	simm.s32 $0x0  }
0x4: {  	s14 =	simm.s32 $0x7D;
	s15 =	simm.s32 $0x5000;
	s5 =	sand.u32 $0x1, s0  }
0x5: {  	s16 =	simm.s32 $0x0;
	s0 =	stileid.u32;
	s8 =	smul.u32 $0x140000, s5  }
0x6: {  	[smem:$0x7FF] =	sst s4;
	s1 =	sshll.u32 s5, $0x4;
	s9 =	smul.u32 $0x14000, s0  }
0x7: {  	s26 =	ssub.s32 $0x2, s5;
	s28 =	smul.u32 $0x50000, s0;
	s5 =	sadd.s32 $0x10000, s6  }
0x8: {  	s31 =	sshll.u32 s0, $0x6;
	s1 =	sor.u32 s0, s1;
	s29 =	sshrl.u32 s26, $0x1  }
0x9: {  	s7 =	smul.u32 $0x500, s1;
	s1 =	rddreg [dreg:$0x3];
	_ =	strace $0x8000004D  }
0xa: {  	s25 =	sadd.s32 s9, s8;
	s12 =	ssub.s32 s26, s29;
	s30 =	sshrl.u32 s28, $0x2  }
0xb: {  	s13 =	sadd.s32 s30, s3;
	s10 =	sadd.s32 s7, s6;
	s7 =	sshrl.u32 s25, $0x3  }
0xc: {  	s11 =	sadd.s32 s7, s6;
	s6 =	sor.u32 $0x1C01, s31;
	s7 =	sadd.s32 $0x6000, s10  }
0xd: {  	s8 =	sadd.s32 $0x37600, s10;
	s10 =	smax.u32 s12, $0x1;
	s12 =	simm.s32 $0x1  }
0xe: {  	s9 =	sadd.s32 $0x41600, s11;
	s11 =	sshrl.u32 s13, $0x3;
	s13 =	simm.s32 $0x2800  }
.LBB2_1:
0xf: {  	[spmem:s11], [sflag:s6] =	dma.local [hbm:s5], $0x2800  }
0x10: {  	_ =	swait.ge [sflag:s12], $0x2800  }
0x11: {  	[sflag:s12] =	ssyncset.done $0x0  }
0x12: {  	[sflag:s12] =	ssyncadd.s32 $0xFFFFD800  }
0x13: {  	[tilespmem:s4], [sflag:$0x1] =	stream.linear.gather [hbm4b:s7+s4], $0x2800, $0x38;
	[tilespmem:$0x1D000] =	vst v63  }
0x14: {  	_ =	swait.ge [sflag:s12], $0x2800  }
0x15: {  	[sflag:s12] =	ssyncset.done $0x0  }
0x16: {  	[sflag:s12] =	ssyncadd.s32 $0xFFFFD800  }
0x17: {  	[tilespmem:s13], [sflag:$0x1] =	stream.linear.gather [hbm4b:s8+s4], $0x2800, $0x38;
	[tilespmem:$0x1D000] =	vst v63  }
0x18: {  	_ =	swait.ge [sflag:s12], $0x2800  }
0x19: {  	[sflag:s12] =	ssyncset.done $0x0  }
0x1a: {  	[sflag:s12] =	ssyncadd.s32 $0xFFFFD800  }
0x1b: {  	s17 =	simm.s32 $0x0;
	[bflag:$0x0] =	sbarrier.arrive $0xFFFF  }
0x1c: {  	[tilespmem:s15], [sflag:$0x1] =	stream.indirect.gather [hbm4b:s2+s14], $0x80, s17, s14, $0xb8;
	[tilespmem:$0x1D000] =	vst v63  }
0x1d: {  	_ =	swait.ge [sflag:s12], $0x3E80  }
0x1e: {  	[sflag:s12] =	ssyncset.done $0x0  }
0x1f: {  	s31 =	simm.s32 $0x2800;
	[sflag:s12] =	ssyncadd.s32 $0xFFFFC180  }
0x20: {  	[spmem:s3] =	stream.indirect.scatter.add.f32 [tilespmem:s15], [sflag:$0x1], $0x80, s31, s14, $0xb8;
	[tilespmem:$0x1D000] =	vst v63  }
0x21: {  	_ =	swait.ge [sflag:s12], $0x3E80  }
0x22: {  	s18 =	simm.s32 $0x400;
	s17 =	simm.s32 $0x200;
	[sflag:s12] =	ssyncset.done $0x0  }
.LBB2_2:
0x23: {  	s19 =	sshra.s32 s17, $0x2  }
0x24: {  	[sflag:s12] =	ssyncadd.s32 $0xFFFFC180;
	s17 =	smov.u32 s18;
	s20 =	sadd.s32 $0x200, s18  }
0x25: {  	[tilespmem:s15], [sflag:$0x1] =	stream.indirect.gather [hbm4b:s2+s14], $0x80, s19, s14, $0xb8;
	[tilespmem:$0x1D000] =	vst v63  }
0x26: {  	p0 =	sne.s32 s18, $0x9E00;
	_ =	swait.ge [sflag:s12], $0x3E80  }
.Ltmp0:
0x27: {  	[sflag:s12] =	ssyncset.done $0x0;
	(pc) =	sbr.rel @p0 .LBB2_2-.Ltmp0, $4  }
0x28: {  	s18 =	sadd.s32 $0x2800, s19;
	[sflag:s12] =	ssyncadd.s32 $0xFFFFC180  }
0x29: {  	[spmem:s3] =	stream.indirect.scatter.add.f32 [tilespmem:s15], [sflag:$0x1], $0x80, s18, s14, $0xb8;
	[tilespmem:$0x1D000] =	vst v63  }
0x2a: {  	_ =	swait.ge [sflag:s12], $0x3E80  }
0x2b: {  	s18 =	smov.u32 s20;
	[sflag:s12] =	ssyncset.done $0x0  }
0x2c: {  	s17 =	sshra.s32 s17, $0x2;
	[sflag:s12] =	ssyncadd.s32 $0xFFFFC180  }
0x2d: {  	[tilespmem:s15], [sflag:$0x1] =	stream.indirect.gather [hbm4b:s2+s14], $0x80, s17, s14, $0xb8;
	[tilespmem:$0x1D000] =	vst v63  }
0x2e: {  	_ =	swait.ge [sflag:s12], $0x3E80  }
0x2f: {  	[sflag:s12] =	ssyncset.done $0x0  }
0x30: {  	s17 =	sadd.s32 $0x2800, s17;
	[sflag:s12] =	ssyncadd.s32 $0xFFFFC180  }
0x31: {  	[spmem:s3] =	stream.indirect.scatter.add.f32 [tilespmem:s15], [sflag:$0x1], $0x80, s17, s14, $0xb8;
	[tilespmem:$0x1D000] =	vst v63  }
0x32: {  	_ =	swait.ge [sflag:s12], $0x3E80  }
0x33: {  	s16 =	sadd.s32 $0x1, s16;
	[sflag:s12] =	ssyncset.done $0x0  }
0x34: {  	p0 =	sne.s32 s16, s10;
	[sflag:s12] =	ssyncadd.s32 $0xFFFFC180  }
.Ltmp1:
0x35: {  	[bflag:$0x0] =	sbarrier.arrive $0xFFFF;
	(pc) =	sbr.rel @p0 .LBB2_1-.Ltmp1, $4  }
0x36: {  	[hbm:s9], [sflag:s6] =	dma.local [spmem:s11], $0x2800  }
0x37: {  	_ =	swait.ge [sflag:s12], $0x2800  }
0x38: {  	[sflag:s12] =	ssyncset.done $0x0  }
0x39: {  	[sflag:s12] =	ssyncadd.s32 $0xFFFFD800  }
0x3a: {  	_ =	sfence.sel $0x180000  }
0x3b: {  	[bflag:$0x0] =	sbarrier.arrive $0xFFFF  }
0x3c: {  	p0 =	sne.s32 s0, $0x0;
	_ =	strace $0x9000004D  }
0x3d: {  	s0 =	sadd.s32 @!p0 $0x100000, s1;
	[bflag:$0x2] =	sbarrier.arrive $0xFFFF  }
0x3e: {  	[sflag:s0] =	ssyncadd.tile.s32 @!p0 $0x1;
	_ =	shalt  }
.Lfunc_end2:
_tile_overlayer_lowered:
.L_overlay_start_2:
0x3f: {  	(tag) =	ssettag $0x2  }
0x40: {  	s0 =	rddreg [dreg:$0x0];
	s2 =	stileid.u32  }
0x41: {  	s1 =	rddreg [dreg:$0x1];
	p0 =	sne.s32 s2, $0x0  }
0x42: {  	s3 =	rddreg [dreg:$0x2];
	[bflag:$0x3] =	sbarrier.arrive $0xFFFF;
	s2 =	simm.s32 @!p0 $0x1C01  }
0x43: {  	[timem:s3], [sflag:s2] =	dma.local @!p0 [hbm:s0], s1  }
0x44: {  	s0 =	simm.s32 @!p0 $0x1  }
0x45: {  	_ =	swait.ge @!p0 [sflag:s0], s1  }
0x46: {  	s1 =	ssub.s32 @!p0 $0x0, s1;
	[sflag:s0] =	ssyncset.done @!p0 $0x0  }
0x47: {  	[sflag:s0] =	ssyncadd.s32 @!p0 s1  }
0x48: {  	[bflag:$0x3] =	sbarrier.arrive $0xFFFF  }
0x49: {  	_ =	shalt  }

// kernel: kernel.25.cloned.1.call-start
scs
__scs_entry_jumppad:
0x0: {  	(pc) =	sbr.rel $0x88, $3  }
0x1: {  	(tag) =	ssettag $0x0;
	lr =	simm.s32 $0x1  }
0x2: {  	[smem:$0x3F7D] =	sst lr;
	_ =	strace $0xD0000000  }
0x3: {  	_ = 	snop  }
0x4: {  	_ = 	snop  }
0x5: {  	_ = 	snop  }
0x6: {  	_ = 	snop  }
0x7: {  	_ = 	snop  }
__scs_overlays_trampoline_lowered:
0x8: {  	[smem:$0x3F8C] =	sst s0  }
0x9: {  	[smem:$0x3F8D] =	sst s1  }
0xa: {  	[smem:$0x3F8E] =	sst s2  }
0xb: {  	[smem:$0x3F8F] =	sst s3  }
0xc: {  	[smem:$0x3F90] =	sst s4  }
0xd: {  	[smem:$0x3F91] =	sst s5  }
0xe: {  	[smem:$0x3F92] =	sst s6  }
0xf: {  	[smem:$0x3F93] =	sst s7  }
0x10: {  	[smem:$0x3F94] =	sst s8  }
0x11: {  	[smem:$0x3F95] =	sst s9;
	s0 =	simm.s32 @!p0 $0x0  }
0x12: {  	s1 =	sld [smem:$0x3F7B];
	s0 =	simm.s32 @p0 $0x1  }
0x13: {  	[smem:$0x3F96] =	sst s0;
	s0 =	simm.s32 @!p1 $0x0  }
0x14: {  	s2 =	sld [smem:$0x3F7A];
	s0 =	simm.s32 @p1 $0x1  }
0x15: {  	[smem:$0x3F97] =	sst s0;
	s0 =	simm.s32 @!p2 $0x0  }
0x16: {  	s3 =	sld [smem:$0x3FDB];
	s0 =	simm.s32 @p2 $0x1  }
0x17: {  	s4 =	simm.s32 $0x1BF5;
	[smem:$0x3F99] =	sst s0  }
0x18: {  	s0 =	sld [smem:$0x3F7C];
	_ =	swait.ge [sflag:s4], $0x0  }
0x19: {  	s7 =	sld [smem:$0x3F7D]  }
0x1a: {  	s8 =	sadd.s32 $0xFFFFE003, lr  }
0x1b: {  	s9 =	sadd.s32 $0xFFFFFEF7, lr;
	s5 =	simm.s32 $0xFFFFFFFF;
	p2 =	slt.u32 s8, $0xFFFFF086  }
0x1c: {  	p1 =	slt.u32 s9, $0xF7A;
	s5 =	simm.s32 @!p2 $0x0  }
0x1d: {  	s5 =	simm.s32 @p1 $0x1;
	p0 =	seq.s32 s7, s2  }
0x1e: {  	s7 =	smul.u32 @!p0 $0xF7A, s2;
	p2 =	seq.s32 @!p0 s5, $0x0  }
0x1f: {  	s9 =	smul.u32 $0xF7A, s1;
	s8 =	simm.s32 @!p0 $0x1BF5;
	p2 =	por !p2, p0  }
0x20: {  	[sflag:s8] =	ssyncset.s32 @!p0 $0xFFFFF086;
	s6 =	sadd.s32 @!p0 s3, s7;
	s7 =	simm.s32 @!p0 $0x108  }
0x21: {  	s3 =	sadd.s32 s3, s9;
	s6 =	sadd.s32 @!p0 $0x88, s6;
	s7 =	simm.s32 @p2 $0x1082  }
0x22: {  	[simem:s7], [sflag:s8] =	dma.local @!p0 [hbm:s6], $0xF7A  }
0x23: {  	s9 =	sor.u32 $0xD0000000, s2;
	s6 =	simm.s32 $0x108;
	_ =	swait.ge @!p0 [sflag:s8], $0x0  }
0x24: {  	s3 =	sadd.s32 $0x88, s3;
	s6 =	simm.s32 @!p1 $0x1082;
	[sflag:s4] =	ssyncset.s32 $0xFFFFF086  }
0x25: {  	[simem:s6], [sflag:s4] =	dma.local [hbm:s3], $0xF7A  }
0x26: {  	[smem:$0x3F7D] =	sst s1;
	(tag) =	ssettag s2;
	_ =	strace s9  }
0x27: {  	s1 =	sld [smem:$0x3F8D]  }
0x28: {  	s2 =	sld [smem:$0x3F8E]  }
0x29: {  	s4 =	sld [smem:$0x3F90]  }
0x2a: {  	p0 =	seq.s32 s5, $0x0;
	s5 =	sld [smem:$0x3F91]  }
0x2b: {  	s6 =	sld [smem:$0x3F92]  }
0x2c: {  	s7 =	sld [smem:$0x3F93]  }
0x2d: {  	s3 =	simm.s32 $0x108;
	s8 =	sld [smem:$0x3F94]  }
0x2e: {  	s3 =	simm.s32 @!p0 $0x1082;
	s9 =	sld [smem:$0x3F95]  }
0x2f: {  	lr =	sadd.s32 s0, s3;
	s0 =	sld [smem:$0x3F8C]  }
0x30: {  	s3 =	sld [smem:$0x3F8F]  }
0x31: {  	[smem:$0x3F98] =	sst s10  }
0x32: {  	s10 =	sld [smem:$0x3F96];
	_ =	sdelay $0x3  }
0x33: {  	p0 =	seq.s32 s10, $0x1;
	s10 =	sld [smem:$0x3F98];
	_ =	sdelay $0x3  }
0x34: {  	[smem:$0x3F98] =	sst s10  }
0x35: {  	s10 =	sld [smem:$0x3F97];
	_ =	sdelay $0x3  }
0x36: {  	p1 =	seq.s32 s10, $0x1;
	s10 =	sld [smem:$0x3F98];
	_ =	sdelay $0x3  }
0x37: {  	[smem:$0x3F98] =	sst s10  }
0x38: {  	s10 =	sld [smem:$0x3F99]  }
0x39: {  	_ = 	snop;
	(pc) =	sbr.ind lr, $3  }
0x3a: {  	_ = 	snop  }
0x3b: {  	_ = 	snop  }
0x3c: {  	p2 =	seq.s32 s10, $0x1;
	s10 =	sld [smem:$0x3F98]  }
0x3d: {  	_ =	shalt  }
0x3e: {  	_ =	shalt  }
0x3f: {  	_ =	shalt  }
0x40: {  	_ =	shalt  }
0x41: {  	_ =	shalt  }
0x42: {  	_ =	shalt  }
0x43: {  	_ =	shalt  }
0x44: {  	_ =	shalt  }
0x45: {  	_ =	shalt  }
0x46: {  	_ =	shalt  }
0x47: {  	_ =	shalt  }
0x48: {  	_ =	shalt  }
0x49: {  	_ =	shalt  }
0x4a: {  	_ =	shalt  }
0x4b: {  	_ =	shalt  }
0x4c: {  	_ =	shalt  }
0x4d: {  	_ =	shalt  }
0x4e: {  	_ =	shalt  }
0x4f: {  	_ =	shalt  }
0x50: {  	_ =	shalt  }
0x51: {  	_ =	shalt  }
0x52: {  	_ =	shalt  }
0x53: {  	_ =	shalt  }
0x54: {  	_ =	shalt  }
0x55: {  	_ =	shalt  }
0x56: {  	_ =	shalt  }
0x57: {  	_ =	shalt  }
0x58: {  	_ =	shalt  }
0x59: {  	_ =	shalt  }
0x5a: {  	_ =	shalt  }
0x5b: {  	_ =	shalt  }
0x5c: {  	_ =	shalt  }
0x5d: {  	_ =	shalt  }
0x5e: {  	_ =	shalt  }
0x5f: {  	_ =	shalt  }
0x60: {  	_ =	shalt  }
0x61: {  	_ =	shalt  }
0x62: {  	_ =	shalt  }
0x63: {  	_ =	shalt  }
0x64: {  	_ =	shalt  }
0x65: {  	_ =	shalt  }
0x66: {  	_ =	shalt  }
0x67: {  	_ =	shalt  }
0x68: {  	_ =	shalt  }
0x69: {  	_ =	shalt  }
0x6a: {  	_ =	shalt  }
0x6b: {  	_ =	shalt  }
0x6c: {  	_ =	shalt  }
0x6d: {  	_ =	shalt  }
0x6e: {  	_ =	shalt  }
0x6f: {  	_ =	shalt  }
0x70: {  	_ =	shalt  }
0x71: {  	_ =	shalt  }
0x72: {  	_ =	shalt  }
0x73: {  	_ =	shalt  }
0x74: {  	_ =	shalt  }
0x75: {  	_ =	shalt  }
0x76: {  	_ =	shalt  }
0x77: {  	_ =	shalt  }
0x78: {  	_ =	shalt  }
0x79: {  	_ =	shalt  }
0x7a: {  	_ =	shalt  }
0x7b: {  	_ =	shalt  }
0x7c: {  	_ =	shalt  }
0x7d: {  	_ =	shalt  }
0x7e: {  	_ =	shalt  }
0x7f: {  	_ =	shalt  }
0x80: {  	_ =	shalt  }
0x81: {  	_ =	shalt  }
0x82: {  	_ =	shalt  }
0x83: {  	_ =	shalt  }
0x84: {  	_ =	shalt  }
0x85: {  	_ =	shalt  }
0x86: {  	_ =	shalt  }
0x87: {  	_ =	shalt  }
.Lfunc_end0:
.L_simem_size_0:
called_computation.3_lowered:
.L_overlay_start_0:
0x88: {  	s2 =	sld [smem:$0x3FD9]  }
0x89: {  	s3 =	sld [smem:$0x3FFE];
	_ =	sdelay $0x1  }
0x8a: {  	s1 =	srdreg.scid  }
0x8b: {  	s0 =	sand.u32 $0x1, s1  }
0x8c: {  	s16 =	sshll.u32 s0, $0xA;
	s2 =	sadd.s32 s3, s2  }
0x8d: {  	s2 =	sadd.s32 s2, s16  }
0x8e: {  	[smem:$0x3FA4] =	sst s2  }
0x8f: {  	_ = 	snop  }
0x90: {  	(tm) =	ssettm $0x1  }
0x91: {  	s17 =	sld [smem:$0x3FFB];
	_ =	sdelay $0x3  }
0x92: {  	_ =	strace s17  }
0x93: {  	s2 =	sld [smem:$0x3FFC];
	_ =	sdelay $0x3  }
0x94: {  	_ =	strace s2  }
0x95: {  	s2 =	sld [smem:$0x3FFD];
	_ =	sdelay $0x3  }
0x96: {  	_ =	strace s2  }
0x97: {  	_ =	strace $0x8FFFFFFF  }
0x98: {  	s18 =	sld [smem:$0x3FDB];
	_ =	sdelay $0x1  }
0x99: {  	s19 =	simm.s32 $_scs_section_size  }
0x9a: {  	s4 =	simm.s32 $_size__tile_overlayer_lowered;
	s5 =	simm.s32 $_tile_overlayer_lowered  }
0x9b: {  	s22 =	simm.s32 $0x1BFF;
	s21 =	sshll.u32 s5, $0x1;
	s2 =	sadd.s32 s19, s18  }
0x9c: {  	s6 =	simm.s32 $0x0;
	s20 =	sshll.u32 s4, $0x1;
	s4 =	sadd.s32 s21, s2  }
0x9d: {  	[timem:s6], [sflag:s22] =	dma.local [hbm:s4], s20  }
0x9e: {  	_ =	swait.ge [sflag:s22], s20  }
0x9f: {  	s3 =	ssub.s32 $0x0, s20;
	[sflag:s22] =	ssyncset.done $0x0  }
0xa0: {  	[sflag:s22] =	ssyncadd.s32 s3;
	_ =	sdelay $0x1  }
0xa1: {  	s23 =	simm.s32 $0x1B8B  }
0xa2: {  	_ =	swait.ge [sflag:s23], $0x1  }
0xa3: {  	[sflag:s23] =	ssyncset.done $0x0  }
0xa4: {  	s25 =	simm.s32 $0x1B8E;
	s24 =	sld [smem:$0x3FFE];
	[sflag:s23] =	ssyncadd.s32 $0xFFFFFFFF  }
0xa5: {  	s26 =	simm.s32 $execute0_lowered;
	[smem:$0x3FD2] =	sst s25  }
0xa6: {  	s4 =	sshll.u32 s26, $0x1;
	_ =	strace $0x8000004F;
	[dreg:$0x1] =	wrdreg $0xFFFFFFFF  }
0xa7: {  	s28 =	simm.s32 $_size_execute0_lowered;
	s2 =	sadd.s32 s2, s4;
	[dreg:$0x0] =	wrdreg $0x0  }
0xa8: {  	s4 =	sshll.u32 s28, $0x1;
	[dreg:$0x2] =	wrdreg s2  }
0xa9: {  	[dreg:$0x3] =	wrdreg s4  }
0xaa: {  	[dreg:$0x4] =	wrdreg $0xC0  }
0xab: {  	_ =	task [dreg:s6], $0x5FFFF  }
0xac: {  	[dreg:$0x1] =	wrdreg $0xFFFFFFFF  }
0xad: {  	[dreg:$0x0] =	wrdreg $0x60  }
0xae: {  	[dreg:$0x2] =	wrdreg s24  }
0xaf: {  	[dreg:$0x3] =	wrdreg $0x90000  }
0xb0: {  	[dreg:$0x4] =	wrdreg $0x9  }
0xb1: {  	_ =	task.clear_ibuf [dreg:s6], $0x5FFFF;
	_ =	strace $0x9000004F  }
0xb2: {  	s29 =	simm.s32 $0x9;
	_ =	strace $0x80000051  }
0xb3: {  	_ =	swait.ge [sflag:s29], $0x1  }
0xb4: {  	[sflag:s29] =	ssyncadd.s32 $0xFFFFFFFF  }
0xb5: {  	_ =	strace $0x90000051  }
0xb6: {  	_ =	sfence  }
0xb7: {  	s30 =	sld [smem:$0x0];
	_ =	sdelay $0x2  }
0xb8: {  	s31 =	sshll.u32 s1, $0xD;
	s1 =	sshrl.u32 s1, $0x2  }
0xb9: {  	s3 =	sand.u32 $0x4000, s31;
	s1 =	sadd.s32 s1, s30  }
0xba: {  	s0 =	sor.u32 s3, s0;
	s1 =	sshll.u32 s1, $0x11  }
0xbb: {  	s0 =	sor.u32 s1, s0  }
0xbc: {  	s0 =	sadd.s32 $0x8F2B, s0  }
0xbd: {  	[sflag:s0] =	ssyncadd.remote.s32 $0x1  }
0xbe: {  	_ =	sfence.sel $0xFFFF  }
0xbf: {  	[dreg:$0x0] =	wrdreg $0xFFFFFFFF;
	(pc) =	sbr.abs _section_cstart, $3  }
0xc0: {  	[dreg:$0x1] =	wrdreg $0xFFFFFFFF  }
0xc1: {  	_ =	task.clear_ibuf [dreg:s6], $0x2FFFF;
	_ =	strace $0x9FFFFFFF  }
0xc2: {  	(tm) =	ssettm $0x7FFFFFFF  }
0xc3: {  	_ =	shalt  }
tec
execute0_lowered:
.L_overlay_start_1:
0x0: {  	(tag) =	ssettag $0x1  }
0x1: {  	s0 =	srdreg.scid;
	s6 =	rddreg [dreg:$0x0]  }
0x2: {  	s2 =	rddreg [dreg:$0x1];
	s3 =	simm.s32 $0x0;
	s14 =	simm.s32 $0x7D  }
0x3: {  	s15 =	simm.s32 $0x5000;
	s5 =	sand.u32 $0x1, s0;
	s0 =	stileid.u32  }
0x4: {  	s16 =	simm.s32 $0x0;
	[smem:$0x7FF] =	sst s3;
	s8 =	smul.u32 $0x140000, s5  }
0x5: {  	s4 =	sadd.s32 $0x41600, s6;
	s1 =	sshll.u32 s5, $0x4;
	s9 =	smul.u32 $0x14000, s0  }
0x6: {  	s26 =	ssub.s32 $0x2, s5;
	s28 =	smul.u32 $0x50000, s0;
	s5 =	sadd.s32 $0x10000, s6  }
0x7: {  	s31 =	sshll.u32 s0, $0x6;
	s1 =	sor.u32 s0, s1;
	s29 =	sshrl.u32 s26, $0x1  }
0x8: {  	s7 =	smul.u32 $0x500, s1;
	s1 =	rddreg [dreg:$0x2];
	_ =	strace $0x80000050  }
0x9: {  	s25 =	sadd.s32 s9, s8;
	s12 =	ssub.s32 s26, s29;
	s30 =	sshrl.u32 s28, $0x2  }
0xa: {  	s13 =	sadd.s32 s30, s2;
	s10 =	sadd.s32 s7, s6;
	s7 =	sshrl.u32 s25, $0x3  }
0xb: {  	s11 =	sadd.s32 s7, s6;
	s6 =	sor.u32 $0x1C01, s31;
	s7 =	sadd.s32 $0x6000, s10  }
0xc: {  	s8 =	sadd.s32 $0x37600, s10;
	s10 =	smax.u32 s12, $0x1;
	s12 =	simm.s32 $0x1  }
0xd: {  	s9 =	sadd.s32 $0x68800, s11;
	s11 =	sshrl.u32 s13, $0x3;
	s13 =	simm.s32 $0x2800  }
.LBB2_1:
0xe: {  	[spmem:s11], [sflag:s6] =	dma.local [hbm:s5], $0x2800  }
0xf: {  	_ =	swait.ge [sflag:s12], $0x2800  }
0x10: {  	[sflag:s12] =	ssyncset.done $0x0  }
0x11: {  	[sflag:s12] =	ssyncadd.s32 $0xFFFFD800  }
0x12: {  	[tilespmem:s3], [sflag:$0x1] =	stream.linear.gather [hbm4b:s7+s3], $0x2800, $0x38;
	[tilespmem:$0x1D000] =	vst v63  }
0x13: {  	_ =	swait.ge [sflag:s12], $0x2800  }
0x14: {  	[sflag:s12] =	ssyncset.done $0x0  }
0x15: {  	[sflag:s12] =	ssyncadd.s32 $0xFFFFD800  }
0x16: {  	[tilespmem:s13], [sflag:$0x1] =	stream.linear.gather [hbm4b:s8+s3], $0x2800, $0x38;
	[tilespmem:$0x1D000] =	vst v63  }
0x17: {  	_ =	swait.ge [sflag:s12], $0x2800  }
0x18: {  	[sflag:s12] =	ssyncset.done $0x0  }
0x19: {  	[sflag:s12] =	ssyncadd.s32 $0xFFFFD800  }
0x1a: {  	s17 =	simm.s32 $0x0;
	[bflag:$0x0] =	sbarrier.arrive $0xFFFF  }
0x1b: {  	[tilespmem:s15], [sflag:$0x1] =	stream.indirect.gather [hbm4b:s4+s14], $0x80, s17, s14, $0xb8;
	[tilespmem:$0x1D000] =	vst v63  }
0x1c: {  	_ =	swait.ge [sflag:s12], $0x3E80  }
0x1d: {  	[sflag:s12] =	ssyncset.done $0x0  }
0x1e: {  	s31 =	simm.s32 $0x2800;
	[sflag:s12] =	ssyncadd.s32 $0xFFFFC180  }
0x1f: {  	[spmem:s2] =	stream.indirect.scatter.add.f32 [tilespmem:s15], [sflag:$0x1], $0x80, s31, s14, $0xb8;
	[tilespmem:$0x1D000] =	vst v63  }
0x20: {  	_ =	swait.ge [sflag:s12], $0x3E80  }
0x21: {  	s18 =	simm.s32 $0x400;
	s17 =	simm.s32 $0x200;
	[sflag:s12] =	ssyncset.done $0x0  }
.LBB2_2:
0x22: {  	s19 =	sshra.s32 s17, $0x2  }
0x23: {  	[sflag:s12] =	ssyncadd.s32 $0xFFFFC180;
	s17 =	smov.u32 s18;
	s20 =	sadd.s32 $0x200, s18  }
0x24: {  	[tilespmem:s15], [sflag:$0x1] =	stream.indirect.gather [hbm4b:s4+s14], $0x80, s19, s14, $0xb8;
	[tilespmem:$0x1D000] =	vst v63  }
0x25: {  	p0 =	sne.s32 s18, $0x9E00;
	_ =	swait.ge [sflag:s12], $0x3E80  }
.Ltmp0:
0x26: {  	[sflag:s12] =	ssyncset.done $0x0;
	(pc) =	sbr.rel @p0 .LBB2_2-.Ltmp0, $4  }
0x27: {  	s18 =	sadd.s32 $0x2800, s19;
	[sflag:s12] =	ssyncadd.s32 $0xFFFFC180  }
0x28: {  	[spmem:s2] =	stream.indirect.scatter.add.f32 [tilespmem:s15], [sflag:$0x1], $0x80, s18, s14, $0xb8;
	[tilespmem:$0x1D000] =	vst v63  }
0x29: {  	_ =	swait.ge [sflag:s12], $0x3E80  }
0x2a: {  	s18 =	smov.u32 s20;
	[sflag:s12] =	ssyncset.done $0x0  }
0x2b: {  	s17 =	sshra.s32 s17, $0x2;
	[sflag:s12] =	ssyncadd.s32 $0xFFFFC180  }
0x2c: {  	[tilespmem:s15], [sflag:$0x1] =	stream.indirect.gather [hbm4b:s4+s14], $0x80, s17, s14, $0xb8;
	[tilespmem:$0x1D000] =	vst v63  }
0x2d: {  	_ =	swait.ge [sflag:s12], $0x3E80  }
0x2e: {  	[sflag:s12] =	ssyncset.done $0x0  }
0x2f: {  	s17 =	sadd.s32 $0x2800, s17;
	[sflag:s12] =	ssyncadd.s32 $0xFFFFC180  }
0x30: {  	[spmem:s2] =	stream.indirect.scatter.add.f32 [tilespmem:s15], [sflag:$0x1], $0x80, s17, s14, $0xb8;
	[tilespmem:$0x1D000] =	vst v63  }
0x31: {  	_ =	swait.ge [sflag:s12], $0x3E80  }
0x32: {  	s16 =	sadd.s32 $0x1, s16;
	[sflag:s12] =	ssyncset.done $0x0  }
0x33: {  	p0 =	sne.s32 s16, s10;
	[sflag:s12] =	ssyncadd.s32 $0xFFFFC180  }
.Ltmp1:
0x34: {  	[bflag:$0x0] =	sbarrier.arrive $0xFFFF;
	(pc) =	sbr.rel @p0 .LBB2_1-.Ltmp1, $4  }
0x35: {  	[hbm:s9], [sflag:s6] =	dma.local [spmem:s11], $0x2800  }
0x36: {  	_ =	swait.ge [sflag:s12], $0x2800  }
0x37: {  	[sflag:s12] =	ssyncset.done $0x0  }
0x38: {  	[sflag:s12] =	ssyncadd.s32 $0xFFFFD800  }
0x39: {  	_ =	sfence.sel $0x180000  }
0x3a: {  	[bflag:$0x0] =	sbarrier.arrive $0xFFFF  }
0x3b: {  	p0 =	sne.s32 s0, $0x0;
	_ =	strace $0x90000050  }
0x3c: {  	s0 =	sadd.s32 @!p0 $0x100000, s1;
	[bflag:$0x2] =	sbarrier.arrive $0xFFFF  }
0x3d: {  	[sflag:s0] =	ssyncadd.tile.s32 @!p0 $0x1;
	_ =	shalt  }
.Lfunc_end2:
_tile_overlayer_lowered:
.L_overlay_start_2:
0x3e: {  	(tag) =	ssettag $0x2  }
0x3f: {  	s0 =	rddreg [dreg:$0x0];
	s2 =	stileid.u32  }
0x40: {  	s1 =	rddreg [dreg:$0x1];
	p0 =	sne.s32 s2, $0x0  }
0x41: {  	s3 =	rddreg [dreg:$0x2];
	[bflag:$0x3] =	sbarrier.arrive $0xFFFF;
	s2 =	simm.s32 @!p0 $0x1C01  }
0x42: {  	[timem:s3], [sflag:s2] =	dma.local @!p0 [hbm:s0], s1  }
0x43: {  	s0 =	simm.s32 @!p0 $0x1  }
0x44: {  	_ =	swait.ge @!p0 [sflag:s0], s1  }
0x45: {  	s1 =	ssub.s32 @!p0 $0x0, s1;
	[sflag:s0] =	ssyncset.done @!p0 $0x0  }
0x46: {  	[sflag:s0] =	ssyncadd.s32 @!p0 s1  }
0x47: {  	[bflag:$0x3] =	sbarrier.arrive $0xFFFF  }
0x48: {  	_ =	shalt  }

// kernel: kernel.28.cloned.1.call-start
scs
__scs_entry_jumppad:
0x0: {  	(pc) =	sbr.rel $0x88, $3  }
0x1: {  	(tag) =	ssettag $0x0;
	lr =	simm.s32 $0x1  }
0x2: {  	[smem:$0x3F7D] =	sst lr;
	_ =	strace $0xD0000000  }
0x3: {  	_ = 	snop  }
0x4: {  	_ = 	snop  }
0x5: {  	_ = 	snop  }
0x6: {  	_ = 	snop  }
0x7: {  	_ = 	snop  }
__scs_overlays_trampoline_lowered:
0x8: {  	[smem:$0x3F8C] =	sst s0  }
0x9: {  	[smem:$0x3F8D] =	sst s1  }
0xa: {  	[smem:$0x3F8E] =	sst s2  }
0xb: {  	[smem:$0x3F8F] =	sst s3  }
0xc: {  	[smem:$0x3F90] =	sst s4  }
0xd: {  	[smem:$0x3F91] =	sst s5  }
0xe: {  	[smem:$0x3F92] =	sst s6  }
0xf: {  	[smem:$0x3F93] =	sst s7  }
0x10: {  	[smem:$0x3F94] =	sst s8  }
0x11: {  	[smem:$0x3F95] =	sst s9;
	s0 =	simm.s32 @!p0 $0x0  }
0x12: {  	s1 =	sld [smem:$0x3F7B];
	s0 =	simm.s32 @p0 $0x1  }
0x13: {  	[smem:$0x3F96] =	sst s0;
	s0 =	simm.s32 @!p1 $0x0  }
0x14: {  	s2 =	sld [smem:$0x3F7A];
	s0 =	simm.s32 @p1 $0x1  }
0x15: {  	[smem:$0x3F97] =	sst s0;
	s0 =	simm.s32 @!p2 $0x0  }
0x16: {  	s3 =	sld [smem:$0x3FDB];
	s0 =	simm.s32 @p2 $0x1  }
0x17: {  	s4 =	simm.s32 $0x1BF5;
	[smem:$0x3F99] =	sst s0  }
0x18: {  	s0 =	sld [smem:$0x3F7C];
	_ =	swait.ge [sflag:s4], $0x0  }
0x19: {  	s7 =	sld [smem:$0x3F7D]  }
0x1a: {  	s8 =	sadd.s32 $0xFFFFE003, lr  }
0x1b: {  	s9 =	sadd.s32 $0xFFFFFEF7, lr;
	s5 =	simm.s32 $0xFFFFFFFF;
	p2 =	slt.u32 s8, $0xFFFFF086  }
0x1c: {  	p1 =	slt.u32 s9, $0xF7A;
	s5 =	simm.s32 @!p2 $0x0  }
0x1d: {  	s5 =	simm.s32 @p1 $0x1;
	p0 =	seq.s32 s7, s2  }
0x1e: {  	s7 =	smul.u32 @!p0 $0xF7A, s2;
	p2 =	seq.s32 @!p0 s5, $0x0  }
0x1f: {  	s9 =	smul.u32 $0xF7A, s1;
	s8 =	simm.s32 @!p0 $0x1BF5;
	p2 =	por !p2, p0  }
0x20: {  	[sflag:s8] =	ssyncset.s32 @!p0 $0xFFFFF086;
	s6 =	sadd.s32 @!p0 s3, s7;
	s7 =	simm.s32 @!p0 $0x108  }
0x21: {  	s3 =	sadd.s32 s3, s9;
	s6 =	sadd.s32 @!p0 $0x88, s6;
	s7 =	simm.s32 @p2 $0x1082  }
0x22: {  	[simem:s7], [sflag:s8] =	dma.local @!p0 [hbm:s6], $0xF7A  }
0x23: {  	s9 =	sor.u32 $0xD0000000, s2;
	s6 =	simm.s32 $0x108;
	_ =	swait.ge @!p0 [sflag:s8], $0x0  }
0x24: {  	s3 =	sadd.s32 $0x88, s3;
	s6 =	simm.s32 @!p1 $0x1082;
	[sflag:s4] =	ssyncset.s32 $0xFFFFF086  }
0x25: {  	[simem:s6], [sflag:s4] =	dma.local [hbm:s3], $0xF7A  }
0x26: {  	[smem:$0x3F7D] =	sst s1;
	(tag) =	ssettag s2;
	_ =	strace s9  }
0x27: {  	s1 =	sld [smem:$0x3F8D]  }
0x28: {  	s2 =	sld [smem:$0x3F8E]  }
0x29: {  	s4 =	sld [smem:$0x3F90]  }
0x2a: {  	p0 =	seq.s32 s5, $0x0;
	s5 =	sld [smem:$0x3F91]  }
0x2b: {  	s6 =	sld [smem:$0x3F92]  }
0x2c: {  	s7 =	sld [smem:$0x3F93]  }
0x2d: {  	s3 =	simm.s32 $0x108;
	s8 =	sld [smem:$0x3F94]  }
0x2e: {  	s3 =	simm.s32 @!p0 $0x1082;
	s9 =	sld [smem:$0x3F95]  }
0x2f: {  	lr =	sadd.s32 s0, s3;
	s0 =	sld [smem:$0x3F8C]  }
0x30: {  	s3 =	sld [smem:$0x3F8F]  }
0x31: {  	[smem:$0x3F98] =	sst s10  }
0x32: {  	s10 =	sld [smem:$0x3F96];
	_ =	sdelay $0x3  }
0x33: {  	p0 =	seq.s32 s10, $0x1;
	s10 =	sld [smem:$0x3F98];
	_ =	sdelay $0x3  }
0x34: {  	[smem:$0x3F98] =	sst s10  }
0x35: {  	s10 =	sld [smem:$0x3F97];
	_ =	sdelay $0x3  }
0x36: {  	p1 =	seq.s32 s10, $0x1;
	s10 =	sld [smem:$0x3F98];
	_ =	sdelay $0x3  }
0x37: {  	[smem:$0x3F98] =	sst s10  }
0x38: {  	s10 =	sld [smem:$0x3F99]  }
0x39: {  	_ = 	snop;
	(pc) =	sbr.ind lr, $3  }
0x3a: {  	_ = 	snop  }
0x3b: {  	_ = 	snop  }
0x3c: {  	p2 =	seq.s32 s10, $0x1;
	s10 =	sld [smem:$0x3F98]  }
0x3d: {  	_ =	shalt  }
0x3e: {  	_ =	shalt  }
0x3f: {  	_ =	shalt  }
0x40: {  	_ =	shalt  }
0x41: {  	_ =	shalt  }
0x42: {  	_ =	shalt  }
0x43: {  	_ =	shalt  }
0x44: {  	_ =	shalt  }
0x45: {  	_ =	shalt  }
0x46: {  	_ =	shalt  }
0x47: {  	_ =	shalt  }
0x48: {  	_ =	shalt  }
0x49: {  	_ =	shalt  }
0x4a: {  	_ =	shalt  }
0x4b: {  	_ =	shalt  }
0x4c: {  	_ =	shalt  }
0x4d: {  	_ =	shalt  }
0x4e: {  	_ =	shalt  }
0x4f: {  	_ =	shalt  }
0x50: {  	_ =	shalt  }
0x51: {  	_ =	shalt  }
0x52: {  	_ =	shalt  }
0x53: {  	_ =	shalt  }
0x54: {  	_ =	shalt  }
0x55: {  	_ =	shalt  }
0x56: {  	_ =	shalt  }
0x57: {  	_ =	shalt  }
0x58: {  	_ =	shalt  }
0x59: {  	_ =	shalt  }
0x5a: {  	_ =	shalt  }
0x5b: {  	_ =	shalt  }
0x5c: {  	_ =	shalt  }
0x5d: {  	_ =	shalt  }
0x5e: {  	_ =	shalt  }
0x5f: {  	_ =	shalt  }
0x60: {  	_ =	shalt  }
0x61: {  	_ =	shalt  }
0x62: {  	_ =	shalt  }
0x63: {  	_ =	shalt  }
0x64: {  	_ =	shalt  }
0x65: {  	_ =	shalt  }
0x66: {  	_ =	shalt  }
0x67: {  	_ =	shalt  }
0x68: {  	_ =	shalt  }
0x69: {  	_ =	shalt  }
0x6a: {  	_ =	shalt  }
0x6b: {  	_ =	shalt  }
0x6c: {  	_ =	shalt  }
0x6d: {  	_ =	shalt  }
0x6e: {  	_ =	shalt  }
0x6f: {  	_ =	shalt  }
0x70: {  	_ =	shalt  }
0x71: {  	_ =	shalt  }
0x72: {  	_ =	shalt  }
0x73: {  	_ =	shalt  }
0x74: {  	_ =	shalt  }
0x75: {  	_ =	shalt  }
0x76: {  	_ =	shalt  }
0x77: {  	_ =	shalt  }
0x78: {  	_ =	shalt  }
0x79: {  	_ =	shalt  }
0x7a: {  	_ =	shalt  }
0x7b: {  	_ =	shalt  }
0x7c: {  	_ =	shalt  }
0x7d: {  	_ =	shalt  }
0x7e: {  	_ =	shalt  }
0x7f: {  	_ =	shalt  }
0x80: {  	_ =	shalt  }
0x81: {  	_ =	shalt  }
0x82: {  	_ =	shalt  }
0x83: {  	_ =	shalt  }
0x84: {  	_ =	shalt  }
0x85: {  	_ =	shalt  }
0x86: {  	_ =	shalt  }
0x87: {  	_ =	shalt  }
.Lfunc_end0:
.L_simem_size_0:
called_computation.4_lowered:
.L_overlay_start_0:
0x88: {  	s2 =	sld [smem:$0x3FD9]  }
0x89: {  	s3 =	sld [smem:$0x3FFE];
	_ =	sdelay $0x1  }
0x8a: {  	s1 =	srdreg.scid  }
0x8b: {  	s0 =	sand.u32 $0x1, s1  }
0x8c: {  	s16 =	sshll.u32 s0, $0xA;
	s2 =	sadd.s32 s3, s2  }
0x8d: {  	s2 =	sadd.s32 s2, s16  }
0x8e: {  	[smem:$0x3FA4] =	sst s2  }
0x8f: {  	_ = 	snop  }
0x90: {  	(tm) =	ssettm $0x1  }
0x91: {  	s17 =	sld [smem:$0x3FFB];
	_ =	sdelay $0x3  }
0x92: {  	_ =	strace s17  }
0x93: {  	s2 =	sld [smem:$0x3FFC];
	_ =	sdelay $0x3  }
0x94: {  	_ =	strace s2  }
0x95: {  	s2 =	sld [smem:$0x3FFD];
	_ =	sdelay $0x3  }
0x96: {  	_ =	strace s2  }
0x97: {  	_ =	strace $0x8FFFFFFF  }
0x98: {  	s18 =	sld [smem:$0x3FDB];
	_ =	sdelay $0x1  }
0x99: {  	s19 =	simm.s32 $_scs_section_size  }
0x9a: {  	s4 =	simm.s32 $_size__tile_overlayer_lowered;
	s5 =	simm.s32 $_tile_overlayer_lowered  }
0x9b: {  	s22 =	simm.s32 $0x1BFF;
	s21 =	sshll.u32 s5, $0x1;
	s2 =	sadd.s32 s19, s18  }
0x9c: {  	s6 =	simm.s32 $0x0;
	s20 =	sshll.u32 s4, $0x1;
	s4 =	sadd.s32 s21, s2  }
0x9d: {  	[timem:s6], [sflag:s22] =	dma.local [hbm:s4], s20  }
0x9e: {  	_ =	swait.ge [sflag:s22], s20  }
0x9f: {  	s3 =	ssub.s32 $0x0, s20;
	[sflag:s22] =	ssyncset.done $0x0  }
0xa0: {  	[sflag:s22] =	ssyncadd.s32 s3;
	_ =	sdelay $0x1  }
0xa1: {  	s23 =	simm.s32 $0x1B8B  }
0xa2: {  	_ =	swait.ge [sflag:s23], $0x1  }
0xa3: {  	[sflag:s23] =	ssyncset.done $0x0  }
0xa4: {  	s25 =	simm.s32 $0x1B8E;
	s24 =	sld [smem:$0x3FFE];
	[sflag:s23] =	ssyncadd.s32 $0xFFFFFFFF  }
0xa5: {  	s26 =	simm.s32 $execute0_lowered;
	[smem:$0x3FD2] =	sst s25  }
0xa6: {  	s4 =	sshll.u32 s26, $0x1;
	_ =	strace $0x80000052;
	[dreg:$0x1] =	wrdreg $0xFFFFFFFF  }
0xa7: {  	s28 =	simm.s32 $_size_execute0_lowered;
	s2 =	sadd.s32 s2, s4;
	[dreg:$0x0] =	wrdreg $0x0  }
0xa8: {  	s4 =	sshll.u32 s28, $0x1;
	[dreg:$0x2] =	wrdreg s2  }
0xa9: {  	[dreg:$0x3] =	wrdreg s4  }
0xaa: {  	[dreg:$0x4] =	wrdreg $0xC0  }
0xab: {  	_ =	task [dreg:s6], $0x5FFFF  }
0xac: {  	[dreg:$0x1] =	wrdreg $0xFFFFFFFF  }
0xad: {  	[dreg:$0x0] =	wrdreg $0x60  }
0xae: {  	[dreg:$0x2] =	wrdreg s24  }
0xaf: {  	[dreg:$0x3] =	wrdreg $0x90000  }
0xb0: {  	[dreg:$0x4] =	wrdreg $0x9  }
0xb1: {  	_ =	task.clear_ibuf [dreg:s6], $0x5FFFF;
	_ =	strace $0x90000052  }
0xb2: {  	s29 =	simm.s32 $0x9;
	_ =	strace $0x80000054  }
0xb3: {  	_ =	swait.ge [sflag:s29], $0x1  }
0xb4: {  	[sflag:s29] =	ssyncadd.s32 $0xFFFFFFFF  }
0xb5: {  	_ =	strace $0x90000054  }
0xb6: {  	_ =	sfence  }
0xb7: {  	s30 =	sld [smem:$0x0];
	_ =	sdelay $0x2  }
0xb8: {  	s31 =	sshll.u32 s1, $0xD;
	s1 =	sshrl.u32 s1, $0x2  }
0xb9: {  	s3 =	sand.u32 $0x4000, s31;
	s1 =	sadd.s32 s1, s30  }
0xba: {  	s0 =	sor.u32 s3, s0;
	s1 =	sshll.u32 s1, $0x11  }
0xbb: {  	s0 =	sor.u32 s1, s0  }
0xbc: {  	s0 =	sadd.s32 $0x8F2B, s0  }
0xbd: {  	[sflag:s0] =	ssyncadd.remote.s32 $0x1  }
0xbe: {  	_ =	sfence.sel $0xFFFF  }
0xbf: {  	[dreg:$0x0] =	wrdreg $0xFFFFFFFF;
	(pc) =	sbr.abs _section_cstart, $3  }
0xc0: {  	[dreg:$0x1] =	wrdreg $0xFFFFFFFF  }
0xc1: {  	_ =	task.clear_ibuf [dreg:s6], $0x2FFFF;
	_ =	strace $0x9FFFFFFF  }
0xc2: {  	(tm) =	ssettm $0x7FFFFFFF  }
0xc3: {  	_ =	shalt  }
tec
execute0_lowered:
.L_overlay_start_1:
0x0: {  	(tag) =	ssettag $0x1  }
0x1: {  	s0 =	srdreg.scid;
	s6 =	rddreg [dreg:$0x0]  }
0x2: {  	s2 =	rddreg [dreg:$0x1];
	s3 =	simm.s32 $0x0;
	s14 =	simm.s32 $0x7D  }
0x3: {  	s15 =	simm.s32 $0x5000;
	s5 =	sand.u32 $0x1, s0;
	s0 =	stileid.u32  }
0x4: {  	s16 =	simm.s32 $0x0;
	[smem:$0x7FF] =	sst s3;
	s8 =	smul.u32 $0x140000, s5  }
0x5: {  	s4 =	sadd.s32 $0x41600, s6;
	s1 =	sshll.u32 s5, $0x4;
	s9 =	smul.u32 $0x14000, s0  }
0x6: {  	s26 =	ssub.s32 $0x2, s5;
	s28 =	smul.u32 $0x50000, s0;
	s5 =	sadd.s32 $0x10000, s6  }
0x7: {  	s31 =	sshll.u32 s0, $0x6;
	s1 =	sor.u32 s0, s1;
	s29 =	sshrl.u32 s26, $0x1  }
0x8: {  	s7 =	smul.u32 $0x500, s1;
	s1 =	rddreg [dreg:$0x2];
	_ =	strace $0x80000053  }
0x9: {  	s25 =	sadd.s32 s9, s8;
	s12 =	ssub.s32 s26, s29;
	s30 =	sshrl.u32 s28, $0x2  }
0xa: {  	s13 =	sadd.s32 s30, s2;
	s10 =	sadd.s32 s7, s6;
	s7 =	sshrl.u32 s25, $0x3  }
0xb: {  	s11 =	sadd.s32 s7, s6;
	s6 =	sor.u32 $0x1C01, s31;
	s7 =	sadd.s32 $0x6000, s10  }
0xc: {  	s8 =	sadd.s32 $0x37600, s10;
	s10 =	smax.u32 s12, $0x1;
	s12 =	simm.s32 $0x1  }
0xd: {  	s9 =	sadd.s32 $0x68800, s11;
	s11 =	sshrl.u32 s13, $0x3;
	s13 =	simm.s32 $0x2800  }
.LBB2_1:
0xe: {  	[spmem:s11], [sflag:s6] =	dma.local [hbm:s5], $0x2800  }
0xf: {  	_ =	swait.ge [sflag:s12], $0x2800  }
0x10: {  	[sflag:s12] =	ssyncset.done $0x0  }
0x11: {  	[sflag:s12] =	ssyncadd.s32 $0xFFFFD800  }
0x12: {  	[tilespmem:s3], [sflag:$0x1] =	stream.linear.gather [hbm4b:s7+s3], $0x2800, $0x38;
	[tilespmem:$0x1D000] =	vst v63  }
0x13: {  	_ =	swait.ge [sflag:s12], $0x2800  }
0x14: {  	[sflag:s12] =	ssyncset.done $0x0  }
0x15: {  	[sflag:s12] =	ssyncadd.s32 $0xFFFFD800  }
0x16: {  	[tilespmem:s13], [sflag:$0x1] =	stream.linear.gather [hbm4b:s8+s3], $0x2800, $0x38;
	[tilespmem:$0x1D000] =	vst v63  }
0x17: {  	_ =	swait.ge [sflag:s12], $0x2800  }
0x18: {  	[sflag:s12] =	ssyncset.done $0x0  }
0x19: {  	[sflag:s12] =	ssyncadd.s32 $0xFFFFD800  }
0x1a: {  	s17 =	simm.s32 $0x0;
	[bflag:$0x0] =	sbarrier.arrive $0xFFFF  }
0x1b: {  	[tilespmem:s15], [sflag:$0x1] =	stream.indirect.gather [hbm4b:s4+s14], $0x80, s17, s14, $0xb8;
	[tilespmem:$0x1D000] =	vst v63  }
0x1c: {  	_ =	swait.ge [sflag:s12], $0x3E80  }
0x1d: {  	[sflag:s12] =	ssyncset.done $0x0  }
0x1e: {  	s31 =	simm.s32 $0x2800;
	[sflag:s12] =	ssyncadd.s32 $0xFFFFC180  }
0x1f: {  	[spmem:s2] =	stream.indirect.scatter.add.f32 [tilespmem:s15], [sflag:$0x1], $0x80, s31, s14, $0xb8;
	[tilespmem:$0x1D000] =	vst v63  }
0x20: {  	_ =	swait.ge [sflag:s12], $0x3E80  }
0x21: {  	s18 =	simm.s32 $0x400;
	s17 =	simm.s32 $0x200;
	[sflag:s12] =	ssyncset.done $0x0  }
.LBB2_2:
0x22: {  	s19 =	sshra.s32 s17, $0x2  }
0x23: {  	[sflag:s12] =	ssyncadd.s32 $0xFFFFC180;
	s17 =	smov.u32 s18;
	s20 =	sadd.s32 $0x200, s18  }
0x24: {  	[tilespmem:s15], [sflag:$0x1] =	stream.indirect.gather [hbm4b:s4+s14], $0x80, s19, s14, $0xb8;
	[tilespmem:$0x1D000] =	vst v63  }
0x25: {  	p0 =	sne.s32 s18, $0x9E00;
	_ =	swait.ge [sflag:s12], $0x3E80  }
.Ltmp0:
0x26: {  	[sflag:s12] =	ssyncset.done $0x0;
	(pc) =	sbr.rel @p0 .LBB2_2-.Ltmp0, $4  }
0x27: {  	s18 =	sadd.s32 $0x2800, s19;
	[sflag:s12] =	ssyncadd.s32 $0xFFFFC180  }
0x28: {  	[spmem:s2] =	stream.indirect.scatter.add.f32 [tilespmem:s15], [sflag:$0x1], $0x80, s18, s14, $0xb8;
	[tilespmem:$0x1D000] =	vst v63  }
0x29: {  	_ =	swait.ge [sflag:s12], $0x3E80  }
0x2a: {  	s18 =	smov.u32 s20;
	[sflag:s12] =	ssyncset.done $0x0  }
0x2b: {  	s17 =	sshra.s32 s17, $0x2;
	[sflag:s12] =	ssyncadd.s32 $0xFFFFC180  }
0x2c: {  	[tilespmem:s15], [sflag:$0x1] =	stream.indirect.gather [hbm4b:s4+s14], $0x80, s17, s14, $0xb8;
	[tilespmem:$0x1D000] =	vst v63  }
0x2d: {  	_ =	swait.ge [sflag:s12], $0x3E80  }
0x2e: {  	[sflag:s12] =	ssyncset.done $0x0  }
0x2f: {  	s17 =	sadd.s32 $0x2800, s17;
	[sflag:s12] =	ssyncadd.s32 $0xFFFFC180  }
0x30: {  	[spmem:s2] =	stream.indirect.scatter.add.f32 [tilespmem:s15], [sflag:$0x1], $0x80, s17, s14, $0xb8;
	[tilespmem:$0x1D000] =	vst v63  }
0x31: {  	_ =	swait.ge [sflag:s12], $0x3E80  }
0x32: {  	s16 =	sadd.s32 $0x1, s16;
	[sflag:s12] =	ssyncset.done $0x0  }
0x33: {  	p0 =	sne.s32 s16, s10;
	[sflag:s12] =	ssyncadd.s32 $0xFFFFC180  }
.Ltmp1:
0x34: {  	[bflag:$0x0] =	sbarrier.arrive $0xFFFF;
	(pc) =	sbr.rel @p0 .LBB2_1-.Ltmp1, $4  }
0x35: {  	[hbm:s9], [sflag:s6] =	dma.local [spmem:s11], $0x2800  }
0x36: {  	_ =	swait.ge [sflag:s12], $0x2800  }
0x37: {  	[sflag:s12] =	ssyncset.done $0x0  }
0x38: {  	[sflag:s12] =	ssyncadd.s32 $0xFFFFD800  }
0x39: {  	_ =	sfence.sel $0x180000  }
0x3a: {  	[bflag:$0x0] =	sbarrier.arrive $0xFFFF  }
0x3b: {  	p0 =	sne.s32 s0, $0x0;
	_ =	strace $0x90000053  }
0x3c: {  	s0 =	sadd.s32 @!p0 $0x100000, s1;
	[bflag:$0x2] =	sbarrier.arrive $0xFFFF  }
0x3d: {  	[sflag:s0] =	ssyncadd.tile.s32 @!p0 $0x1;
	_ =	shalt  }
.Lfunc_end2:
_tile_overlayer_lowered:
.L_overlay_start_2:
0x3e: {  	(tag) =	ssettag $0x2  }
0x3f: {  	s0 =	rddreg [dreg:$0x0];
	s2 =	stileid.u32  }
0x40: {  	s1 =	rddreg [dreg:$0x1];
	p0 =	sne.s32 s2, $0x0  }
0x41: {  	s3 =	rddreg [dreg:$0x2];
	[bflag:$0x3] =	sbarrier.arrive $0xFFFF;
	s2 =	simm.s32 @!p0 $0x1C01  }
0x42: {  	[timem:s3], [sflag:s2] =	dma.local @!p0 [hbm:s0], s1  }
0x43: {  	s0 =	simm.s32 @!p0 $0x1  }
0x44: {  	_ =	swait.ge @!p0 [sflag:s0], s1  }
0x45: {  	s1 =	ssub.s32 @!p0 $0x0, s1;
	[sflag:s0] =	ssyncset.done @!p0 $0x0  }
0x46: {  	[sflag:s0] =	ssyncadd.s32 @!p0 s1  }
0x47: {  	[bflag:$0x3] =	sbarrier.arrive $0xFFFF  }
0x48: {  	_ =	shalt  }

</sc_bundles>
